<compile_context>
chip_gen: v7x
topology: tpu7x:2x2x1
jax: 0.10.2.dev20260603
libtpu: 0.0.44.dev20260713+nightly
codegen_flags: <defaults>
</compile_context>

<pallas_src>
import functools

import jax
import jax.numpy as jnp
from jax import lax
from jax.experimental import pallas as pl
from jax.experimental.pallas import tpu as pltpu
from jax.experimental.pallas import tpu_sc as plsc

N = 10000
E = 320000
D = 128
NPAD = 10240
NC = 2
NS = 16
NW = NC * NS
GK = 80
XCHUNKS = (NPAD // NW) // GK
ECH = 128
NCH = 80
HALF = NCH // 2
EPW = NCH * ECH
ROWS_PER_SUB = NPAD // NS

_mesh = plsc.VectorSubcoreMesh(core_axis_name="c", subcore_axis_name="s")


@functools.partial(
    pl.kernel,
    out_type=jax.ShapeDtypeStruct((NPAD, D), jnp.float32),
    mesh=_mesh,
    scratch_types=[
        pltpu.VMEM((XCHUNKS, GK), jnp.int32),
        pltpu.VMEM((GK, D), jnp.float32),
        pltpu.VMEM((GK, D), jnp.float32),
        pltpu.VMEM((GK, D), jnp.float32),
        pltpu.VMEM((GK, D), jnp.float32),
        pltpu.SemaphoreType.DMA((XCHUNKS,)),
    ],
)
def _sc_embed_gather(ids_hbm, embed_hbm, x_hbm, idx_v, rows0_v, rows1_v,
                     rows2_v, rows3_v, sem):
    c = lax.axis_index("c")
    s = lax.axis_index("s")
    wid = s * NC + c
    pltpu.sync_copy(ids_hbm.at[wid], idx_v)

    rows = (rows0_v, rows1_v, rows2_v, rows3_v)
    for j in range(XCHUNKS):
        pltpu.async_copy(embed_hbm.at[idx_v.at[j]], rows[j], sem.at[j])
    for j in range(XCHUNKS):
        pltpu.make_async_copy(embed_hbm.at[idx_v.at[j]], rows[j],
                              sem.at[j]).wait()
        pltpu.sync_copy(
            rows[j], x_hbm.at[pl.ds(wid * (NPAD // NW) + j * GK, GK)])


@functools.partial(
    pl.kernel,
    out_type=jax.ShapeDtypeStruct((NC, NPAD, D), jnp.float32),
    mesh=_mesh,
    scratch_types=[
        pltpu.VMEM((HALF, ECH), jnp.int32),
        pltpu.VMEM((HALF, ECH), jnp.int32),
        pltpu.VMEM((ECH, D), jnp.float32),
        pltpu.VMEM((ECH, D), jnp.float32),
        pltpu.VMEM_SHARED((NPAD, D), jnp.float32),
        pltpu.SemaphoreType.DMA((2,)),
    ],
)
def _sc_segment_sum(m_hbm, src_hbm, dst_hbm, zeros_hbm, out_hbm,
                    src_v, dst_v, rows0_v, rows1_v, agg_sh, sem):
    c = lax.axis_index("c")
    s = lax.axis_index("s")
    wid = s * NC + c
    row0 = s * ROWS_PER_SUB

    rows = (rows0_v, rows1_v)

    def issue(j, b):
        return pltpu.async_copy(m_hbm.at[src_v.at[j]], rows[b], sem.at[b])

    pltpu.sync_copy(src_hbm.at[wid, pl.ds(0, HALF)], src_v)
    issue(0, 0)
    pltpu.sync_copy(dst_hbm.at[wid, pl.ds(0, HALF)], dst_v)
    pltpu.sync_copy(zeros_hbm.at[pl.ds(row0, ROWS_PER_SUB)],
                    agg_sh.at[pl.ds(row0, ROWS_PER_SUB)])
    plsc.subcore_barrier()

    for h in range(NCH // HALF):
        if h > 0:
            pltpu.sync_copy(src_hbm.at[wid, pl.ds(h * HALF, HALF)], src_v)
            pltpu.sync_copy(dst_hbm.at[wid, pl.ds(h * HALF, HALF)], dst_v)
            issue(0, 0)

        def pair(jj, carry):
            j0 = 2 * jj
            j1 = j0 + 1
            pltpu.make_async_copy(m_hbm.at[src_v.at[j0]], rows0_v,
                                  sem.at[0]).wait()
            issue(j1, 1)
            pltpu.sync_copy(rows0_v, agg_sh.at[dst_v.at[j0]], add=True)
            pltpu.make_async_copy(m_hbm.at[src_v.at[j1]], rows1_v,
                                  sem.at[1]).wait()
            issue(j0 + 2, 0)
            pltpu.sync_copy(rows1_v, agg_sh.at[dst_v.at[j1]], add=True)
            return carry

        lax.fori_loop(0, HALF // 2 - 1, pair, 0)
        j0 = HALF - 2
        j1 = HALF - 1
        pltpu.make_async_copy(m_hbm.at[src_v.at[j0]], rows0_v,
                              sem.at[0]).wait()
        issue(j1, 1)
        pltpu.sync_copy(rows0_v, agg_sh.at[dst_v.at[j0]], add=True)
        pltpu.make_async_copy(m_hbm.at[src_v.at[j1]], rows1_v,
                              sem.at[1]).wait()
        pltpu.sync_copy(rows1_v, agg_sh.at[dst_v.at[j1]], add=True)
    plsc.subcore_barrier()
    pltpu.sync_copy(agg_sh.at[pl.ds(row0, ROWS_PER_SUB)],
                    out_hbm.at[c, pl.ds(row0, ROWS_PER_SUB)])


def _mm_body(x_ref, w_ref, o_ref):
    o_ref[...] = jnp.dot(x_ref[...], w_ref[...],
                         preferred_element_type=jnp.float32)


_BLK = 5120
_GRID = NPAD // _BLK


def _tc_matmul(x, w):
    return pl.pallas_call(
        _mm_body,
        grid=(_GRID,),
        in_specs=[
            pl.BlockSpec((_BLK, D), lambda i: (i, 0)),
            pl.BlockSpec((D, D), lambda i: (0, 0)),
        ],
        out_specs=pl.BlockSpec((_BLK, D), lambda i: (i, 0)),
        out_shape=jax.ShapeDtypeStruct((NPAD, D), jnp.float32),
    )(x, w)


def _gru_core(agg_ref, x_ref, wih_ref, whh_ref, bih_ref, bhh_ref):
    a = agg_ref[0] + agg_ref[1]
    h = x_ref[...]
    gi = lax.dot_general(a, wih_ref[...],
                         (((1,), (1,)), ((), ())),
                         preferred_element_type=jnp.float32) + bih_ref[...]
    gh = lax.dot_general(h, whh_ref[...],
                         (((1,), (1,)), ((), ())),
                         preferred_element_type=jnp.float32) + bhh_ref[...]
    r = jax.nn.sigmoid(gi[:, :D] + gh[:, :D])
    z = jax.nn.sigmoid(gi[:, D:2 * D] + gh[:, D:2 * D])
    n = jnp.tanh(gi[:, 2 * D:] + r * gh[:, 2 * D:])
    return (1.0 - z) * n + z * h


def _gru_next_body(agg_ref, x_ref, wih_ref, whh_ref, bih_ref, bhh_ref,
                   wnext_ref, xout_ref, mout_ref):
    xn = _gru_core(agg_ref, x_ref, wih_ref, whh_ref, bih_ref, bhh_ref)
    xout_ref[...] = xn
    mout_ref[...] = jnp.dot(xn, wnext_ref[...],
                            preferred_element_type=jnp.float32)


def _gru_mean_body(agg_ref, x_ref, wih_ref, whh_ref, bih_ref, bhh_ref,
                   sum_ref):
    i = pl.program_id(0)
    xn = _gru_core(agg_ref, x_ref, wih_ref, whh_ref, bih_ref, bhh_ref)
    rows = lax.broadcasted_iota(jnp.int32, (_BLK, 1), 0) + i * _BLK
    masked = jnp.where(rows < N, xn, 0.0)
    part = jnp.sum(masked, axis=0, keepdims=True)

    @pl.when(i == 0)
    def _():
        sum_ref[...] = part

    @pl.when(i > 0)
    def _():
        sum_ref[...] += part


_gru_in_specs = [
    pl.BlockSpec((NC, _BLK, D), lambda i: (0, i, 0)),
    pl.BlockSpec((_BLK, D), lambda i: (i, 0)),
    pl.BlockSpec((3 * D, D), lambda i: (0, 0)),
    pl.BlockSpec((3 * D, D), lambda i: (0, 0)),
    pl.BlockSpec((1, 3 * D), lambda i: (0, 0)),
    pl.BlockSpec((1, 3 * D), lambda i: (0, 0)),
]


def _tc_gru_next(aggs, x, w_ih, w_hh, b_ih2, b_hh2, w_next):
    return pl.pallas_call(
        _gru_next_body,
        grid=(_GRID,),
        in_specs=_gru_in_specs + [pl.BlockSpec((D, D), lambda i: (0, 0))],
        out_specs=[
            pl.BlockSpec((_BLK, D), lambda i: (i, 0)),
            pl.BlockSpec((_BLK, D), lambda i: (i, 0)),
        ],
        out_shape=[
            jax.ShapeDtypeStruct((NPAD, D), jnp.float32),
            jax.ShapeDtypeStruct((NPAD, D), jnp.float32),
        ],
    )(aggs, x, w_ih, w_hh, b_ih2, b_hh2, w_next)


def _tc_gru_mean(aggs, x, w_ih, w_hh, b_ih2, b_hh2):
    return pl.pallas_call(
        _gru_mean_body,
        grid=(_GRID,),
        in_specs=_gru_in_specs,
        out_specs=pl.BlockSpec((1, D), lambda i: (0, 0)),
        out_shape=jax.ShapeDtypeStruct((1, D), jnp.float32),
    )(aggs, x, w_ih, w_hh, b_ih2, b_hh2)


def kernel(node_ids, edge_index, embed, weight, w_ih, w_hh, b_ih, b_hh):
    ids = jnp.concatenate(
        [node_ids.astype(jnp.int32),
         jnp.zeros((NPAD - N,), jnp.int32)]).reshape(NW, XCHUNKS, GK)
    pad = NW * EPW - E
    padsrc = jnp.arange(pad // NW, dtype=jnp.int32) % N
    src = jnp.concatenate(
        [edge_index[0].astype(jnp.int32).reshape(NW, E // NW),
         jnp.broadcast_to(padsrc, (NW, pad // NW))],
        axis=1).reshape(NW, NCH, ECH)
    trash = N + (jnp.arange(pad // NW, dtype=jnp.int32) % (NPAD - N))
    dst = jnp.concatenate(
        [edge_index[1].astype(jnp.int32).reshape(NW, E // NW),
         jnp.broadcast_to(trash, (NW, pad // NW))],
        axis=1).reshape(NW, NCH, ECH)
    zeros = jnp.zeros((NPAD, D), jnp.float32)
    b_ih2 = b_ih.reshape(1, 3 * D)
    b_hh2 = b_hh.reshape(1, 3 * D)

    x = _sc_embed_gather(ids, embed)
    m = _tc_matmul(x, weight[0])
    aggs = _sc_segment_sum(m, src, dst, zeros)
    x, m = _tc_gru_next(aggs, x, w_ih, w_hh, b_ih2, b_hh2, weight[1])
    aggs = _sc_segment_sum(m, src, dst, zeros)
    total = _tc_gru_mean(aggs, x, w_ih, w_hh, b_ih2, b_hh2)
    return total / float(N)

# --- scband reference (transcript-rebuilt; emitter-appended) ---
"""Pipeline reference for scband-gated-conv-12128987643930 (READ-ONLY COPY).

The authoritative reference and input builder live on the scoring server;
editing this copy changes nothing except your own understanding.
"""

import jax, jax.numpy as jnp
import numpy as np

N = 10000      # nodes
E = 320000     # edges
D = 128        # input_size == output_size
V = 100000     # num_embs
L = 2          # num_layers of GatedGraphConv


def setup_inputs(seed: int = 0) -> dict:
    key = jax.random.key(seed)
    ks = jax.random.split(key, 8)
    node_ids = jax.random.randint(ks[0], (N,), 0, V)
    edge_index = jax.random.randint(ks[1], (2, E), 0, N)
    embed = jax.random.normal(ks[2], (V, D), dtype=jnp.float32) * 0.02
    # GatedGraphConv per-layer linear weights [L, D, D]
    weight = jax.random.normal(ks[3], (L, D, D), dtype=jnp.float32) * (1.0 / np.sqrt(D))
    # GRUCell parameters (r, z, n gates stacked)
    w_ih = jax.random.normal(ks[4], (3 * D, D), dtype=jnp.float32) * (1.0 / np.sqrt(D))
    w_hh = jax.random.normal(ks[5], (3 * D, D), dtype=jnp.float32) * (1.0 / np.sqrt(D))
    b_ih = jnp.zeros((3 * D,), dtype=jnp.float32)
    b_hh = jnp.zeros((3 * D,), dtype=jnp.float32)
    return {"node_ids": node_ids, "edge_index": edge_index, "embed": embed,
            "weight": weight, "w_ih": w_ih, "w_hh": w_hh, "b_ih": b_ih, "b_hh": b_hh}


def _gru_cell(m, h, w_ih, w_hh, b_ih, b_hh):
    gi = m @ w_ih.T + b_ih
    gh = h @ w_hh.T + b_hh
    i_r, i_z, i_n = jnp.split(gi, 3, axis=-1)
    h_r, h_z, h_n = jnp.split(gh, 3, axis=-1)
    r = jax.nn.sigmoid(i_r + h_r)
    z = jax.nn.sigmoid(i_z + h_z)
    n = jnp.tanh(i_n + r * h_n)
    return (1.0 - z) * n + z * h


def reference(node_ids, edge_index, embed, weight, w_ih, w_hh, b_ih, b_hh):
    # x = self.embed(x_ids)
    x = jnp.take(embed, node_ids, axis=0)
    src = edge_index[0]
    dst = edge_index[1]
    # GatedGraphConv: no padding needed since input_size == out_channels
    for i in range(L):
        m = x @ weight[i]
        # message passing with default 'add' aggregation at target nodes
        agg = jax.ops.segment_sum(jnp.take(m, src, axis=0), dst, num_segments=N)
        x = _gru_cell(agg, x, w_ih, w_hh, b_ih, b_hh)
    # GlobalAggregator: global mean pooling over all nodes (single graph)
    out = jnp.mean(x, axis=0, keepdims=True)
    return out

if __name__ == "__main__":
    import jax
    _d = setup_inputs()
    print(jax.jit(kernel)(*tuple(_d.values())))

</pallas_src>

<mosaic_0001>
#map = affine_map<(d0, d1) -> (0, 0)>
#map1 = affine_map<(d0, d1) -> (0, 0, 0)>
module attributes {stable_mosaic.version = 14 : i64} {
  func.func @_sc_segment_sum(%arg0: i32, %arg1: i32, %arg2: memref<10240x128xf32, #tpu.memory_space<hbm>>, %arg3: memref<32x80x128xi32, #tpu.memory_space<hbm>>, %arg4: memref<32x80x128xi32, #tpu.memory_space<hbm>>, %arg5: memref<10240x128xf32, #tpu.memory_space<hbm>>, %arg6: memref<2x10240x128xf32, #tpu.memory_space<hbm>>, %arg7: memref<40x128xi32, #tpu.memory_space<vmem>>, %arg8: memref<40x128xi32, #tpu.memory_space<vmem>>, %arg9: memref<128x128xf32, #tpu.memory_space<vmem>>, %arg10: memref<128x128xf32, #tpu.memory_space<vmem>>, %arg11: memref<10240x128xf32, #tpu.memory_space<vmem_shared>>, %arg12: memref<2x!tpu.dma_semaphore, #tpu.memory_space<semaphore_mem>>) attributes {dimension_semantics = [#tpu.dimension_semantics<core_parallel>, #tpu.dimension_semantics<subcore_parallel>], iteration_bounds = array<i64: 2, 16>, scalar_prefetch = 0 : i64, scratch_operands = 6 : i64, tpu.core_type = #tpu.core_type<sc_vector_subcore>, window_params = [{transform_indices = #map}, {transform_indices = #map1}, {transform_indices = #map1}, {transform_indices = #map}, {transform_indices = #map1}]} {
    %mul3A = arith.constant 2 : i32
    %mul3A_0 = arith.muli %arg1, %mul3A : i32
    %add3A = arith.addi %mul3A_0, %arg0 : i32
    %mul3A_1 = arith.constant 640 : i32
    %mul3A_2 = arith.muli %arg1, %mul3A_1 : i32
    "tpu.region"() ({
      %run_scoped3A_96 = tpu.sem_alloc : memref<!tpu.dma_semaphore, #tpu.memory_space<semaphore_mem>>
      %dma_start3A_97 = arith.constant 0 : i32
      %dma_start3A_98 = arith.constant 0 : i32
      %dma_start3A_99 = tpu.memref_slice %arg3[%add3A, %dma_start3A_97, %dma_start3A_98] : memref<32x80x128xi32, #tpu.memory_space<hbm>> -> memref<1x40x128xi32, #tpu.memory_space<hbm>>
      %dma_start3A_100 = tpu.memref_squeeze %dma_start3A_99 : memref<1x40x128xi32, #tpu.memory_space<hbm>> -> memref<40x128xi32, #tpu.memory_space<hbm>>
      %dma_start3A_101 = arith.constant 0 : i32
      %dma_start3A_102 = arith.constant 0 : i32
      %dma_start3A_103 = tpu.memref_slice %arg3[%add3A, %dma_start3A_101, %dma_start3A_102] : memref<32x80x128xi32, #tpu.memory_space<hbm>> -> memref<1x40x128xi32, #tpu.memory_space<hbm>>
      %dma_start3A_104 = tpu.memref_squeeze %dma_start3A_103 : memref<1x40x128xi32, #tpu.memory_space<hbm>> -> memref<40x128xi32, #tpu.memory_space<hbm>>
      tpu.enqueue_dma source(%dma_start3A_104 : memref<40x128xi32, #tpu.memory_space<hbm>>) target(%arg7 : memref<40x128xi32, #tpu.memory_space<vmem>>) target_semaphore(%run_scoped3A_96 : memref<!tpu.dma_semaphore, #tpu.memory_space<semaphore_mem>>)
      %dma_wait3A_105 = arith.constant 0 : i32
      %dma_wait3A_106 = arith.constant 0 : i32
      %dma_wait3A_107 = tpu.memref_slice %arg3[%add3A, %dma_wait3A_105, %dma_wait3A_106] : memref<32x80x128xi32, #tpu.memory_space<hbm>> -> memref<1x40x128xi32, #tpu.memory_space<hbm>>
      %dma_wait3A_108 = tpu.memref_squeeze %dma_wait3A_107 : memref<1x40x128xi32, #tpu.memory_space<hbm>> -> memref<40x128xi32, #tpu.memory_space<hbm>>
      %dma_wait3A_109 = arith.constant 0 : i32
      %dma_wait3A_110 = arith.constant 0 : i32
      %dma_wait3A_111 = tpu.memref_slice %arg3[%add3A, %dma_wait3A_109, %dma_wait3A_110] : memref<32x80x128xi32, #tpu.memory_space<hbm>> -> memref<1x40x128xi32, #tpu.memory_space<hbm>>
      %dma_wait3A_112 = tpu.memref_squeeze %dma_wait3A_111 : memref<1x40x128xi32, #tpu.memory_space<hbm>> -> memref<40x128xi32, #tpu.memory_space<hbm>>
      tpu.wait_dma2 semaphore(%run_scoped3A_96 : memref<!tpu.dma_semaphore, #tpu.memory_space<semaphore_mem>>) src(%dma_wait3A_112 : memref<40x128xi32, #tpu.memory_space<hbm>>) dst(%arg7 : memref<40x128xi32, #tpu.memory_space<vmem>>)
      tpu.yield
    }) : () -> ()
    %dma_start3A = arith.constant 0 : i32
    %dma_start3A_3 = arith.constant 0 : i32
    %dma_start3A_4 = arith.constant 0 : i32
    %dma_start3A_5 = tpu.memref_slice %arg7[%dma_start3A, %dma_start3A_4] : memref<40x128xi32, #tpu.memory_space<vmem>> -> memref<1x128xi32, #tpu.memory_space<vmem>>
    %dma_start3A_6 = tpu.memref_squeeze %dma_start3A_5 : memref<1x128xi32, #tpu.memory_space<vmem>> -> memref<128xi32, #tpu.memory_space<vmem>>
    %dma_start3A_7 = arith.constant 0 : i32
    %dma_start3A_8 = arith.constant 0 : i32
    %dma_start3A_9 = tpu.memref_slice %arg2[%dma_start3A_7, %dma_start3A_8] : memref<10240x128xf32, #tpu.memory_space<hbm>> -> memref<10240x128xf32, #tpu.memory_space<hbm>>
    %dma_start3A_10 = tpu.memref_slice %arg12[%dma_start3A_3] : memref<2x!tpu.dma_semaphore, #tpu.memory_space<semaphore_mem>> -> memref<1x!tpu.dma_semaphore, #tpu.memory_space<semaphore_mem>>
    %dma_start3A_11 = tpu.memref_squeeze %dma_start3A_10 : memref<1x!tpu.dma_semaphore, #tpu.memory_space<semaphore_mem>> -> memref<!tpu.dma_semaphore, #tpu.memory_space<semaphore_mem>>
    tpu.enqueue_indirect_dma source(%dma_start3A_9 : memref<10240x128xf32, #tpu.memory_space<hbm>>) target(%arg9 : memref<128x128xf32, #tpu.memory_space<vmem>>) offsets(%dma_start3A_6 : memref<128xi32, #tpu.memory_space<vmem>>) semaphore(%dma_start3A_11 : memref<!tpu.dma_semaphore, #tpu.memory_space<semaphore_mem>>)
    "tpu.region"() ({
      %run_scoped3A_96 = tpu.sem_alloc : memref<!tpu.dma_semaphore, #tpu.memory_space<semaphore_mem>>
      %dma_start3A_97 = arith.constant 0 : i32
      %dma_start3A_98 = arith.constant 0 : i32
      %dma_start3A_99 = tpu.memref_slice %arg4[%add3A, %dma_start3A_97, %dma_start3A_98] : memref<32x80x128xi32, #tpu.memory_space<hbm>> -> memref<1x40x128xi32, #tpu.memory_space<hbm>>
      %dma_start3A_100 = tpu.memref_squeeze %dma_start3A_99 : memref<1x40x128xi32, #tpu.memory_space<hbm>> -> memref<40x128xi32, #tpu.memory_space<hbm>>
      %dma_start3A_101 = arith.constant 0 : i32
      %dma_start3A_102 = arith.constant 0 : i32
      %dma_start3A_103 = tpu.memref_slice %arg4[%add3A, %dma_start3A_101, %dma_start3A_102] : memref<32x80x128xi32, #tpu.memory_space<hbm>> -> memref<1x40x128xi32, #tpu.memory_space<hbm>>
      %dma_start3A_104 = tpu.memref_squeeze %dma_start3A_103 : memref<1x40x128xi32, #tpu.memory_space<hbm>> -> memref<40x128xi32, #tpu.memory_space<hbm>>
      tpu.enqueue_dma source(%dma_start3A_104 : memref<40x128xi32, #tpu.memory_space<hbm>>) target(%arg8 : memref<40x128xi32, #tpu.memory_space<vmem>>) target_semaphore(%run_scoped3A_96 : memref<!tpu.dma_semaphore, #tpu.memory_space<semaphore_mem>>)
      %dma_wait3A_105 = arith.constant 0 : i32
      %dma_wait3A_106 = arith.constant 0 : i32
      %dma_wait3A_107 = tpu.memref_slice %arg4[%add3A, %dma_wait3A_105, %dma_wait3A_106] : memref<32x80x128xi32, #tpu.memory_space<hbm>> -> memref<1x40x128xi32, #tpu.memory_space<hbm>>
      %dma_wait3A_108 = tpu.memref_squeeze %dma_wait3A_107 : memref<1x40x128xi32, #tpu.memory_space<hbm>> -> memref<40x128xi32, #tpu.memory_space<hbm>>
      %dma_wait3A_109 = arith.constant 0 : i32
      %dma_wait3A_110 = arith.constant 0 : i32
      %dma_wait3A_111 = tpu.memref_slice %arg4[%add3A, %dma_wait3A_109, %dma_wait3A_110] : memref<32x80x128xi32, #tpu.memory_space<hbm>> -> memref<1x40x128xi32, #tpu.memory_space<hbm>>
      %dma_wait3A_112 = tpu.memref_squeeze %dma_wait3A_111 : memref<1x40x128xi32, #tpu.memory_space<hbm>> -> memref<40x128xi32, #tpu.memory_space<hbm>>
      tpu.wait_dma2 semaphore(%run_scoped3A_96 : memref<!tpu.dma_semaphore, #tpu.memory_space<semaphore_mem>>) src(%dma_wait3A_112 : memref<40x128xi32, #tpu.memory_space<hbm>>) dst(%arg8 : memref<40x128xi32, #tpu.memory_space<vmem>>)
      tpu.yield
    }) : () -> ()
    "tpu.region"() ({
      %run_scoped3A_96 = tpu.sem_alloc : memref<!tpu.dma_semaphore, #tpu.memory_space<semaphore_mem>>
      %dma_start3A_97 = arith.constant 0 : i32
      %dma_start3A_98 = tpu.memref_slice %arg11[%mul3A_2, %dma_start3A_97] : memref<10240x128xf32, #tpu.memory_space<vmem_shared>> -> memref<640x128xf32, #tpu.memory_space<vmem_shared>>
      %dma_start3A_99 = arith.constant 0 : i32
      %dma_start3A_100 = tpu.memref_slice %arg5[%mul3A_2, %dma_start3A_99] : memref<10240x128xf32, #tpu.memory_space<hbm>> -> memref<640x128xf32, #tpu.memory_space<hbm>>
      tpu.enqueue_dma source(%dma_start3A_100 : memref<640x128xf32, #tpu.memory_space<hbm>>) target(%dma_start3A_98 : memref<640x128xf32, #tpu.memory_space<vmem_shared>>) target_semaphore(%run_scoped3A_96 : memref<!tpu.dma_semaphore, #tpu.memory_space<semaphore_mem>>)
      %dma_wait3A_101 = arith.constant 0 : i32
      %dma_wait3A_102 = tpu.memref_slice %arg11[%mul3A_2, %dma_wait3A_101] : memref<10240x128xf32, #tpu.memory_space<vmem_shared>> -> memref<640x128xf32, #tpu.memory_space<vmem_shared>>
      %dma_wait3A_103 = arith.constant 0 : i32
      %dma_wait3A_104 = tpu.memref_slice %arg5[%mul3A_2, %dma_wait3A_103] : memref<10240x128xf32, #tpu.memory_space<hbm>> -> memref<640x128xf32, #tpu.memory_space<hbm>>
      tpu.wait_dma2 semaphore(%run_scoped3A_96 : memref<!tpu.dma_semaphore, #tpu.memory_space<semaphore_mem>>) src(%dma_wait3A_104 : memref<640x128xf32, #tpu.memory_space<hbm>>) dst(%dma_wait3A_102 : memref<640x128xf32, #tpu.memory_space<vmem_shared>>)
      tpu.yield
    }) : () -> ()
    %barrier3A = arith.constant 0 : index
    tpu.barrier barrier_id(%barrier3A)
    %scan3A = arith.constant 0 : i32
    %scan3A_12 = arith.constant 0 : i32
    %scan3A_13 = arith.constant 19 : i32
    %scan3A_14 = arith.addi %scan3A_12, %scan3A_13 : i32
    %scan3A_15 = arith.constant 1 : i32
    scf.for %scan3A_96 = %scan3A_12 to %scan3A_14 step %scan3A_15  : i32 {
      %mul3A_97 = arith.constant 2 : i32
      %mul3A_98 = arith.muli %mul3A_97, %scan3A_96 : i32
      %add3A_99 = arith.constant 1 : i32
      %add3A_100 = arith.addi %mul3A_98, %add3A_99 : i32
      %dma_wait3A_101 = arith.constant 0 : i32
      %dma_wait3A_102 = arith.constant 0 : i32
      %dma_wait3A_103 = tpu.memref_slice %arg7[%mul3A_98, %dma_wait3A_102] : memref<40x128xi32, #tpu.memory_space<vmem>> -> memref<1x128xi32, #tpu.memory_space<vmem>>
      %dma_wait3A_104 = tpu.memref_squeeze %dma_wait3A_103 : memref<1x128xi32, #tpu.memory_space<vmem>> -> memref<128xi32, #tpu.memory_space<vmem>>
      %dma_wait3A_105 = arith.constant 0 : i32
      %dma_wait3A_106 = arith.constant 0 : i32
      %dma_wait3A_107 = tpu.memref_slice %arg2[%dma_wait3A_105, %dma_wait3A_106] : memref<10240x128xf32, #tpu.memory_space<hbm>> -> memref<10240x128xf32, #tpu.memory_space<hbm>>
      %dma_wait3A_108 = tpu.memref_slice %arg12[%dma_wait3A_101] : memref<2x!tpu.dma_semaphore, #tpu.memory_space<semaphore_mem>> -> memref<1x!tpu.dma_semaphore, #tpu.memory_space<semaphore_mem>>
      %dma_wait3A_109 = tpu.memref_squeeze %dma_wait3A_108 : memref<1x!tpu.dma_semaphore, #tpu.memory_space<semaphore_mem>> -> memref<!tpu.dma_semaphore, #tpu.memory_space<semaphore_mem>>
      tpu.wait_indirect_dma semaphore(%dma_wait3A_109 : memref<!tpu.dma_semaphore, #tpu.memory_space<semaphore_mem>>) src(%dma_wait3A_107 : memref<10240x128xf32, #tpu.memory_space<hbm>>) dst(%arg9 : memref<128x128xf32, #tpu.memory_space<vmem>>)
      %dma_start3A_110 = arith.constant 1 : i32
      %dma_start3A_111 = arith.constant 0 : i32
      %dma_start3A_112 = tpu.memref_slice %arg7[%add3A_100, %dma_start3A_111] : memref<40x128xi32, #tpu.memory_space<vmem>> -> memref<1x128xi32, #tpu.memory_space<vmem>>
      %dma_start3A_113 = tpu.memref_squeeze %dma_start3A_112 : memref<1x128xi32, #tpu.memory_space<vmem>> -> memref<128xi32, #tpu.memory_space<vmem>>
      %dma_start3A_114 = arith.constant 0 : i32
      %dma_start3A_115 = arith.constant 0 : i32
      %dma_start3A_116 = tpu.memref_slice %arg2[%dma_start3A_114, %dma_start3A_115] : memref<10240x128xf32, #tpu.memory_space<hbm>> -> memref<10240x128xf32, #tpu.memory_space<hbm>>
      %dma_start3A_117 = tpu.memref_slice %arg12[%dma_start3A_110] : memref<2x!tpu.dma_semaphore, #tpu.memory_space<semaphore_mem>> -> memref<1x!tpu.dma_semaphore, #tpu.memory_space<semaphore_mem>>
      %dma_start3A_118 = tpu.memref_squeeze %dma_start3A_117 : memref<1x!tpu.dma_semaphore, #tpu.memory_space<semaphore_mem>> -> memref<!tpu.dma_semaphore, #tpu.memory_space<semaphore_mem>>
      tpu.enqueue_indirect_dma source(%dma_start3A_116 : memref<10240x128xf32, #tpu.memory_space<hbm>>) target(%arg10 : memref<128x128xf32, #tpu.memory_space<vmem>>) offsets(%dma_start3A_113 : memref<128xi32, #tpu.memory_space<vmem>>) semaphore(%dma_start3A_118 : memref<!tpu.dma_semaphore, #tpu.memory_space<semaphore_mem>>)
      "tpu.region"() ({
        %run_scoped3A_139 = tpu.sem_alloc : memref<!tpu.dma_semaphore, #tpu.memory_space<semaphore_mem>>
        %dma_start3A_140 = arith.constant 0 : i32
        %dma_start3A_141 = tpu.memref_slice %arg8[%mul3A_98, %dma_start3A_140] : memref<40x128xi32, #tpu.memory_space<vmem>> -> memref<1x128xi32, #tpu.memory_space<vmem>>
        %dma_start3A_142 = tpu.memref_squeeze %dma_start3A_141 : memref<1x128xi32, #tpu.memory_space<vmem>> -> memref<128xi32, #tpu.memory_space<vmem>>
        %dma_start3A_143 = arith.constant 0 : i32
        %dma_start3A_144 = arith.constant 0 : i32
        %dma_start3A_145 = tpu.memref_slice %arg11[%dma_start3A_143, %dma_start3A_144] : memref<10240x128xf32, #tpu.memory_space<vmem_shared>> -> memref<10240x128xf32, #tpu.memory_space<vmem_shared>>
        tpu.enqueue_indirect_dma source(%arg9 : memref<128x128xf32, #tpu.memory_space<vmem>>) target(%dma_start3A_145 : memref<10240x128xf32, #tpu.memory_space<vmem_shared>>) offsets(%dma_start3A_142 : memref<128xi32, #tpu.memory_space<vmem>>) semaphore(%run_scoped3A_139 : memref<!tpu.dma_semaphore, #tpu.memory_space<semaphore_mem>>) {add = true}
        %dma_wait3A_146 = arith.constant 0 : i32
        %dma_wait3A_147 = tpu.memref_slice %arg8[%mul3A_98, %dma_wait3A_146] : memref<40x128xi32, #tpu.memory_space<vmem>> -> memref<1x128xi32, #tpu.memory_space<vmem>>
        %dma_wait3A_148 = tpu.memref_squeeze %dma_wait3A_147 : memref<1x128xi32, #tpu.memory_space<vmem>> -> memref<128xi32, #tpu.memory_space<vmem>>
        %dma_wait3A_149 = arith.constant 0 : i32
        %dma_wait3A_150 = arith.constant 0 : i32
        %dma_wait3A_151 = tpu.memref_slice %arg11[%dma_wait3A_149, %dma_wait3A_150] : memref<10240x128xf32, #tpu.memory_space<vmem_shared>> -> memref<10240x128xf32, #tpu.memory_space<vmem_shared>>
        tpu.wait_indirect_dma semaphore(%run_scoped3A_139 : memref<!tpu.dma_semaphore, #tpu.memory_space<semaphore_mem>>) src(%arg9 : memref<128x128xf32, #tpu.memory_space<vmem>>) dst(%dma_wait3A_151 : memref<10240x128xf32, #tpu.memory_space<vmem_shared>>)
        tpu.yield
      }) : () -> ()
      %dma_wait3A_119 = arith.constant 1 : i32
      %dma_wait3A_120 = arith.constant 0 : i32
      %dma_wait3A_121 = tpu.memref_slice %arg7[%add3A_100, %dma_wait3A_120] : memref<40x128xi32, #tpu.memory_space<vmem>> -> memref<1x128xi32, #tpu.memory_space<vmem>>
      %dma_wait3A_122 = tpu.memref_squeeze %dma_wait3A_121 : memref<1x128xi32, #tpu.memory_space<vmem>> -> memref<128xi32, #tpu.memory_space<vmem>>
      %dma_wait3A_123 = arith.constant 0 : i32
      %dma_wait3A_124 = arith.constant 0 : i32
      %dma_wait3A_125 = tpu.memref_slice %arg2[%dma_wait3A_123, %dma_wait3A_124] : memref<10240x128xf32, #tpu.memory_space<hbm>> -> memref<10240x128xf32, #tpu.memory_space<hbm>>
      %dma_wait3A_126 = tpu.memref_slice %arg12[%dma_wait3A_119] : memref<2x!tpu.dma_semaphore, #tpu.memory_space<semaphore_mem>> -> memref<1x!tpu.dma_semaphore, #tpu.memory_space<semaphore_mem>>
      %dma_wait3A_127 = tpu.memref_squeeze %dma_wait3A_126 : memref<1x!tpu.dma_semaphore, #tpu.memory_space<semaphore_mem>> -> memref<!tpu.dma_semaphore, #tpu.memory_space<semaphore_mem>>
      tpu.wait_indirect_dma semaphore(%dma_wait3A_127 : memref<!tpu.dma_semaphore, #tpu.memory_space<semaphore_mem>>) src(%dma_wait3A_125 : memref<10240x128xf32, #tpu.memory_space<hbm>>) dst(%arg10 : memref<128x128xf32, #tpu.memory_space<vmem>>)
      %add3A_128 = arith.constant 2 : i32
      %add3A_129 = arith.addi %mul3A_98, %add3A_128 : i32
      %dma_start3A_130 = arith.constant 0 : i32
      %dma_start3A_131 = arith.constant 0 : i32
      %dma_start3A_132 = tpu.memref_slice %arg7[%add3A_129, %dma_start3A_131] : memref<40x128xi32, #tpu.memory_space<vmem>> -> memref<1x128xi32, #tpu.memory_space<vmem>>
      %dma_start3A_133 = tpu.memref_squeeze %dma_start3A_132 : memref<1x128xi32, #tpu.memory_space<vmem>> -> memref<128xi32, #tpu.memory_space<vmem>>
      %dma_start3A_134 = arith.constant 0 : i32
      %dma_start3A_135 = arith.constant 0 : i32
      %dma_start3A_136 = tpu.memref_slice %arg2[%dma_start3A_134, %dma_start3A_135] : memref<10240x128xf32, #tpu.memory_space<hbm>> -> memref<10240x128xf32, #tpu.memory_space<hbm>>
      %dma_start3A_137 = tpu.memref_slice %arg12[%dma_start3A_130] : memref<2x!tpu.dma_semaphore, #tpu.memory_space<semaphore_mem>> -> memref<1x!tpu.dma_semaphore, #tpu.memory_space<semaphore_mem>>
      %dma_start3A_138 = tpu.memref_squeeze %dma_start3A_137 : memref<1x!tpu.dma_semaphore, #tpu.memory_space<semaphore_mem>> -> memref<!tpu.dma_semaphore, #tpu.memory_space<semaphore_mem>>
      tpu.enqueue_indirect_dma source(%dma_start3A_136 : memref<10240x128xf32, #tpu.memory_space<hbm>>) target(%arg9 : memref<128x128xf32, #tpu.memory_space<vmem>>) offsets(%dma_start3A_133 : memref<128xi32, #tpu.memory_space<vmem>>) semaphore(%dma_start3A_138 : memref<!tpu.dma_semaphore, #tpu.memory_space<semaphore_mem>>)
      "tpu.region"() ({
        %run_scoped3A_139 = tpu.sem_alloc : memref<!tpu.dma_semaphore, #tpu.memory_space<semaphore_mem>>
        %dma_start3A_140 = arith.constant 0 : i32
        %dma_start3A_141 = tpu.memref_slice %arg8[%add3A_100, %dma_start3A_140] : memref<40x128xi32, #tpu.memory_space<vmem>> -> memref<1x128xi32, #tpu.memory_space<vmem>>
        %dma_start3A_142 = tpu.memref_squeeze %dma_start3A_141 : memref<1x128xi32, #tpu.memory_space<vmem>> -> memref<128xi32, #tpu.memory_space<vmem>>
        %dma_start3A_143 = arith.constant 0 : i32
        %dma_start3A_144 = arith.constant 0 : i32
        %dma_start3A_145 = tpu.memref_slice %arg11[%dma_start3A_143, %dma_start3A_144] : memref<10240x128xf32, #tpu.memory_space<vmem_shared>> -> memref<10240x128xf32, #tpu.memory_space<vmem_shared>>
        tpu.enqueue_indirect_dma source(%arg10 : memref<128x128xf32, #tpu.memory_space<vmem>>) target(%dma_start3A_145 : memref<10240x128xf32, #tpu.memory_space<vmem_shared>>) offsets(%dma_start3A_142 : memref<128xi32, #tpu.memory_space<vmem>>) semaphore(%run_scoped3A_139 : memref<!tpu.dma_semaphore, #tpu.memory_space<semaphore_mem>>) {add = true}
        %dma_wait3A_146 = arith.constant 0 : i32
        %dma_wait3A_147 = tpu.memref_slice %arg8[%add3A_100, %dma_wait3A_146] : memref<40x128xi32, #tpu.memory_space<vmem>> -> memref<1x128xi32, #tpu.memory_space<vmem>>
        %dma_wait3A_148 = tpu.memref_squeeze %dma_wait3A_147 : memref<1x128xi32, #tpu.memory_space<vmem>> -> memref<128xi32, #tpu.memory_space<vmem>>
        %dma_wait3A_149 = arith.constant 0 : i32
        %dma_wait3A_150 = arith.constant 0 : i32
        %dma_wait3A_151 = tpu.memref_slice %arg11[%dma_wait3A_149, %dma_wait3A_150] : memref<10240x128xf32, #tpu.memory_space<vmem_shared>> -> memref<10240x128xf32, #tpu.memory_space<vmem_shared>>
        tpu.wait_indirect_dma semaphore(%run_scoped3A_139 : memref<!tpu.dma_semaphore, #tpu.memory_space<semaphore_mem>>) src(%arg10 : memref<128x128xf32, #tpu.memory_space<vmem>>) dst(%dma_wait3A_151 : memref<10240x128xf32, #tpu.memory_space<vmem_shared>>)
        tpu.yield
      }) : () -> ()
    }
    %scan3A_16 = arith.constant 19 : i32
    %dma_wait3A = arith.constant 38 : i32
    %dma_wait3A_17 = arith.constant 0 : i32
    %dma_wait3A_18 = arith.constant 0 : i32
    %dma_wait3A_19 = tpu.memref_slice %arg7[%dma_wait3A, %dma_wait3A_18] : memref<40x128xi32, #tpu.memory_space<vmem>> -> memref<1x128xi32, #tpu.memory_space<vmem>>
    %dma_wait3A_20 = tpu.memref_squeeze %dma_wait3A_19 : memref<1x128xi32, #tpu.memory_space<vmem>> -> memref<128xi32, #tpu.memory_space<vmem>>
    %dma_wait3A_21 = arith.constant 0 : i32
    %dma_wait3A_22 = arith.constant 0 : i32
    %dma_wait3A_23 = tpu.memref_slice %arg2[%dma_wait3A_21, %dma_wait3A_22] : memref<10240x128xf32, #tpu.memory_space<hbm>> -> memref<10240x128xf32, #tpu.memory_space<hbm>>
    %dma_wait3A_24 = tpu.memref_slice %arg12[%dma_wait3A_17] : memref<2x!tpu.dma_semaphore, #tpu.memory_space<semaphore_mem>> -> memref<1x!tpu.dma_semaphore, #tpu.memory_space<semaphore_mem>>
    %dma_wait3A_25 = tpu.memref_squeeze %dma_wait3A_24 : memref<1x!tpu.dma_semaphore, #tpu.memory_space<semaphore_mem>> -> memref<!tpu.dma_semaphore, #tpu.memory_space<semaphore_mem>>
    tpu.wait_indirect_dma semaphore(%dma_wait3A_25 : memref<!tpu.dma_semaphore, #tpu.memory_space<semaphore_mem>>) src(%dma_wait3A_23 : memref<10240x128xf32, #tpu.memory_space<hbm>>) dst(%arg9 : memref<128x128xf32, #tpu.memory_space<vmem>>)
    %dma_start3A_26 = arith.constant 39 : i32
    %dma_start3A_27 = arith.constant 1 : i32
    %dma_start3A_28 = arith.constant 0 : i32
    %dma_start3A_29 = tpu.memref_slice %arg7[%dma_start3A_26, %dma_start3A_28] : memref<40x128xi32, #tpu.memory_space<vmem>> -> memref<1x128xi32, #tpu.memory_space<vmem>>
    %dma_start3A_30 = tpu.memref_squeeze %dma_start3A_29 : memref<1x128xi32, #tpu.memory_space<vmem>> -> memref<128xi32, #tpu.memory_space<vmem>>
    %dma_start3A_31 = arith.constant 0 : i32
    %dma_start3A_32 = arith.constant 0 : i32
    %dma_start3A_33 = tpu.memref_slice %arg2[%dma_start3A_31, %dma_start3A_32] : memref<10240x128xf32, #tpu.memory_space<hbm>> -> memref<10240x128xf32, #tpu.memory_space<hbm>>
    %dma_start3A_34 = tpu.memref_slice %arg12[%dma_start3A_27] : memref<2x!tpu.dma_semaphore, #tpu.memory_space<semaphore_mem>> -> memref<1x!tpu.dma_semaphore, #tpu.memory_space<semaphore_mem>>
    %dma_start3A_35 = tpu.memref_squeeze %dma_start3A_34 : memref<1x!tpu.dma_semaphore, #tpu.memory_space<semaphore_mem>> -> memref<!tpu.dma_semaphore, #tpu.memory_space<semaphore_mem>>
    tpu.enqueue_indirect_dma source(%dma_start3A_33 : memref<10240x128xf32, #tpu.memory_space<hbm>>) target(%arg10 : memref<128x128xf32, #tpu.memory_space<vmem>>) offsets(%dma_start3A_30 : memref<128xi32, #tpu.memory_space<vmem>>) semaphore(%dma_start3A_35 : memref<!tpu.dma_semaphore, #tpu.memory_space<semaphore_mem>>)
    %run_scoped3A = arith.constant 38 : i32
    "tpu.region"() ({
      %run_scoped3A_96 = tpu.sem_alloc : memref<!tpu.dma_semaphore, #tpu.memory_space<semaphore_mem>>
      %dma_start3A_97 = arith.constant 0 : i32
      %dma_start3A_98 = tpu.memref_slice %arg8[%run_scoped3A, %dma_start3A_97] : memref<40x128xi32, #tpu.memory_space<vmem>> -> memref<1x128xi32, #tpu.memory_space<vmem>>
      %dma_start3A_99 = tpu.memref_squeeze %dma_start3A_98 : memref<1x128xi32, #tpu.memory_space<vmem>> -> memref<128xi32, #tpu.memory_space<vmem>>
      %dma_start3A_100 = arith.constant 0 : i32
      %dma_start3A_101 = arith.constant 0 : i32
      %dma_start3A_102 = tpu.memref_slice %arg11[%dma_start3A_100, %dma_start3A_101] : memref<10240x128xf32, #tpu.memory_space<vmem_shared>> -> memref<10240x128xf32, #tpu.memory_space<vmem_shared>>
      tpu.enqueue_indirect_dma source(%arg9 : memref<128x128xf32, #tpu.memory_space<vmem>>) target(%dma_start3A_102 : memref<10240x128xf32, #tpu.memory_space<vmem_shared>>) offsets(%dma_start3A_99 : memref<128xi32, #tpu.memory_space<vmem>>) semaphore(%run_scoped3A_96 : memref<!tpu.dma_semaphore, #tpu.memory_space<semaphore_mem>>) {add = true}
      %dma_wait3A_103 = arith.constant 0 : i32
      %dma_wait3A_104 = tpu.memref_slice %arg8[%run_scoped3A, %dma_wait3A_103] : memref<40x128xi32, #tpu.memory_space<vmem>> -> memref<1x128xi32, #tpu.memory_space<vmem>>
      %dma_wait3A_105 = tpu.memref_squeeze %dma_wait3A_104 : memref<1x128xi32, #tpu.memory_space<vmem>> -> memref<128xi32, #tpu.memory_space<vmem>>
      %dma_wait3A_106 = arith.constant 0 : i32
      %dma_wait3A_107 = arith.constant 0 : i32
      %dma_wait3A_108 = tpu.memref_slice %arg11[%dma_wait3A_106, %dma_wait3A_107] : memref<10240x128xf32, #tpu.memory_space<vmem_shared>> -> memref<10240x128xf32, #tpu.memory_space<vmem_shared>>
      tpu.wait_indirect_dma semaphore(%run_scoped3A_96 : memref<!tpu.dma_semaphore, #tpu.memory_space<semaphore_mem>>) src(%arg9 : memref<128x128xf32, #tpu.memory_space<vmem>>) dst(%dma_wait3A_108 : memref<10240x128xf32, #tpu.memory_space<vmem_shared>>)
      tpu.yield
    }) : () -> ()
    %dma_wait3A_36 = arith.constant 39 : i32
    %dma_wait3A_37 = arith.constant 1 : i32
    %dma_wait3A_38 = arith.constant 0 : i32
    %dma_wait3A_39 = tpu.memref_slice %arg7[%dma_wait3A_36, %dma_wait3A_38] : memref<40x128xi32, #tpu.memory_space<vmem>> -> memref<1x128xi32, #tpu.memory_space<vmem>>
    %dma_wait3A_40 = tpu.memref_squeeze %dma_wait3A_39 : memref<1x128xi32, #tpu.memory_space<vmem>> -> memref<128xi32, #tpu.memory_space<vmem>>
    %dma_wait3A_41 = arith.constant 0 : i32
    %dma_wait3A_42 = arith.constant 0 : i32
    %dma_wait3A_43 = tpu.memref_slice %arg2[%dma_wait3A_41, %dma_wait3A_42] : memref<10240x128xf32, #tpu.memory_space<hbm>> -> memref<10240x128xf32, #tpu.memory_space<hbm>>
    %dma_wait3A_44 = tpu.memref_slice %arg12[%dma_wait3A_37] : memref<2x!tpu.dma_semaphore, #tpu.memory_space<semaphore_mem>> -> memref<1x!tpu.dma_semaphore, #tpu.memory_space<semaphore_mem>>
    %dma_wait3A_45 = tpu.memref_squeeze %dma_wait3A_44 : memref<1x!tpu.dma_semaphore, #tpu.memory_space<semaphore_mem>> -> memref<!tpu.dma_semaphore, #tpu.memory_space<semaphore_mem>>
    tpu.wait_indirect_dma semaphore(%dma_wait3A_45 : memref<!tpu.dma_semaphore, #tpu.memory_space<semaphore_mem>>) src(%dma_wait3A_43 : memref<10240x128xf32, #tpu.memory_space<hbm>>) dst(%arg10 : memref<128x128xf32, #tpu.memory_space<vmem>>)
    %run_scoped3A_46 = arith.constant 39 : i32
    "tpu.region"() ({
      %run_scoped3A_96 = tpu.sem_alloc : memref<!tpu.dma_semaphore, #tpu.memory_space<semaphore_mem>>
      %dma_start3A_97 = arith.constant 0 : i32
      %dma_start3A_98 = tpu.memref_slice %arg8[%run_scoped3A_46, %dma_start3A_97] : memref<40x128xi32, #tpu.memory_space<vmem>> -> memref<1x128xi32, #tpu.memory_space<vmem>>
      %dma_start3A_99 = tpu.memref_squeeze %dma_start3A_98 : memref<1x128xi32, #tpu.memory_space<vmem>> -> memref<128xi32, #tpu.memory_space<vmem>>
      %dma_start3A_100 = arith.constant 0 : i32
      %dma_start3A_101 = arith.constant 0 : i32
      %dma_start3A_102 = tpu.memref_slice %arg11[%dma_start3A_100, %dma_start3A_101] : memref<10240x128xf32, #tpu.memory_space<vmem_shared>> -> memref<10240x128xf32, #tpu.memory_space<vmem_shared>>
      tpu.enqueue_indirect_dma source(%arg10 : memref<128x128xf32, #tpu.memory_space<vmem>>) target(%dma_start3A_102 : memref<10240x128xf32, #tpu.memory_space<vmem_shared>>) offsets(%dma_start3A_99 : memref<128xi32, #tpu.memory_space<vmem>>) semaphore(%run_scoped3A_96 : memref<!tpu.dma_semaphore, #tpu.memory_space<semaphore_mem>>) {add = true}
      %dma_wait3A_103 = arith.constant 0 : i32
      %dma_wait3A_104 = tpu.memref_slice %arg8[%run_scoped3A_46, %dma_wait3A_103] : memref<40x128xi32, #tpu.memory_space<vmem>> -> memref<1x128xi32, #tpu.memory_space<vmem>>
      %dma_wait3A_105 = tpu.memref_squeeze %dma_wait3A_104 : memref<1x128xi32, #tpu.memory_space<vmem>> -> memref<128xi32, #tpu.memory_space<vmem>>
      %dma_wait3A_106 = arith.constant 0 : i32
      %dma_wait3A_107 = arith.constant 0 : i32
      %dma_wait3A_108 = tpu.memref_slice %arg11[%dma_wait3A_106, %dma_wait3A_107] : memref<10240x128xf32, #tpu.memory_space<vmem_shared>> -> memref<10240x128xf32, #tpu.memory_space<vmem_shared>>
      tpu.wait_indirect_dma semaphore(%run_scoped3A_96 : memref<!tpu.dma_semaphore, #tpu.memory_space<semaphore_mem>>) src(%arg10 : memref<128x128xf32, #tpu.memory_space<vmem>>) dst(%dma_wait3A_108 : memref<10240x128xf32, #tpu.memory_space<vmem_shared>>)
      tpu.yield
    }) : () -> ()
    "tpu.region"() ({
      %run_scoped3A_96 = tpu.sem_alloc : memref<!tpu.dma_semaphore, #tpu.memory_space<semaphore_mem>>
      %dma_start3A_97 = arith.constant 40 : i32
      %dma_start3A_98 = arith.constant 0 : i32
      %dma_start3A_99 = tpu.memref_slice %arg3[%add3A, %dma_start3A_97, %dma_start3A_98] : memref<32x80x128xi32, #tpu.memory_space<hbm>> -> memref<1x40x128xi32, #tpu.memory_space<hbm>>
      %dma_start3A_100 = tpu.memref_squeeze %dma_start3A_99 : memref<1x40x128xi32, #tpu.memory_space<hbm>> -> memref<40x128xi32, #tpu.memory_space<hbm>>
      %dma_start3A_101 = arith.constant 40 : i32
      %dma_start3A_102 = arith.constant 0 : i32
      %dma_start3A_103 = tpu.memref_slice %arg3[%add3A, %dma_start3A_101, %dma_start3A_102] : memref<32x80x128xi32, #tpu.memory_space<hbm>> -> memref<1x40x128xi32, #tpu.memory_space<hbm>>
      %dma_start3A_104 = tpu.memref_squeeze %dma_start3A_103 : memref<1x40x128xi32, #tpu.memory_space<hbm>> -> memref<40x128xi32, #tpu.memory_space<hbm>>
      tpu.enqueue_dma source(%dma_start3A_104 : memref<40x128xi32, #tpu.memory_space<hbm>>) target(%arg7 : memref<40x128xi32, #tpu.memory_space<vmem>>) target_semaphore(%run_scoped3A_96 : memref<!tpu.dma_semaphore, #tpu.memory_space<semaphore_mem>>)
      %dma_wait3A_105 = arith.constant 40 : i32
      %dma_wait3A_106 = arith.constant 0 : i32
      %dma_wait3A_107 = tpu.memref_slice %arg3[%add3A, %dma_wait3A_105, %dma_wait3A_106] : memref<32x80x128xi32, #tpu.memory_space<hbm>> -> memref<1x40x128xi32, #tpu.memory_space<hbm>>
      %dma_wait3A_108 = tpu.memref_squeeze %dma_wait3A_107 : memref<1x40x128xi32, #tpu.memory_space<hbm>> -> memref<40x128xi32, #tpu.memory_space<hbm>>
      %dma_wait3A_109 = arith.constant 40 : i32
      %dma_wait3A_110 = arith.constant 0 : i32
      %dma_wait3A_111 = tpu.memref_slice %arg3[%add3A, %dma_wait3A_109, %dma_wait3A_110] : memref<32x80x128xi32, #tpu.memory_space<hbm>> -> memref<1x40x128xi32, #tpu.memory_space<hbm>>
      %dma_wait3A_112 = tpu.memref_squeeze %dma_wait3A_111 : memref<1x40x128xi32, #tpu.memory_space<hbm>> -> memref<40x128xi32, #tpu.memory_space<hbm>>
      tpu.wait_dma2 semaphore(%run_scoped3A_96 : memref<!tpu.dma_semaphore, #tpu.memory_space<semaphore_mem>>) src(%dma_wait3A_112 : memref<40x128xi32, #tpu.memory_space<hbm>>) dst(%arg7 : memref<40x128xi32, #tpu.memory_space<vmem>>)
      tpu.yield
    }) : () -> ()
    "tpu.region"() ({
      %run_scoped3A_96 = tpu.sem_alloc : memref<!tpu.dma_semaphore, #tpu.memory_space<semaphore_mem>>
      %dma_start3A_97 = arith.constant 40 : i32
      %dma_start3A_98 = arith.constant 0 : i32
      %dma_start3A_99 = tpu.memref_slice %arg4[%add3A, %dma_start3A_97, %dma_start3A_98] : memref<32x80x128xi32, #tpu.memory_space<hbm>> -> memref<1x40x128xi32, #tpu.memory_space<hbm>>
      %dma_start3A_100 = tpu.memref_squeeze %dma_start3A_99 : memref<1x40x128xi32, #tpu.memory_space<hbm>> -> memref<40x128xi32, #tpu.memory_space<hbm>>
      %dma_start3A_101 = arith.constant 40 : i32
      %dma_start3A_102 = arith.constant 0 : i32
      %dma_start3A_103 = tpu.memref_slice %arg4[%add3A, %dma_start3A_101, %dma_start3A_102] : memref<32x80x128xi32, #tpu.memory_space<hbm>> -> memref<1x40x128xi32, #tpu.memory_space<hbm>>
      %dma_start3A_104 = tpu.memref_squeeze %dma_start3A_103 : memref<1x40x128xi32, #tpu.memory_space<hbm>> -> memref<40x128xi32, #tpu.memory_space<hbm>>
      tpu.enqueue_dma source(%dma_start3A_104 : memref<40x128xi32, #tpu.memory_space<hbm>>) target(%arg8 : memref<40x128xi32, #tpu.memory_space<vmem>>) target_semaphore(%run_scoped3A_96 : memref<!tpu.dma_semaphore, #tpu.memory_space<semaphore_mem>>)
      %dma_wait3A_105 = arith.constant 40 : i32
      %dma_wait3A_106 = arith.constant 0 : i32
      %dma_wait3A_107 = tpu.memref_slice %arg4[%add3A, %dma_wait3A_105, %dma_wait3A_106] : memref<32x80x128xi32, #tpu.memory_space<hbm>> -> memref<1x40x128xi32, #tpu.memory_space<hbm>>
      %dma_wait3A_108 = tpu.memref_squeeze %dma_wait3A_107 : memref<1x40x128xi32, #tpu.memory_space<hbm>> -> memref<40x128xi32, #tpu.memory_space<hbm>>
      %dma_wait3A_109 = arith.constant 40 : i32
      %dma_wait3A_110 = arith.constant 0 : i32
      %dma_wait3A_111 = tpu.memref_slice %arg4[%add3A, %dma_wait3A_109, %dma_wait3A_110] : memref<32x80x128xi32, #tpu.memory_space<hbm>> -> memref<1x40x128xi32, #tpu.memory_space<hbm>>
      %dma_wait3A_112 = tpu.memref_squeeze %dma_wait3A_111 : memref<1x40x128xi32, #tpu.memory_space<hbm>> -> memref<40x128xi32, #tpu.memory_space<hbm>>
      tpu.wait_dma2 semaphore(%run_scoped3A_96 : memref<!tpu.dma_semaphore, #tpu.memory_space<semaphore_mem>>) src(%dma_wait3A_112 : memref<40x128xi32, #tpu.memory_space<hbm>>) dst(%arg8 : memref<40x128xi32, #tpu.memory_space<vmem>>)
      tpu.yield
    }) : () -> ()
    %dma_start3A_47 = arith.constant 0 : i32
    %dma_start3A_48 = arith.constant 0 : i32
    %dma_start3A_49 = arith.constant 0 : i32
    %dma_start3A_50 = tpu.memref_slice %arg7[%dma_start3A_47, %dma_start3A_49] : memref<40x128xi32, #tpu.memory_space<vmem>> -> memref<1x128xi32, #tpu.memory_space<vmem>>
    %dma_start3A_51 = tpu.memref_squeeze %dma_start3A_50 : memref<1x128xi32, #tpu.memory_space<vmem>> -> memref<128xi32, #tpu.memory_space<vmem>>
    %dma_start3A_52 = arith.constant 0 : i32
    %dma_start3A_53 = arith.constant 0 : i32
    %dma_start3A_54 = tpu.memref_slice %arg2[%dma_start3A_52, %dma_start3A_53] : memref<10240x128xf32, #tpu.memory_space<hbm>> -> memref<10240x128xf32, #tpu.memory_space<hbm>>
    %dma_start3A_55 = tpu.memref_slice %arg12[%dma_start3A_48] : memref<2x!tpu.dma_semaphore, #tpu.memory_space<semaphore_mem>> -> memref<1x!tpu.dma_semaphore, #tpu.memory_space<semaphore_mem>>
    %dma_start3A_56 = tpu.memref_squeeze %dma_start3A_55 : memref<1x!tpu.dma_semaphore, #tpu.memory_space<semaphore_mem>> -> memref<!tpu.dma_semaphore, #tpu.memory_space<semaphore_mem>>
    tpu.enqueue_indirect_dma source(%dma_start3A_54 : memref<10240x128xf32, #tpu.memory_space<hbm>>) target(%arg9 : memref<128x128xf32, #tpu.memory_space<vmem>>) offsets(%dma_start3A_51 : memref<128xi32, #tpu.memory_space<vmem>>) semaphore(%dma_start3A_56 : memref<!tpu.dma_semaphore, #tpu.memory_space<semaphore_mem>>)
    %scan3A_57 = arith.constant 0 : i32
    %scan3A_58 = arith.constant 0 : i32
    %scan3A_59 = arith.constant 19 : i32
    %scan3A_60 = arith.addi %scan3A_58, %scan3A_59 : i32
    %scan3A_61 = arith.constant 1 : i32
    scf.for %scan3A_96 = %scan3A_58 to %scan3A_60 step %scan3A_61  : i32 {
      %mul3A_97 = arith.constant 2 : i32
      %mul3A_98 = arith.muli %mul3A_97, %scan3A_96 : i32
      %add3A_99 = arith.constant 1 : i32
      %add3A_100 = arith.addi %mul3A_98, %add3A_99 : i32
      %dma_wait3A_101 = arith.constant 0 : i32
      %dma_wait3A_102 = arith.constant 0 : i32
      %dma_wait3A_103 = tpu.memref_slice %arg7[%mul3A_98, %dma_wait3A_102] : memref<40x128xi32, #tpu.memory_space<vmem>> -> memref<1x128xi32, #tpu.memory_space<vmem>>
      %dma_wait3A_104 = tpu.memref_squeeze %dma_wait3A_103 : memref<1x128xi32, #tpu.memory_space<vmem>> -> memref<128xi32, #tpu.memory_space<vmem>>
      %dma_wait3A_105 = arith.constant 0 : i32
      %dma_wait3A_106 = arith.constant 0 : i32
      %dma_wait3A_107 = tpu.memref_slice %arg2[%dma_wait3A_105, %dma_wait3A_106] : memref<10240x128xf32, #tpu.memory_space<hbm>> -> memref<10240x128xf32, #tpu.memory_space<hbm>>
      %dma_wait3A_108 = tpu.memref_slice %arg12[%dma_wait3A_101] : memref<2x!tpu.dma_semaphore, #tpu.memory_space<semaphore_mem>> -> memref<1x!tpu.dma_semaphore, #tpu.memory_space<semaphore_mem>>
      %dma_wait3A_109 = tpu.memref_squeeze %dma_wait3A_108 : memref<1x!tpu.dma_semaphore, #tpu.memory_space<semaphore_mem>> -> memref<!tpu.dma_semaphore, #tpu.memory_space<semaphore_mem>>
      tpu.wait_indirect_dma semaphore(%dma_wait3A_109 : memref<!tpu.dma_semaphore, #tpu.memory_space<semaphore_mem>>) src(%dma_wait3A_107 : memref<10240x128xf32, #tpu.memory_space<hbm>>) dst(%arg9 : memref<128x128xf32, #tpu.memory_space<vmem>>)
      %dma_start3A_110 = arith.constant 1 : i32
      %dma_start3A_111 = arith.constant 0 : i32
      %dma_start3A_112 = tpu.memref_slice %arg7[%add3A_100, %dma_start3A_111] : memref<40x128xi32, #tpu.memory_space<vmem>> -> memref<1x128xi32, #tpu.memory_space<vmem>>
      %dma_start3A_113 = tpu.memref_squeeze %dma_start3A_112 : memref<1x128xi32, #tpu.memory_space<vmem>> -> memref<128xi32, #tpu.memory_space<vmem>>
      %dma_start3A_114 = arith.constant 0 : i32
      %dma_start3A_115 = arith.constant 0 : i32
      %dma_start3A_116 = tpu.memref_slice %arg2[%dma_start3A_114, %dma_start3A_115] : memref<10240x128xf32, #tpu.memory_space<hbm>> -> memref<10240x128xf32, #tpu.memory_space<hbm>>
      %dma_start3A_117 = tpu.memref_slice %arg12[%dma_start3A_110] : memref<2x!tpu.dma_semaphore, #tpu.memory_space<semaphore_mem>> -> memref<1x!tpu.dma_semaphore, #tpu.memory_space<semaphore_mem>>
      %dma_start3A_118 = tpu.memref_squeeze %dma_start3A_117 : memref<1x!tpu.dma_semaphore, #tpu.memory_space<semaphore_mem>> -> memref<!tpu.dma_semaphore, #tpu.memory_space<semaphore_mem>>
      tpu.enqueue_indirect_dma source(%dma_start3A_116 : memref<10240x128xf32, #tpu.memory_space<hbm>>) target(%arg10 : memref<128x128xf32, #tpu.memory_space<vmem>>) offsets(%dma_start3A_113 : memref<128xi32, #tpu.memory_space<vmem>>) semaphore(%dma_start3A_118 : memref<!tpu.dma_semaphore, #tpu.memory_space<semaphore_mem>>)
      "tpu.region"() ({
        %run_scoped3A_139 = tpu.sem_alloc : memref<!tpu.dma_semaphore, #tpu.memory_space<semaphore_mem>>
        %dma_start3A_140 = arith.constant 0 : i32
        %dma_start3A_141 = tpu.memref_slice %arg8[%mul3A_98, %dma_start3A_140] : memref<40x128xi32, #tpu.memory_space<vmem>> -> memref<1x128xi32, #tpu.memory_space<vmem>>
        %dma_start3A_142 = tpu.memref_squeeze %dma_start3A_141 : memref<1x128xi32, #tpu.memory_space<vmem>> -> memref<128xi32, #tpu.memory_space<vmem>>
        %dma_start3A_143 = arith.constant 0 : i32
        %dma_start3A_144 = arith.constant 0 : i32
        %dma_start3A_145 = tpu.memref_slice %arg11[%dma_start3A_143, %dma_start3A_144] : memref<10240x128xf32, #tpu.memory_space<vmem_shared>> -> memref<10240x128xf32, #tpu.memory_space<vmem_shared>>
        tpu.enqueue_indirect_dma source(%arg9 : memref<128x128xf32, #tpu.memory_space<vmem>>) target(%dma_start3A_145 : memref<10240x128xf32, #tpu.memory_space<vmem_shared>>) offsets(%dma_start3A_142 : memref<128xi32, #tpu.memory_space<vmem>>) semaphore(%run_scoped3A_139 : memref<!tpu.dma_semaphore, #tpu.memory_space<semaphore_mem>>) {add = true}
        %dma_wait3A_146 = arith.constant 0 : i32
        %dma_wait3A_147 = tpu.memref_slice %arg8[%mul3A_98, %dma_wait3A_146] : memref<40x128xi32, #tpu.memory_space<vmem>> -> memref<1x128xi32, #tpu.memory_space<vmem>>
        %dma_wait3A_148 = tpu.memref_squeeze %dma_wait3A_147 : memref<1x128xi32, #tpu.memory_space<vmem>> -> memref<128xi32, #tpu.memory_space<vmem>>
        %dma_wait3A_149 = arith.constant 0 : i32
        %dma_wait3A_150 = arith.constant 0 : i32
        %dma_wait3A_151 = tpu.memref_slice %arg11[%dma_wait3A_149, %dma_wait3A_150] : memref<10240x128xf32, #tpu.memory_space<vmem_shared>> -> memref<10240x128xf32, #tpu.memory_space<vmem_shared>>
        tpu.wait_indirect_dma semaphore(%run_scoped3A_139 : memref<!tpu.dma_semaphore, #tpu.memory_space<semaphore_mem>>) src(%arg9 : memref<128x128xf32, #tpu.memory_space<vmem>>) dst(%dma_wait3A_151 : memref<10240x128xf32, #tpu.memory_space<vmem_shared>>)
        tpu.yield
      }) : () -> ()
      %dma_wait3A_119 = arith.constant 1 : i32
      %dma_wait3A_120 = arith.constant 0 : i32
      %dma_wait3A_121 = tpu.memref_slice %arg7[%add3A_100, %dma_wait3A_120] : memref<40x128xi32, #tpu.memory_space<vmem>> -> memref<1x128xi32, #tpu.memory_space<vmem>>
      %dma_wait3A_122 = tpu.memref_squeeze %dma_wait3A_121 : memref<1x128xi32, #tpu.memory_space<vmem>> -> memref<128xi32, #tpu.memory_space<vmem>>
      %dma_wait3A_123 = arith.constant 0 : i32
      %dma_wait3A_124 = arith.constant 0 : i32
      %dma_wait3A_125 = tpu.memref_slice %arg2[%dma_wait3A_123, %dma_wait3A_124] : memref<10240x128xf32, #tpu.memory_space<hbm>> -> memref<10240x128xf32, #tpu.memory_space<hbm>>
      %dma_wait3A_126 = tpu.memref_slice %arg12[%dma_wait3A_119] : memref<2x!tpu.dma_semaphore, #tpu.memory_space<semaphore_mem>> -> memref<1x!tpu.dma_semaphore, #tpu.memory_space<semaphore_mem>>
      %dma_wait3A_127 = tpu.memref_squeeze %dma_wait3A_126 : memref<1x!tpu.dma_semaphore, #tpu.memory_space<semaphore_mem>> -> memref<!tpu.dma_semaphore, #tpu.memory_space<semaphore_mem>>
      tpu.wait_indirect_dma semaphore(%dma_wait3A_127 : memref<!tpu.dma_semaphore, #tpu.memory_space<semaphore_mem>>) src(%dma_wait3A_125 : memref<10240x128xf32, #tpu.memory_space<hbm>>) dst(%arg10 : memref<128x128xf32, #tpu.memory_space<vmem>>)
      %add3A_128 = arith.constant 2 : i32
      %add3A_129 = arith.addi %mul3A_98, %add3A_128 : i32
      %dma_start3A_130 = arith.constant 0 : i32
      %dma_start3A_131 = arith.constant 0 : i32
      %dma_start3A_132 = tpu.memref_slice %arg7[%add3A_129, %dma_start3A_131] : memref<40x128xi32, #tpu.memory_space<vmem>> -> memref<1x128xi32, #tpu.memory_space<vmem>>
      %dma_start3A_133 = tpu.memref_squeeze %dma_start3A_132 : memref<1x128xi32, #tpu.memory_space<vmem>> -> memref<128xi32, #tpu.memory_space<vmem>>
      %dma_start3A_134 = arith.constant 0 : i32
      %dma_start3A_135 = arith.constant 0 : i32
      %dma_start3A_136 = tpu.memref_slice %arg2[%dma_start3A_134, %dma_start3A_135] : memref<10240x128xf32, #tpu.memory_space<hbm>> -> memref<10240x128xf32, #tpu.memory_space<hbm>>
      %dma_start3A_137 = tpu.memref_slice %arg12[%dma_start3A_130] : memref<2x!tpu.dma_semaphore, #tpu.memory_space<semaphore_mem>> -> memref<1x!tpu.dma_semaphore, #tpu.memory_space<semaphore_mem>>
      %dma_start3A_138 = tpu.memref_squeeze %dma_start3A_137 : memref<1x!tpu.dma_semaphore, #tpu.memory_space<semaphore_mem>> -> memref<!tpu.dma_semaphore, #tpu.memory_space<semaphore_mem>>
      tpu.enqueue_indirect_dma source(%dma_start3A_136 : memref<10240x128xf32, #tpu.memory_space<hbm>>) target(%arg9 : memref<128x128xf32, #tpu.memory_space<vmem>>) offsets(%dma_start3A_133 : memref<128xi32, #tpu.memory_space<vmem>>) semaphore(%dma_start3A_138 : memref<!tpu.dma_semaphore, #tpu.memory_space<semaphore_mem>>)
      "tpu.region"() ({
        %run_scoped3A_139 = tpu.sem_alloc : memref<!tpu.dma_semaphore, #tpu.memory_space<semaphore_mem>>
        %dma_start3A_140 = arith.constant 0 : i32
        %dma_start3A_141 = tpu.memref_slice %arg8[%add3A_100, %dma_start3A_140] : memref<40x128xi32, #tpu.memory_space<vmem>> -> memref<1x128xi32, #tpu.memory_space<vmem>>
        %dma_start3A_142 = tpu.memref_squeeze %dma_start3A_141 : memref<1x128xi32, #tpu.memory_space<vmem>> -> memref<128xi32, #tpu.memory_space<vmem>>
        %dma_start3A_143 = arith.constant 0 : i32
        %dma_start3A_144 = arith.constant 0 : i32
        %dma_start3A_145 = tpu.memref_slice %arg11[%dma_start3A_143, %dma_start3A_144] : memref<10240x128xf32, #tpu.memory_space<vmem_shared>> -> memref<10240x128xf32, #tpu.memory_space<vmem_shared>>
        tpu.enqueue_indirect_dma source(%arg10 : memref<128x128xf32, #tpu.memory_space<vmem>>) target(%dma_start3A_145 : memref<10240x128xf32, #tpu.memory_space<vmem_shared>>) offsets(%dma_start3A_142 : memref<128xi32, #tpu.memory_space<vmem>>) semaphore(%run_scoped3A_139 : memref<!tpu.dma_semaphore, #tpu.memory_space<semaphore_mem>>) {add = true}
        %dma_wait3A_146 = arith.constant 0 : i32
        %dma_wait3A_147 = tpu.memref_slice %arg8[%add3A_100, %dma_wait3A_146] : memref<40x128xi32, #tpu.memory_space<vmem>> -> memref<1x128xi32, #tpu.memory_space<vmem>>
        %dma_wait3A_148 = tpu.memref_squeeze %dma_wait3A_147 : memref<1x128xi32, #tpu.memory_space<vmem>> -> memref<128xi32, #tpu.memory_space<vmem>>
        %dma_wait3A_149 = arith.constant 0 : i32
        %dma_wait3A_150 = arith.constant 0 : i32
        %dma_wait3A_151 = tpu.memref_slice %arg11[%dma_wait3A_149, %dma_wait3A_150] : memref<10240x128xf32, #tpu.memory_space<vmem_shared>> -> memref<10240x128xf32, #tpu.memory_space<vmem_shared>>
        tpu.wait_indirect_dma semaphore(%run_scoped3A_139 : memref<!tpu.dma_semaphore, #tpu.memory_space<semaphore_mem>>) src(%arg10 : memref<128x128xf32, #tpu.memory_space<vmem>>) dst(%dma_wait3A_151 : memref<10240x128xf32, #tpu.memory_space<vmem_shared>>)
        tpu.yield
      }) : () -> ()
    }
    %scan3A_62 = arith.constant 19 : i32
    %dma_wait3A_63 = arith.constant 38 : i32
    %dma_wait3A_64 = arith.constant 0 : i32
    %dma_wait3A_65 = arith.constant 0 : i32
    %dma_wait3A_66 = tpu.memref_slice %arg7[%dma_wait3A_63, %dma_wait3A_65] : memref<40x128xi32, #tpu.memory_space<vmem>> -> memref<1x128xi32, #tpu.memory_space<vmem>>
    %dma_wait3A_67 = tpu.memref_squeeze %dma_wait3A_66 : memref<1x128xi32, #tpu.memory_space<vmem>> -> memref<128xi32, #tpu.memory_space<vmem>>
    %dma_wait3A_68 = arith.constant 0 : i32
    %dma_wait3A_69 = arith.constant 0 : i32
    %dma_wait3A_70 = tpu.memref_slice %arg2[%dma_wait3A_68, %dma_wait3A_69] : memref<10240x128xf32, #tpu.memory_space<hbm>> -> memref<10240x128xf32, #tpu.memory_space<hbm>>
    %dma_wait3A_71 = tpu.memref_slice %arg12[%dma_wait3A_64] : memref<2x!tpu.dma_semaphore, #tpu.memory_space<semaphore_mem>> -> memref<1x!tpu.dma_semaphore, #tpu.memory_space<semaphore_mem>>
    %dma_wait3A_72 = tpu.memref_squeeze %dma_wait3A_71 : memref<1x!tpu.dma_semaphore, #tpu.memory_space<semaphore_mem>> -> memref<!tpu.dma_semaphore, #tpu.memory_space<semaphore_mem>>
    tpu.wait_indirect_dma semaphore(%dma_wait3A_72 : memref<!tpu.dma_semaphore, #tpu.memory_space<semaphore_mem>>) src(%dma_wait3A_70 : memref<10240x128xf32, #tpu.memory_space<hbm>>) dst(%arg9 : memref<128x128xf32, #tpu.memory_space<vmem>>)
    %dma_start3A_73 = arith.constant 39 : i32
    %dma_start3A_74 = arith.constant 1 : i32
    %dma_start3A_75 = arith.constant 0 : i32
    %dma_start3A_76 = tpu.memref_slice %arg7[%dma_start3A_73, %dma_start3A_75] : memref<40x128xi32, #tpu.memory_space<vmem>> -> memref<1x128xi32, #tpu.memory_space<vmem>>
    %dma_start3A_77 = tpu.memref_squeeze %dma_start3A_76 : memref<1x128xi32, #tpu.memory_space<vmem>> -> memref<128xi32, #tpu.memory_space<vmem>>
    %dma_start3A_78 = arith.constant 0 : i32
    %dma_start3A_79 = arith.constant 0 : i32
    %dma_start3A_80 = tpu.memref_slice %arg2[%dma_start3A_78, %dma_start3A_79] : memref<10240x128xf32, #tpu.memory_space<hbm>> -> memref<10240x128xf32, #tpu.memory_space<hbm>>
    %dma_start3A_81 = tpu.memref_slice %arg12[%dma_start3A_74] : memref<2x!tpu.dma_semaphore, #tpu.memory_space<semaphore_mem>> -> memref<1x!tpu.dma_semaphore, #tpu.memory_space<semaphore_mem>>
    %dma_start3A_82 = tpu.memref_squeeze %dma_start3A_81 : memref<1x!tpu.dma_semaphore, #tpu.memory_space<semaphore_mem>> -> memref<!tpu.dma_semaphore, #tpu.memory_space<semaphore_mem>>
    tpu.enqueue_indirect_dma source(%dma_start3A_80 : memref<10240x128xf32, #tpu.memory_space<hbm>>) target(%arg10 : memref<128x128xf32, #tpu.memory_space<vmem>>) offsets(%dma_start3A_77 : memref<128xi32, #tpu.memory_space<vmem>>) semaphore(%dma_start3A_82 : memref<!tpu.dma_semaphore, #tpu.memory_space<semaphore_mem>>)
    %run_scoped3A_83 = arith.constant 38 : i32
    "tpu.region"() ({
      %run_scoped3A_96 = tpu.sem_alloc : memref<!tpu.dma_semaphore, #tpu.memory_space<semaphore_mem>>
      %dma_start3A_97 = arith.constant 0 : i32
      %dma_start3A_98 = tpu.memref_slice %arg8[%run_scoped3A_83, %dma_start3A_97] : memref<40x128xi32, #tpu.memory_space<vmem>> -> memref<1x128xi32, #tpu.memory_space<vmem>>
      %dma_start3A_99 = tpu.memref_squeeze %dma_start3A_98 : memref<1x128xi32, #tpu.memory_space<vmem>> -> memref<128xi32, #tpu.memory_space<vmem>>
      %dma_start3A_100 = arith.constant 0 : i32
      %dma_start3A_101 = arith.constant 0 : i32
      %dma_start3A_102 = tpu.memref_slice %arg11[%dma_start3A_100, %dma_start3A_101] : memref<10240x128xf32, #tpu.memory_space<vmem_shared>> -> memref<10240x128xf32, #tpu.memory_space<vmem_shared>>
      tpu.enqueue_indirect_dma source(%arg9 : memref<128x128xf32, #tpu.memory_space<vmem>>) target(%dma_start3A_102 : memref<10240x128xf32, #tpu.memory_space<vmem_shared>>) offsets(%dma_start3A_99 : memref<128xi32, #tpu.memory_space<vmem>>) semaphore(%run_scoped3A_96 : memref<!tpu.dma_semaphore, #tpu.memory_space<semaphore_mem>>) {add = true}
      %dma_wait3A_103 = arith.constant 0 : i32
      %dma_wait3A_104 = tpu.memref_slice %arg8[%run_scoped3A_83, %dma_wait3A_103] : memref<40x128xi32, #tpu.memory_space<vmem>> -> memref<1x128xi32, #tpu.memory_space<vmem>>
      %dma_wait3A_105 = tpu.memref_squeeze %dma_wait3A_104 : memref<1x128xi32, #tpu.memory_space<vmem>> -> memref<128xi32, #tpu.memory_space<vmem>>
      %dma_wait3A_106 = arith.constant 0 : i32
      %dma_wait3A_107 = arith.constant 0 : i32
      %dma_wait3A_108 = tpu.memref_slice %arg11[%dma_wait3A_106, %dma_wait3A_107] : memref<10240x128xf32, #tpu.memory_space<vmem_shared>> -> memref<10240x128xf32, #tpu.memory_space<vmem_shared>>
      tpu.wait_indirect_dma semaphore(%run_scoped3A_96 : memref<!tpu.dma_semaphore, #tpu.memory_space<semaphore_mem>>) src(%arg9 : memref<128x128xf32, #tpu.memory_space<vmem>>) dst(%dma_wait3A_108 : memref<10240x128xf32, #tpu.memory_space<vmem_shared>>)
      tpu.yield
    }) : () -> ()
    %dma_wait3A_84 = arith.constant 39 : i32
    %dma_wait3A_85 = arith.constant 1 : i32
    %dma_wait3A_86 = arith.constant 0 : i32
    %dma_wait3A_87 = tpu.memref_slice %arg7[%dma_wait3A_84, %dma_wait3A_86] : memref<40x128xi32, #tpu.memory_space<vmem>> -> memref<1x128xi32, #tpu.memory_space<vmem>>
    %dma_wait3A_88 = tpu.memref_squeeze %dma_wait3A_87 : memref<1x128xi32, #tpu.memory_space<vmem>> -> memref<128xi32, #tpu.memory_space<vmem>>
    %dma_wait3A_89 = arith.constant 0 : i32
    %dma_wait3A_90 = arith.constant 0 : i32
    %dma_wait3A_91 = tpu.memref_slice %arg2[%dma_wait3A_89, %dma_wait3A_90] : memref<10240x128xf32, #tpu.memory_space<hbm>> -> memref<10240x128xf32, #tpu.memory_space<hbm>>
    %dma_wait3A_92 = tpu.memref_slice %arg12[%dma_wait3A_85] : memref<2x!tpu.dma_semaphore, #tpu.memory_space<semaphore_mem>> -> memref<1x!tpu.dma_semaphore, #tpu.memory_space<semaphore_mem>>
    %dma_wait3A_93 = tpu.memref_squeeze %dma_wait3A_92 : memref<1x!tpu.dma_semaphore, #tpu.memory_space<semaphore_mem>> -> memref<!tpu.dma_semaphore, #tpu.memory_space<semaphore_mem>>
    tpu.wait_indirect_dma semaphore(%dma_wait3A_93 : memref<!tpu.dma_semaphore, #tpu.memory_space<semaphore_mem>>) src(%dma_wait3A_91 : memref<10240x128xf32, #tpu.memory_space<hbm>>) dst(%arg10 : memref<128x128xf32, #tpu.memory_space<vmem>>)
    %run_scoped3A_94 = arith.constant 39 : i32
    "tpu.region"() ({
      %run_scoped3A_96 = tpu.sem_alloc : memref<!tpu.dma_semaphore, #tpu.memory_space<semaphore_mem>>
      %dma_start3A_97 = arith.constant 0 : i32
      %dma_start3A_98 = tpu.memref_slice %arg8[%run_scoped3A_94, %dma_start3A_97] : memref<40x128xi32, #tpu.memory_space<vmem>> -> memref<1x128xi32, #tpu.memory_space<vmem>>
      %dma_start3A_99 = tpu.memref_squeeze %dma_start3A_98 : memref<1x128xi32, #tpu.memory_space<vmem>> -> memref<128xi32, #tpu.memory_space<vmem>>
      %dma_start3A_100 = arith.constant 0 : i32
      %dma_start3A_101 = arith.constant 0 : i32
      %dma_start3A_102 = tpu.memref_slice %arg11[%dma_start3A_100, %dma_start3A_101] : memref<10240x128xf32, #tpu.memory_space<vmem_shared>> -> memref<10240x128xf32, #tpu.memory_space<vmem_shared>>
      tpu.enqueue_indirect_dma source(%arg10 : memref<128x128xf32, #tpu.memory_space<vmem>>) target(%dma_start3A_102 : memref<10240x128xf32, #tpu.memory_space<vmem_shared>>) offsets(%dma_start3A_99 : memref<128xi32, #tpu.memory_space<vmem>>) semaphore(%run_scoped3A_96 : memref<!tpu.dma_semaphore, #tpu.memory_space<semaphore_mem>>) {add = true}
      %dma_wait3A_103 = arith.constant 0 : i32
      %dma_wait3A_104 = tpu.memref_slice %arg8[%run_scoped3A_94, %dma_wait3A_103] : memref<40x128xi32, #tpu.memory_space<vmem>> -> memref<1x128xi32, #tpu.memory_space<vmem>>
      %dma_wait3A_105 = tpu.memref_squeeze %dma_wait3A_104 : memref<1x128xi32, #tpu.memory_space<vmem>> -> memref<128xi32, #tpu.memory_space<vmem>>
      %dma_wait3A_106 = arith.constant 0 : i32
      %dma_wait3A_107 = arith.constant 0 : i32
      %dma_wait3A_108 = tpu.memref_slice %arg11[%dma_wait3A_106, %dma_wait3A_107] : memref<10240x128xf32, #tpu.memory_space<vmem_shared>> -> memref<10240x128xf32, #tpu.memory_space<vmem_shared>>
      tpu.wait_indirect_dma semaphore(%run_scoped3A_96 : memref<!tpu.dma_semaphore, #tpu.memory_space<semaphore_mem>>) src(%arg10 : memref<128x128xf32, #tpu.memory_space<vmem>>) dst(%dma_wait3A_108 : memref<10240x128xf32, #tpu.memory_space<vmem_shared>>)
      tpu.yield
    }) : () -> ()
    %barrier3A_95 = arith.constant 0 : index
    tpu.barrier barrier_id(%barrier3A_95)
    "tpu.region"() ({
      %run_scoped3A_96 = tpu.sem_alloc : memref<!tpu.dma_semaphore, #tpu.memory_space<semaphore_mem>>
      %dma_start3A_97 = arith.constant 0 : i32
      %dma_start3A_98 = tpu.memref_slice %arg6[%arg0, %mul3A_2, %dma_start3A_97] : memref<2x10240x128xf32, #tpu.memory_space<hbm>> -> memref<1x640x128xf32, #tpu.memory_space<hbm>>
      %dma_start3A_99 = tpu.memref_squeeze %dma_start3A_98 : memref<1x640x128xf32, #tpu.memory_space<hbm>> -> memref<640x128xf32, #tpu.memory_space<hbm>>
      %dma_start3A_100 = arith.constant 0 : i32
      %dma_start3A_101 = tpu.memref_slice %arg11[%mul3A_2, %dma_start3A_100] : memref<10240x128xf32, #tpu.memory_space<vmem_shared>> -> memref<640x128xf32, #tpu.memory_space<vmem_shared>>
      tpu.enqueue_dma source(%dma_start3A_101 : memref<640x128xf32, #tpu.memory_space<vmem_shared>>) target(%dma_start3A_99 : memref<640x128xf32, #tpu.memory_space<hbm>>) target_semaphore(%run_scoped3A_96 : memref<!tpu.dma_semaphore, #tpu.memory_space<semaphore_mem>>)
      %dma_wait3A_102 = arith.constant 0 : i32
      %dma_wait3A_103 = tpu.memref_slice %arg6[%arg0, %mul3A_2, %dma_wait3A_102] : memref<2x10240x128xf32, #tpu.memory_space<hbm>> -> memref<1x640x128xf32, #tpu.memory_space<hbm>>
      %dma_wait3A_104 = tpu.memref_squeeze %dma_wait3A_103 : memref<1x640x128xf32, #tpu.memory_space<hbm>> -> memref<640x128xf32, #tpu.memory_space<hbm>>
      %dma_wait3A_105 = arith.constant 0 : i32
      %dma_wait3A_106 = tpu.memref_slice %arg11[%mul3A_2, %dma_wait3A_105] : memref<10240x128xf32, #tpu.memory_space<vmem_shared>> -> memref<640x128xf32, #tpu.memory_space<vmem_shared>>
      tpu.wait_dma2 semaphore(%run_scoped3A_96 : memref<!tpu.dma_semaphore, #tpu.memory_space<semaphore_mem>>) src(%dma_wait3A_106 : memref<640x128xf32, #tpu.memory_space<vmem_shared>>) dst(%dma_wait3A_104 : memref<640x128xf32, #tpu.memory_space<hbm>>)
      tpu.yield
    }) : () -> ()
    return
  }
}

#map = affine_map<(d0, d1) -> (0, 0, 0)>
#map1 = affine_map<(d0, d1) -> (0, 0)>
module attributes {stable_mosaic.version = 14 : i64} {
  func.func @_sc_embed_gather(%arg0: i32, %arg1: i32, %arg2: memref<32x4x80xi32, #tpu.memory_space<hbm>>, %arg3: memref<100000x128xf32, #tpu.memory_space<hbm>>, %arg4: memref<10240x128xf32, #tpu.memory_space<hbm>>, %arg5: memref<4x80xi32, #tpu.memory_space<vmem>>, %arg6: memref<80x128xf32, #tpu.memory_space<vmem>>, %arg7: memref<80x128xf32, #tpu.memory_space<vmem>>, %arg8: memref<80x128xf32, #tpu.memory_space<vmem>>, %arg9: memref<80x128xf32, #tpu.memory_space<vmem>>, %arg10: memref<4x!tpu.dma_semaphore, #tpu.memory_space<semaphore_mem>>) attributes {dimension_semantics = [#tpu.dimension_semantics<core_parallel>, #tpu.dimension_semantics<subcore_parallel>], iteration_bounds = array<i64: 2, 16>, scalar_prefetch = 0 : i64, scratch_operands = 6 : i64, tpu.core_type = #tpu.core_type<sc_vector_subcore>, window_params = [{transform_indices = #map}, {transform_indices = #map1}, {transform_indices = #map1}]} {
    %mul3A = arith.constant 2 : i32
    %mul3A_0 = arith.muli %arg1, %mul3A : i32
    %add3A = arith.addi %mul3A_0, %arg0 : i32
    "tpu.region"() ({
      %run_scoped3A = tpu.sem_alloc : memref<!tpu.dma_semaphore, #tpu.memory_space<semaphore_mem>>
      %dma_start3A_95 = arith.constant 0 : i32
      %dma_start3A_96 = arith.constant 0 : i32
      %dma_start3A_97 = tpu.memref_slice %arg2[%add3A, %dma_start3A_95, %dma_start3A_96] : memref<32x4x80xi32, #tpu.memory_space<hbm>> -> memref<1x4x80xi32, #tpu.memory_space<hbm>>
      %dma_start3A_98 = tpu.memref_squeeze %dma_start3A_97 : memref<1x4x80xi32, #tpu.memory_space<hbm>> -> memref<4x80xi32, #tpu.memory_space<hbm>>
      %dma_start3A_99 = arith.constant 0 : i32
      %dma_start3A_100 = arith.constant 0 : i32
      %dma_start3A_101 = tpu.memref_slice %arg2[%add3A, %dma_start3A_99, %dma_start3A_100] : memref<32x4x80xi32, #tpu.memory_space<hbm>> -> memref<1x4x80xi32, #tpu.memory_space<hbm>>
      %dma_start3A_102 = tpu.memref_squeeze %dma_start3A_101 : memref<1x4x80xi32, #tpu.memory_space<hbm>> -> memref<4x80xi32, #tpu.memory_space<hbm>>
      tpu.enqueue_dma source(%dma_start3A_102 : memref<4x80xi32, #tpu.memory_space<hbm>>) target(%arg5 : memref<4x80xi32, #tpu.memory_space<vmem>>) target_semaphore(%run_scoped3A : memref<!tpu.dma_semaphore, #tpu.memory_space<semaphore_mem>>)
      %dma_wait3A_103 = arith.constant 0 : i32
      %dma_wait3A_104 = arith.constant 0 : i32
      %dma_wait3A_105 = tpu.memref_slice %arg2[%add3A, %dma_wait3A_103, %dma_wait3A_104] : memref<32x4x80xi32, #tpu.memory_space<hbm>> -> memref<1x4x80xi32, #tpu.memory_space<hbm>>
      %dma_wait3A_106 = tpu.memref_squeeze %dma_wait3A_105 : memref<1x4x80xi32, #tpu.memory_space<hbm>> -> memref<4x80xi32, #tpu.memory_space<hbm>>
      %dma_wait3A_107 = arith.constant 0 : i32
      %dma_wait3A_108 = arith.constant 0 : i32
      %dma_wait3A_109 = tpu.memref_slice %arg2[%add3A, %dma_wait3A_107, %dma_wait3A_108] : memref<32x4x80xi32, #tpu.memory_space<hbm>> -> memref<1x4x80xi32, #tpu.memory_space<hbm>>
      %dma_wait3A_110 = tpu.memref_squeeze %dma_wait3A_109 : memref<1x4x80xi32, #tpu.memory_space<hbm>> -> memref<4x80xi32, #tpu.memory_space<hbm>>
      tpu.wait_dma2 semaphore(%run_scoped3A : memref<!tpu.dma_semaphore, #tpu.memory_space<semaphore_mem>>) src(%dma_wait3A_110 : memref<4x80xi32, #tpu.memory_space<hbm>>) dst(%arg5 : memref<4x80xi32, #tpu.memory_space<vmem>>)
      tpu.yield
    }) : () -> ()
    %dma_start3A = arith.constant 0 : i32
    %dma_start3A_1 = arith.constant 0 : i32
    %dma_start3A_2 = arith.constant 0 : i32
    %dma_start3A_3 = tpu.memref_slice %arg5[%dma_start3A, %dma_start3A_2] : memref<4x80xi32, #tpu.memory_space<vmem>> -> memref<1x80xi32, #tpu.memory_space<vmem>>
    %dma_start3A_4 = tpu.memref_squeeze %dma_start3A_3 : memref<1x80xi32, #tpu.memory_space<vmem>> -> memref<80xi32, #tpu.memory_space<vmem>>
    %dma_start3A_5 = arith.constant 0 : i32
    %dma_start3A_6 = arith.constant 0 : i32
    %dma_start3A_7 = tpu.memref_slice %arg3[%dma_start3A_5, %dma_start3A_6] : memref<100000x128xf32, #tpu.memory_space<hbm>> -> memref<100000x128xf32, #tpu.memory_space<hbm>>
    %dma_start3A_8 = tpu.memref_slice %arg10[%dma_start3A_1] : memref<4x!tpu.dma_semaphore, #tpu.memory_space<semaphore_mem>> -> memref<1x!tpu.dma_semaphore, #tpu.memory_space<semaphore_mem>>
    %dma_start3A_9 = tpu.memref_squeeze %dma_start3A_8 : memref<1x!tpu.dma_semaphore, #tpu.memory_space<semaphore_mem>> -> memref<!tpu.dma_semaphore, #tpu.memory_space<semaphore_mem>>
    tpu.enqueue_indirect_dma source(%dma_start3A_7 : memref<100000x128xf32, #tpu.memory_space<hbm>>) target(%arg6 : memref<80x128xf32, #tpu.memory_space<vmem>>) offsets(%dma_start3A_4 : memref<80xi32, #tpu.memory_space<vmem>>) semaphore(%dma_start3A_9 : memref<!tpu.dma_semaphore, #tpu.memory_space<semaphore_mem>>)
    %dma_start3A_10 = arith.constant 1 : i32
    %dma_start3A_11 = arith.constant 1 : i32
    %dma_start3A_12 = arith.constant 0 : i32
    %dma_start3A_13 = tpu.memref_slice %arg5[%dma_start3A_10, %dma_start3A_12] : memref<4x80xi32, #tpu.memory_space<vmem>> -> memref<1x80xi32, #tpu.memory_space<vmem>>
    %dma_start3A_14 = tpu.memref_squeeze %dma_start3A_13 : memref<1x80xi32, #tpu.memory_space<vmem>> -> memref<80xi32, #tpu.memory_space<vmem>>
    %dma_start3A_15 = arith.constant 0 : i32
    %dma_start3A_16 = arith.constant 0 : i32
    %dma_start3A_17 = tpu.memref_slice %arg3[%dma_start3A_15, %dma_start3A_16] : memref<100000x128xf32, #tpu.memory_space<hbm>> -> memref<100000x128xf32, #tpu.memory_space<hbm>>
    %dma_start3A_18 = tpu.memref_slice %arg10[%dma_start3A_11] : memref<4x!tpu.dma_semaphore, #tpu.memory_space<semaphore_mem>> -> memref<1x!tpu.dma_semaphore, #tpu.memory_space<semaphore_mem>>
    %dma_start3A_19 = tpu.memref_squeeze %dma_start3A_18 : memref<1x!tpu.dma_semaphore, #tpu.memory_space<semaphore_mem>> -> memref<!tpu.dma_semaphore, #tpu.memory_space<semaphore_mem>>
    tpu.enqueue_indirect_dma source(%dma_start3A_17 : memref<100000x128xf32, #tpu.memory_space<hbm>>) target(%arg7 : memref<80x128xf32, #tpu.memory_space<vmem>>) offsets(%dma_start3A_14 : memref<80xi32, #tpu.memory_space<vmem>>) semaphore(%dma_start3A_19 : memref<!tpu.dma_semaphore, #tpu.memory_space<semaphore_mem>>)
    %dma_start3A_20 = arith.constant 2 : i32
    %dma_start3A_21 = arith.constant 2 : i32
    %dma_start3A_22 = arith.constant 0 : i32
    %dma_start3A_23 = tpu.memref_slice %arg5[%dma_start3A_20, %dma_start3A_22] : memref<4x80xi32, #tpu.memory_space<vmem>> -> memref<1x80xi32, #tpu.memory_space<vmem>>
    %dma_start3A_24 = tpu.memref_squeeze %dma_start3A_23 : memref<1x80xi32, #tpu.memory_space<vmem>> -> memref<80xi32, #tpu.memory_space<vmem>>
    %dma_start3A_25 = arith.constant 0 : i32
    %dma_start3A_26 = arith.constant 0 : i32
    %dma_start3A_27 = tpu.memref_slice %arg3[%dma_start3A_25, %dma_start3A_26] : memref<100000x128xf32, #tpu.memory_space<hbm>> -> memref<100000x128xf32, #tpu.memory_space<hbm>>
    %dma_start3A_28 = tpu.memref_slice %arg10[%dma_start3A_21] : memref<4x!tpu.dma_semaphore, #tpu.memory_space<semaphore_mem>> -> memref<1x!tpu.dma_semaphore, #tpu.memory_space<semaphore_mem>>
    %dma_start3A_29 = tpu.memref_squeeze %dma_start3A_28 : memref<1x!tpu.dma_semaphore, #tpu.memory_space<semaphore_mem>> -> memref<!tpu.dma_semaphore, #tpu.memory_space<semaphore_mem>>
    tpu.enqueue_indirect_dma source(%dma_start3A_27 : memref<100000x128xf32, #tpu.memory_space<hbm>>) target(%arg8 : memref<80x128xf32, #tpu.memory_space<vmem>>) offsets(%dma_start3A_24 : memref<80xi32, #tpu.memory_space<vmem>>) semaphore(%dma_start3A_29 : memref<!tpu.dma_semaphore, #tpu.memory_space<semaphore_mem>>)
    %dma_start3A_30 = arith.constant 3 : i32
    %dma_start3A_31 = arith.constant 3 : i32
    %dma_start3A_32 = arith.constant 0 : i32
    %dma_start3A_33 = tpu.memref_slice %arg5[%dma_start3A_30, %dma_start3A_32] : memref<4x80xi32, #tpu.memory_space<vmem>> -> memref<1x80xi32, #tpu.memory_space<vmem>>
    %dma_start3A_34 = tpu.memref_squeeze %dma_start3A_33 : memref<1x80xi32, #tpu.memory_space<vmem>> -> memref<80xi32, #tpu.memory_space<vmem>>
    %dma_start3A_35 = arith.constant 0 : i32
    %dma_start3A_36 = arith.constant 0 : i32
    %dma_start3A_37 = tpu.memref_slice %arg3[%dma_start3A_35, %dma_start3A_36] : memref<100000x128xf32, #tpu.memory_space<hbm>> -> memref<100000x128xf32, #tpu.memory_space<hbm>>
    %dma_start3A_38 = tpu.memref_slice %arg10[%dma_start3A_31] : memref<4x!tpu.dma_semaphore, #tpu.memory_space<semaphore_mem>> -> memref<1x!tpu.dma_semaphore, #tpu.memory_space<semaphore_mem>>
    %dma_start3A_39 = tpu.memref_squeeze %dma_start3A_38 : memref<1x!tpu.dma_semaphore, #tpu.memory_space<semaphore_mem>> -> memref<!tpu.dma_semaphore, #tpu.memory_space<semaphore_mem>>
    tpu.enqueue_indirect_dma source(%dma_start3A_37 : memref<100000x128xf32, #tpu.memory_space<hbm>>) target(%arg9 : memref<80x128xf32, #tpu.memory_space<vmem>>) offsets(%dma_start3A_34 : memref<80xi32, #tpu.memory_space<vmem>>) semaphore(%dma_start3A_39 : memref<!tpu.dma_semaphore, #tpu.memory_space<semaphore_mem>>)
    %dma_wait3A = arith.constant 0 : i32
    %dma_wait3A_40 = arith.constant 0 : i32
    %dma_wait3A_41 = arith.constant 0 : i32
    %dma_wait3A_42 = tpu.memref_slice %arg5[%dma_wait3A, %dma_wait3A_41] : memref<4x80xi32, #tpu.memory_space<vmem>> -> memref<1x80xi32, #tpu.memory_space<vmem>>
    %dma_wait3A_43 = tpu.memref_squeeze %dma_wait3A_42 : memref<1x80xi32, #tpu.memory_space<vmem>> -> memref<80xi32, #tpu.memory_space<vmem>>
    %dma_wait3A_44 = arith.constant 0 : i32
    %dma_wait3A_45 = arith.constant 0 : i32
    %dma_wait3A_46 = tpu.memref_slice %arg3[%dma_wait3A_44, %dma_wait3A_45] : memref<100000x128xf32, #tpu.memory_space<hbm>> -> memref<100000x128xf32, #tpu.memory_space<hbm>>
    %dma_wait3A_47 = tpu.memref_slice %arg10[%dma_wait3A_40] : memref<4x!tpu.dma_semaphore, #tpu.memory_space<semaphore_mem>> -> memref<1x!tpu.dma_semaphore, #tpu.memory_space<semaphore_mem>>
    %dma_wait3A_48 = tpu.memref_squeeze %dma_wait3A_47 : memref<1x!tpu.dma_semaphore, #tpu.memory_space<semaphore_mem>> -> memref<!tpu.dma_semaphore, #tpu.memory_space<semaphore_mem>>
    tpu.wait_indirect_dma semaphore(%dma_wait3A_48 : memref<!tpu.dma_semaphore, #tpu.memory_space<semaphore_mem>>) src(%dma_wait3A_46 : memref<100000x128xf32, #tpu.memory_space<hbm>>) dst(%arg6 : memref<80x128xf32, #tpu.memory_space<vmem>>)
    %mul3A_49 = arith.constant 320 : i32
    %mul3A_50 = arith.muli %add3A, %mul3A_49 : i32
    %add3A_51 = arith.constant 0 : i32
    %add3A_52 = arith.addi %mul3A_50, %add3A_51 : i32
    "tpu.region"() ({
      %run_scoped3A = tpu.sem_alloc : memref<!tpu.dma_semaphore, #tpu.memory_space<semaphore_mem>>
      %dma_start3A_95 = arith.constant 0 : i32
      %dma_start3A_96 = tpu.memref_slice %arg4[%add3A_52, %dma_start3A_95] : memref<10240x128xf32, #tpu.memory_space<hbm>> -> memref<80x128xf32, #tpu.memory_space<hbm>>
      %dma_start3A_97 = arith.constant 0 : i32
      %dma_start3A_98 = tpu.memref_slice %arg4[%add3A_52, %dma_start3A_97] : memref<10240x128xf32, #tpu.memory_space<hbm>> -> memref<80x128xf32, #tpu.memory_space<hbm>>
      tpu.enqueue_dma source(%arg6 : memref<80x128xf32, #tpu.memory_space<vmem>>) target(%dma_start3A_98 : memref<80x128xf32, #tpu.memory_space<hbm>>) target_semaphore(%run_scoped3A : memref<!tpu.dma_semaphore, #tpu.memory_space<semaphore_mem>>)
      %dma_wait3A_99 = arith.constant 0 : i32
      %dma_wait3A_100 = tpu.memref_slice %arg4[%add3A_52, %dma_wait3A_99] : memref<10240x128xf32, #tpu.memory_space<hbm>> -> memref<80x128xf32, #tpu.memory_space<hbm>>
      %dma_wait3A_101 = arith.constant 0 : i32
      %dma_wait3A_102 = tpu.memref_slice %arg4[%add3A_52, %dma_wait3A_101] : memref<10240x128xf32, #tpu.memory_space<hbm>> -> memref<80x128xf32, #tpu.memory_space<hbm>>
      tpu.wait_dma2 semaphore(%run_scoped3A : memref<!tpu.dma_semaphore, #tpu.memory_space<semaphore_mem>>) src(%arg6 : memref<80x128xf32, #tpu.memory_space<vmem>>) dst(%dma_wait3A_102 : memref<80x128xf32, #tpu.memory_space<hbm>>)
      tpu.yield
    }) : () -> ()
    %dma_wait3A_53 = arith.constant 1 : i32
    %dma_wait3A_54 = arith.constant 1 : i32
    %dma_wait3A_55 = arith.constant 0 : i32
    %dma_wait3A_56 = tpu.memref_slice %arg5[%dma_wait3A_53, %dma_wait3A_55] : memref<4x80xi32, #tpu.memory_space<vmem>> -> memref<1x80xi32, #tpu.memory_space<vmem>>
    %dma_wait3A_57 = tpu.memref_squeeze %dma_wait3A_56 : memref<1x80xi32, #tpu.memory_space<vmem>> -> memref<80xi32, #tpu.memory_space<vmem>>
    %dma_wait3A_58 = arith.constant 0 : i32
    %dma_wait3A_59 = arith.constant 0 : i32
    %dma_wait3A_60 = tpu.memref_slice %arg3[%dma_wait3A_58, %dma_wait3A_59] : memref<100000x128xf32, #tpu.memory_space<hbm>> -> memref<100000x128xf32, #tpu.memory_space<hbm>>
    %dma_wait3A_61 = tpu.memref_slice %arg10[%dma_wait3A_54] : memref<4x!tpu.dma_semaphore, #tpu.memory_space<semaphore_mem>> -> memref<1x!tpu.dma_semaphore, #tpu.memory_space<semaphore_mem>>
    %dma_wait3A_62 = tpu.memref_squeeze %dma_wait3A_61 : memref<1x!tpu.dma_semaphore, #tpu.memory_space<semaphore_mem>> -> memref<!tpu.dma_semaphore, #tpu.memory_space<semaphore_mem>>
    tpu.wait_indirect_dma semaphore(%dma_wait3A_62 : memref<!tpu.dma_semaphore, #tpu.memory_space<semaphore_mem>>) src(%dma_wait3A_60 : memref<100000x128xf32, #tpu.memory_space<hbm>>) dst(%arg7 : memref<80x128xf32, #tpu.memory_space<vmem>>)
    %mul3A_63 = arith.constant 320 : i32
    %mul3A_64 = arith.muli %add3A, %mul3A_63 : i32
    %add3A_65 = arith.constant 80 : i32
    %add3A_66 = arith.addi %mul3A_64, %add3A_65 : i32
    "tpu.region"() ({
      %run_scoped3A = tpu.sem_alloc : memref<!tpu.dma_semaphore, #tpu.memory_space<semaphore_mem>>
      %dma_start3A_95 = arith.constant 0 : i32
      %dma_start3A_96 = tpu.memref_slice %arg4[%add3A_66, %dma_start3A_95] : memref<10240x128xf32, #tpu.memory_space<hbm>> -> memref<80x128xf32, #tpu.memory_space<hbm>>
      %dma_start3A_97 = arith.constant 0 : i32
      %dma_start3A_98 = tpu.memref_slice %arg4[%add3A_66, %dma_start3A_97] : memref<10240x128xf32, #tpu.memory_space<hbm>> -> memref<80x128xf32, #tpu.memory_space<hbm>>
      tpu.enqueue_dma source(%arg7 : memref<80x128xf32, #tpu.memory_space<vmem>>) target(%dma_start3A_98 : memref<80x128xf32, #tpu.memory_space<hbm>>) target_semaphore(%run_scoped3A : memref<!tpu.dma_semaphore, #tpu.memory_space<semaphore_mem>>)
      %dma_wait3A_99 = arith.constant 0 : i32
      %dma_wait3A_100 = tpu.memref_slice %arg4[%add3A_66, %dma_wait3A_99] : memref<10240x128xf32, #tpu.memory_space<hbm>> -> memref<80x128xf32, #tpu.memory_space<hbm>>
      %dma_wait3A_101 = arith.constant 0 : i32
      %dma_wait3A_102 = tpu.memref_slice %arg4[%add3A_66, %dma_wait3A_101] : memref<10240x128xf32, #tpu.memory_space<hbm>> -> memref<80x128xf32, #tpu.memory_space<hbm>>
      tpu.wait_dma2 semaphore(%run_scoped3A : memref<!tpu.dma_semaphore, #tpu.memory_space<semaphore_mem>>) src(%arg7 : memref<80x128xf32, #tpu.memory_space<vmem>>) dst(%dma_wait3A_102 : memref<80x128xf32, #tpu.memory_space<hbm>>)
      tpu.yield
    }) : () -> ()
    %dma_wait3A_67 = arith.constant 2 : i32
    %dma_wait3A_68 = arith.constant 2 : i32
    %dma_wait3A_69 = arith.constant 0 : i32
    %dma_wait3A_70 = tpu.memref_slice %arg5[%dma_wait3A_67, %dma_wait3A_69] : memref<4x80xi32, #tpu.memory_space<vmem>> -> memref<1x80xi32, #tpu.memory_space<vmem>>
    %dma_wait3A_71 = tpu.memref_squeeze %dma_wait3A_70 : memref<1x80xi32, #tpu.memory_space<vmem>> -> memref<80xi32, #tpu.memory_space<vmem>>
    %dma_wait3A_72 = arith.constant 0 : i32
    %dma_wait3A_73 = arith.constant 0 : i32
    %dma_wait3A_74 = tpu.memref_slice %arg3[%dma_wait3A_72, %dma_wait3A_73] : memref<100000x128xf32, #tpu.memory_space<hbm>> -> memref<100000x128xf32, #tpu.memory_space<hbm>>
    %dma_wait3A_75 = tpu.memref_slice %arg10[%dma_wait3A_68] : memref<4x!tpu.dma_semaphore, #tpu.memory_space<semaphore_mem>> -> memref<1x!tpu.dma_semaphore, #tpu.memory_space<semaphore_mem>>
    %dma_wait3A_76 = tpu.memref_squeeze %dma_wait3A_75 : memref<1x!tpu.dma_semaphore, #tpu.memory_space<semaphore_mem>> -> memref<!tpu.dma_semaphore, #tpu.memory_space<semaphore_mem>>
    tpu.wait_indirect_dma semaphore(%dma_wait3A_76 : memref<!tpu.dma_semaphore, #tpu.memory_space<semaphore_mem>>) src(%dma_wait3A_74 : memref<100000x128xf32, #tpu.memory_space<hbm>>) dst(%arg8 : memref<80x128xf32, #tpu.memory_space<vmem>>)
    %mul3A_77 = arith.constant 320 : i32
    %mul3A_78 = arith.muli %add3A, %mul3A_77 : i32
    %add3A_79 = arith.constant 160 : i32
    %add3A_80 = arith.addi %mul3A_78, %add3A_79 : i32
    "tpu.region"() ({
      %run_scoped3A = tpu.sem_alloc : memref<!tpu.dma_semaphore, #tpu.memory_space<semaphore_mem>>
      %dma_start3A_95 = arith.constant 0 : i32
      %dma_start3A_96 = tpu.memref_slice %arg4[%add3A_80, %dma_start3A_95] : memref<10240x128xf32, #tpu.memory_space<hbm>> -> memref<80x128xf32, #tpu.memory_space<hbm>>
      %dma_start3A_97 = arith.constant 0 : i32
      %dma_start3A_98 = tpu.memref_slice %arg4[%add3A_80, %dma_start3A_97] : memref<10240x128xf32, #tpu.memory_space<hbm>> -> memref<80x128xf32, #tpu.memory_space<hbm>>
      tpu.enqueue_dma source(%arg8 : memref<80x128xf32, #tpu.memory_space<vmem>>) target(%dma_start3A_98 : memref<80x128xf32, #tpu.memory_space<hbm>>) target_semaphore(%run_scoped3A : memref<!tpu.dma_semaphore, #tpu.memory_space<semaphore_mem>>)
      %dma_wait3A_99 = arith.constant 0 : i32
      %dma_wait3A_100 = tpu.memref_slice %arg4[%add3A_80, %dma_wait3A_99] : memref<10240x128xf32, #tpu.memory_space<hbm>> -> memref<80x128xf32, #tpu.memory_space<hbm>>
      %dma_wait3A_101 = arith.constant 0 : i32
      %dma_wait3A_102 = tpu.memref_slice %arg4[%add3A_80, %dma_wait3A_101] : memref<10240x128xf32, #tpu.memory_space<hbm>> -> memref<80x128xf32, #tpu.memory_space<hbm>>
      tpu.wait_dma2 semaphore(%run_scoped3A : memref<!tpu.dma_semaphore, #tpu.memory_space<semaphore_mem>>) src(%arg8 : memref<80x128xf32, #tpu.memory_space<vmem>>) dst(%dma_wait3A_102 : memref<80x128xf32, #tpu.memory_space<hbm>>)
      tpu.yield
    }) : () -> ()
    %dma_wait3A_81 = arith.constant 3 : i32
    %dma_wait3A_82 = arith.constant 3 : i32
    %dma_wait3A_83 = arith.constant 0 : i32
    %dma_wait3A_84 = tpu.memref_slice %arg5[%dma_wait3A_81, %dma_wait3A_83] : memref<4x80xi32, #tpu.memory_space<vmem>> -> memref<1x80xi32, #tpu.memory_space<vmem>>
    %dma_wait3A_85 = tpu.memref_squeeze %dma_wait3A_84 : memref<1x80xi32, #tpu.memory_space<vmem>> -> memref<80xi32, #tpu.memory_space<vmem>>
    %dma_wait3A_86 = arith.constant 0 : i32
    %dma_wait3A_87 = arith.constant 0 : i32
    %dma_wait3A_88 = tpu.memref_slice %arg3[%dma_wait3A_86, %dma_wait3A_87] : memref<100000x128xf32, #tpu.memory_space<hbm>> -> memref<100000x128xf32, #tpu.memory_space<hbm>>
    %dma_wait3A_89 = tpu.memref_slice %arg10[%dma_wait3A_82] : memref<4x!tpu.dma_semaphore, #tpu.memory_space<semaphore_mem>> -> memref<1x!tpu.dma_semaphore, #tpu.memory_space<semaphore_mem>>
    %dma_wait3A_90 = tpu.memref_squeeze %dma_wait3A_89 : memref<1x!tpu.dma_semaphore, #tpu.memory_space<semaphore_mem>> -> memref<!tpu.dma_semaphore, #tpu.memory_space<semaphore_mem>>
    tpu.wait_indirect_dma semaphore(%dma_wait3A_90 : memref<!tpu.dma_semaphore, #tpu.memory_space<semaphore_mem>>) src(%dma_wait3A_88 : memref<100000x128xf32, #tpu.memory_space<hbm>>) dst(%arg9 : memref<80x128xf32, #tpu.memory_space<vmem>>)
    %mul3A_91 = arith.constant 320 : i32
    %mul3A_92 = arith.muli %add3A, %mul3A_91 : i32
    %add3A_93 = arith.constant 240 : i32
    %add3A_94 = arith.addi %mul3A_92, %add3A_93 : i32
    "tpu.region"() ({
      %run_scoped3A = tpu.sem_alloc : memref<!tpu.dma_semaphore, #tpu.memory_space<semaphore_mem>>
      %dma_start3A_95 = arith.constant 0 : i32
      %dma_start3A_96 = tpu.memref_slice %arg4[%add3A_94, %dma_start3A_95] : memref<10240x128xf32, #tpu.memory_space<hbm>> -> memref<80x128xf32, #tpu.memory_space<hbm>>
      %dma_start3A_97 = arith.constant 0 : i32
      %dma_start3A_98 = tpu.memref_slice %arg4[%add3A_94, %dma_start3A_97] : memref<10240x128xf32, #tpu.memory_space<hbm>> -> memref<80x128xf32, #tpu.memory_space<hbm>>
      tpu.enqueue_dma source(%arg9 : memref<80x128xf32, #tpu.memory_space<vmem>>) target(%dma_start3A_98 : memref<80x128xf32, #tpu.memory_space<hbm>>) target_semaphore(%run_scoped3A : memref<!tpu.dma_semaphore, #tpu.memory_space<semaphore_mem>>)
      %dma_wait3A_99 = arith.constant 0 : i32
      %dma_wait3A_100 = tpu.memref_slice %arg4[%add3A_94, %dma_wait3A_99] : memref<10240x128xf32, #tpu.memory_space<hbm>> -> memref<80x128xf32, #tpu.memory_space<hbm>>
      %dma_wait3A_101 = arith.constant 0 : i32
      %dma_wait3A_102 = tpu.memref_slice %arg4[%add3A_94, %dma_wait3A_101] : memref<10240x128xf32, #tpu.memory_space<hbm>> -> memref<80x128xf32, #tpu.memory_space<hbm>>
      tpu.wait_dma2 semaphore(%run_scoped3A : memref<!tpu.dma_semaphore, #tpu.memory_space<semaphore_mem>>) src(%arg9 : memref<80x128xf32, #tpu.memory_space<vmem>>) dst(%dma_wait3A_102 : memref<80x128xf32, #tpu.memory_space<hbm>>)
      tpu.yield
    }) : () -> ()
    return
  }
}

#map = affine_map<(d0, d1) -> (0, 0)>
#map1 = affine_map<(d0, d1) -> (0, 0, 0)>
module attributes {stable_mosaic.version = 14 : i64} {
  func.func @_sc_segment_sum(%arg0: i32, %arg1: i32, %arg2: memref<10240x128xf32, #tpu.memory_space<hbm>>, %arg3: memref<32x80x128xi32, #tpu.memory_space<hbm>>, %arg4: memref<32x80x128xi32, #tpu.memory_space<hbm>>, %arg5: memref<10240x128xf32, #tpu.memory_space<hbm>>, %arg6: memref<2x10240x128xf32, #tpu.memory_space<hbm>>, %arg7: memref<40x128xi32, #tpu.memory_space<vmem>>, %arg8: memref<40x128xi32, #tpu.memory_space<vmem>>, %arg9: memref<128x128xf32, #tpu.memory_space<vmem>>, %arg10: memref<128x128xf32, #tpu.memory_space<vmem>>, %arg11: memref<10240x128xf32, #tpu.memory_space<vmem_shared>>, %arg12: memref<2x!tpu.dma_semaphore, #tpu.memory_space<semaphore_mem>>) attributes {dimension_semantics = [#tpu.dimension_semantics<core_parallel>, #tpu.dimension_semantics<subcore_parallel>], iteration_bounds = array<i64: 2, 16>, scalar_prefetch = 0 : i64, scratch_operands = 6 : i64, tpu.core_type = #tpu.core_type<sc_vector_subcore>, window_params = [{transform_indices = #map}, {transform_indices = #map1}, {transform_indices = #map1}, {transform_indices = #map}, {transform_indices = #map1}]} {
    %mul3A = arith.constant 2 : i32
    %mul3A_0 = arith.muli %arg1, %mul3A : i32
    %add3A = arith.addi %mul3A_0, %arg0 : i32
    %mul3A_1 = arith.constant 640 : i32
    %mul3A_2 = arith.muli %arg1, %mul3A_1 : i32
    "tpu.region"() ({
      %run_scoped3A_96 = tpu.sem_alloc : memref<!tpu.dma_semaphore, #tpu.memory_space<semaphore_mem>>
      %dma_start3A_97 = arith.constant 0 : i32
      %dma_start3A_98 = arith.constant 0 : i32
      %dma_start3A_99 = tpu.memref_slice %arg3[%add3A, %dma_start3A_97, %dma_start3A_98] : memref<32x80x128xi32, #tpu.memory_space<hbm>> -> memref<1x40x128xi32, #tpu.memory_space<hbm>>
      %dma_start3A_100 = tpu.memref_squeeze %dma_start3A_99 : memref<1x40x128xi32, #tpu.memory_space<hbm>> -> memref<40x128xi32, #tpu.memory_space<hbm>>
      %dma_start3A_101 = arith.constant 0 : i32
      %dma_start3A_102 = arith.constant 0 : i32
      %dma_start3A_103 = tpu.memref_slice %arg3[%add3A, %dma_start3A_101, %dma_start3A_102] : memref<32x80x128xi32, #tpu.memory_space<hbm>> -> memref<1x40x128xi32, #tpu.memory_space<hbm>>
      %dma_start3A_104 = tpu.memref_squeeze %dma_start3A_103 : memref<1x40x128xi32, #tpu.memory_space<hbm>> -> memref<40x128xi32, #tpu.memory_space<hbm>>
      tpu.enqueue_dma source(%dma_start3A_104 : memref<40x128xi32, #tpu.memory_space<hbm>>) target(%arg7 : memref<40x128xi32, #tpu.memory_space<vmem>>) target_semaphore(%run_scoped3A_96 : memref<!tpu.dma_semaphore, #tpu.memory_space<semaphore_mem>>)
      %dma_wait3A_105 = arith.constant 0 : i32
      %dma_wait3A_106 = arith.constant 0 : i32
      %dma_wait3A_107 = tpu.memref_slice %arg3[%add3A, %dma_wait3A_105, %dma_wait3A_106] : memref<32x80x128xi32, #tpu.memory_space<hbm>> -> memref<1x40x128xi32, #tpu.memory_space<hbm>>
      %dma_wait3A_108 = tpu.memref_squeeze %dma_wait3A_107 : memref<1x40x128xi32, #tpu.memory_space<hbm>> -> memref<40x128xi32, #tpu.memory_space<hbm>>
      %dma_wait3A_109 = arith.constant 0 : i32
      %dma_wait3A_110 = arith.constant 0 : i32
      %dma_wait3A_111 = tpu.memref_slice %arg3[%add3A, %dma_wait3A_109, %dma_wait3A_110] : memref<32x80x128xi32, #tpu.memory_space<hbm>> -> memref<1x40x128xi32, #tpu.memory_space<hbm>>
      %dma_wait3A_112 = tpu.memref_squeeze %dma_wait3A_111 : memref<1x40x128xi32, #tpu.memory_space<hbm>> -> memref<40x128xi32, #tpu.memory_space<hbm>>
      tpu.wait_dma2 semaphore(%run_scoped3A_96 : memref<!tpu.dma_semaphore, #tpu.memory_space<semaphore_mem>>) src(%dma_wait3A_112 : memref<40x128xi32, #tpu.memory_space<hbm>>) dst(%arg7 : memref<40x128xi32, #tpu.memory_space<vmem>>)
      tpu.yield
    }) : () -> ()
    %dma_start3A = arith.constant 0 : i32
    %dma_start3A_3 = arith.constant 0 : i32
    %dma_start3A_4 = arith.constant 0 : i32
    %dma_start3A_5 = tpu.memref_slice %arg7[%dma_start3A, %dma_start3A_4] : memref<40x128xi32, #tpu.memory_space<vmem>> -> memref<1x128xi32, #tpu.memory_space<vmem>>
    %dma_start3A_6 = tpu.memref_squeeze %dma_start3A_5 : memref<1x128xi32, #tpu.memory_space<vmem>> -> memref<128xi32, #tpu.memory_space<vmem>>
    %dma_start3A_7 = arith.constant 0 : i32
    %dma_start3A_8 = arith.constant 0 : i32
    %dma_start3A_9 = tpu.memref_slice %arg2[%dma_start3A_7, %dma_start3A_8] : memref<10240x128xf32, #tpu.memory_space<hbm>> -> memref<10240x128xf32, #tpu.memory_space<hbm>>
    %dma_start3A_10 = tpu.memref_slice %arg12[%dma_start3A_3] : memref<2x!tpu.dma_semaphore, #tpu.memory_space<semaphore_mem>> -> memref<1x!tpu.dma_semaphore, #tpu.memory_space<semaphore_mem>>
    %dma_start3A_11 = tpu.memref_squeeze %dma_start3A_10 : memref<1x!tpu.dma_semaphore, #tpu.memory_space<semaphore_mem>> -> memref<!tpu.dma_semaphore, #tpu.memory_space<semaphore_mem>>
    tpu.enqueue_indirect_dma source(%dma_start3A_9 : memref<10240x128xf32, #tpu.memory_space<hbm>>) target(%arg9 : memref<128x128xf32, #tpu.memory_space<vmem>>) offsets(%dma_start3A_6 : memref<128xi32, #tpu.memory_space<vmem>>) semaphore(%dma_start3A_11 : memref<!tpu.dma_semaphore, #tpu.memory_space<semaphore_mem>>)
    "tpu.region"() ({
      %run_scoped3A_96 = tpu.sem_alloc : memref<!tpu.dma_semaphore, #tpu.memory_space<semaphore_mem>>
      %dma_start3A_97 = arith.constant 0 : i32
      %dma_start3A_98 = arith.constant 0 : i32
      %dma_start3A_99 = tpu.memref_slice %arg4[%add3A, %dma_start3A_97, %dma_start3A_98] : memref<32x80x128xi32, #tpu.memory_space<hbm>> -> memref<1x40x128xi32, #tpu.memory_space<hbm>>
      %dma_start3A_100 = tpu.memref_squeeze %dma_start3A_99 : memref<1x40x128xi32, #tpu.memory_space<hbm>> -> memref<40x128xi32, #tpu.memory_space<hbm>>
      %dma_start3A_101 = arith.constant 0 : i32
      %dma_start3A_102 = arith.constant 0 : i32
      %dma_start3A_103 = tpu.memref_slice %arg4[%add3A, %dma_start3A_101, %dma_start3A_102] : memref<32x80x128xi32, #tpu.memory_space<hbm>> -> memref<1x40x128xi32, #tpu.memory_space<hbm>>
      %dma_start3A_104 = tpu.memref_squeeze %dma_start3A_103 : memref<1x40x128xi32, #tpu.memory_space<hbm>> -> memref<40x128xi32, #tpu.memory_space<hbm>>
      tpu.enqueue_dma source(%dma_start3A_104 : memref<40x128xi32, #tpu.memory_space<hbm>>) target(%arg8 : memref<40x128xi32, #tpu.memory_space<vmem>>) target_semaphore(%run_scoped3A_96 : memref<!tpu.dma_semaphore, #tpu.memory_space<semaphore_mem>>)
      %dma_wait3A_105 = arith.constant 0 : i32
      %dma_wait3A_106 = arith.constant 0 : i32
      %dma_wait3A_107 = tpu.memref_slice %arg4[%add3A, %dma_wait3A_105, %dma_wait3A_106] : memref<32x80x128xi32, #tpu.memory_space<hbm>> -> memref<1x40x128xi32, #tpu.memory_space<hbm>>
      %dma_wait3A_108 = tpu.memref_squeeze %dma_wait3A_107 : memref<1x40x128xi32, #tpu.memory_space<hbm>> -> memref<40x128xi32, #tpu.memory_space<hbm>>
      %dma_wait3A_109 = arith.constant 0 : i32
      %dma_wait3A_110 = arith.constant 0 : i32
      %dma_wait3A_111 = tpu.memref_slice %arg4[%add3A, %dma_wait3A_109, %dma_wait3A_110] : memref<32x80x128xi32, #tpu.memory_space<hbm>> -> memref<1x40x128xi32, #tpu.memory_space<hbm>>
      %dma_wait3A_112 = tpu.memref_squeeze %dma_wait3A_111 : memref<1x40x128xi32, #tpu.memory_space<hbm>> -> memref<40x128xi32, #tpu.memory_space<hbm>>
      tpu.wait_dma2 semaphore(%run_scoped3A_96 : memref<!tpu.dma_semaphore, #tpu.memory_space<semaphore_mem>>) src(%dma_wait3A_112 : memref<40x128xi32, #tpu.memory_space<hbm>>) dst(%arg8 : memref<40x128xi32, #tpu.memory_space<vmem>>)
      tpu.yield
    }) : () -> ()
    "tpu.region"() ({
      %run_scoped3A_96 = tpu.sem_alloc : memref<!tpu.dma_semaphore, #tpu.memory_space<semaphore_mem>>
      %dma_start3A_97 = arith.constant 0 : i32
      %dma_start3A_98 = tpu.memref_slice %arg11[%mul3A_2, %dma_start3A_97] : memref<10240x128xf32, #tpu.memory_space<vmem_shared>> -> memref<640x128xf32, #tpu.memory_space<vmem_shared>>
      %dma_start3A_99 = arith.constant 0 : i32
      %dma_start3A_100 = tpu.memref_slice %arg5[%mul3A_2, %dma_start3A_99] : memref<10240x128xf32, #tpu.memory_space<hbm>> -> memref<640x128xf32, #tpu.memory_space<hbm>>
      tpu.enqueue_dma source(%dma_start3A_100 : memref<640x128xf32, #tpu.memory_space<hbm>>) target(%dma_start3A_98 : memref<640x128xf32, #tpu.memory_space<vmem_shared>>) target_semaphore(%run_scoped3A_96 : memref<!tpu.dma_semaphore, #tpu.memory_space<semaphore_mem>>)
      %dma_wait3A_101 = arith.constant 0 : i32
      %dma_wait3A_102 = tpu.memref_slice %arg11[%mul3A_2, %dma_wait3A_101] : memref<10240x128xf32, #tpu.memory_space<vmem_shared>> -> memref<640x128xf32, #tpu.memory_space<vmem_shared>>
      %dma_wait3A_103 = arith.constant 0 : i32
      %dma_wait3A_104 = tpu.memref_slice %arg5[%mul3A_2, %dma_wait3A_103] : memref<10240x128xf32, #tpu.memory_space<hbm>> -> memref<640x128xf32, #tpu.memory_space<hbm>>
      tpu.wait_dma2 semaphore(%run_scoped3A_96 : memref<!tpu.dma_semaphore, #tpu.memory_space<semaphore_mem>>) src(%dma_wait3A_104 : memref<640x128xf32, #tpu.memory_space<hbm>>) dst(%dma_wait3A_102 : memref<640x128xf32, #tpu.memory_space<vmem_shared>>)
      tpu.yield
    }) : () -> ()
    %barrier3A = arith.constant 0 : index
    tpu.barrier barrier_id(%barrier3A)
    %scan3A = arith.constant 0 : i32
    %scan3A_12 = arith.constant 0 : i32
    %scan3A_13 = arith.constant 19 : i32
    %scan3A_14 = arith.addi %scan3A_12, %scan3A_13 : i32
    %scan3A_15 = arith.constant 1 : i32
    scf.for %scan3A_96 = %scan3A_12 to %scan3A_14 step %scan3A_15  : i32 {
      %mul3A_97 = arith.constant 2 : i32
      %mul3A_98 = arith.muli %mul3A_97, %scan3A_96 : i32
      %add3A_99 = arith.constant 1 : i32
      %add3A_100 = arith.addi %mul3A_98, %add3A_99 : i32
      %dma_wait3A_101 = arith.constant 0 : i32
      %dma_wait3A_102 = arith.constant 0 : i32
      %dma_wait3A_103 = tpu.memref_slice %arg7[%mul3A_98, %dma_wait3A_102] : memref<40x128xi32, #tpu.memory_space<vmem>> -> memref<1x128xi32, #tpu.memory_space<vmem>>
      %dma_wait3A_104 = tpu.memref_squeeze %dma_wait3A_103 : memref<1x128xi32, #tpu.memory_space<vmem>> -> memref<128xi32, #tpu.memory_space<vmem>>
      %dma_wait3A_105 = arith.constant 0 : i32
      %dma_wait3A_106 = arith.constant 0 : i32
      %dma_wait3A_107 = tpu.memref_slice %arg2[%dma_wait3A_105, %dma_wait3A_106] : memref<10240x128xf32, #tpu.memory_space<hbm>> -> memref<10240x128xf32, #tpu.memory_space<hbm>>
      %dma_wait3A_108 = tpu.memref_slice %arg12[%dma_wait3A_101] : memref<2x!tpu.dma_semaphore, #tpu.memory_space<semaphore_mem>> -> memref<1x!tpu.dma_semaphore, #tpu.memory_space<semaphore_mem>>
      %dma_wait3A_109 = tpu.memref_squeeze %dma_wait3A_108 : memref<1x!tpu.dma_semaphore, #tpu.memory_space<semaphore_mem>> -> memref<!tpu.dma_semaphore, #tpu.memory_space<semaphore_mem>>
      tpu.wait_indirect_dma semaphore(%dma_wait3A_109 : memref<!tpu.dma_semaphore, #tpu.memory_space<semaphore_mem>>) src(%dma_wait3A_107 : memref<10240x128xf32, #tpu.memory_space<hbm>>) dst(%arg9 : memref<128x128xf32, #tpu.memory_space<vmem>>)
      %dma_start3A_110 = arith.constant 1 : i32
      %dma_start3A_111 = arith.constant 0 : i32
      %dma_start3A_112 = tpu.memref_slice %arg7[%add3A_100, %dma_start3A_111] : memref<40x128xi32, #tpu.memory_space<vmem>> -> memref<1x128xi32, #tpu.memory_space<vmem>>
      %dma_start3A_113 = tpu.memref_squeeze %dma_start3A_112 : memref<1x128xi32, #tpu.memory_space<vmem>> -> memref<128xi32, #tpu.memory_space<vmem>>
      %dma_start3A_114 = arith.constant 0 : i32
      %dma_start3A_115 = arith.constant 0 : i32
      %dma_start3A_116 = tpu.memref_slice %arg2[%dma_start3A_114, %dma_start3A_115] : memref<10240x128xf32, #tpu.memory_space<hbm>> -> memref<10240x128xf32, #tpu.memory_space<hbm>>
      %dma_start3A_117 = tpu.memref_slice %arg12[%dma_start3A_110] : memref<2x!tpu.dma_semaphore, #tpu.memory_space<semaphore_mem>> -> memref<1x!tpu.dma_semaphore, #tpu.memory_space<semaphore_mem>>
      %dma_start3A_118 = tpu.memref_squeeze %dma_start3A_117 : memref<1x!tpu.dma_semaphore, #tpu.memory_space<semaphore_mem>> -> memref<!tpu.dma_semaphore, #tpu.memory_space<semaphore_mem>>
      tpu.enqueue_indirect_dma source(%dma_start3A_116 : memref<10240x128xf32, #tpu.memory_space<hbm>>) target(%arg10 : memref<128x128xf32, #tpu.memory_space<vmem>>) offsets(%dma_start3A_113 : memref<128xi32, #tpu.memory_space<vmem>>) semaphore(%dma_start3A_118 : memref<!tpu.dma_semaphore, #tpu.memory_space<semaphore_mem>>)
      "tpu.region"() ({
        %run_scoped3A_139 = tpu.sem_alloc : memref<!tpu.dma_semaphore, #tpu.memory_space<semaphore_mem>>
        %dma_start3A_140 = arith.constant 0 : i32
        %dma_start3A_141 = tpu.memref_slice %arg8[%mul3A_98, %dma_start3A_140] : memref<40x128xi32, #tpu.memory_space<vmem>> -> memref<1x128xi32, #tpu.memory_space<vmem>>
        %dma_start3A_142 = tpu.memref_squeeze %dma_start3A_141 : memref<1x128xi32, #tpu.memory_space<vmem>> -> memref<128xi32, #tpu.memory_space<vmem>>
        %dma_start3A_143 = arith.constant 0 : i32
        %dma_start3A_144 = arith.constant 0 : i32
        %dma_start3A_145 = tpu.memref_slice %arg11[%dma_start3A_143, %dma_start3A_144] : memref<10240x128xf32, #tpu.memory_space<vmem_shared>> -> memref<10240x128xf32, #tpu.memory_space<vmem_shared>>
        tpu.enqueue_indirect_dma source(%arg9 : memref<128x128xf32, #tpu.memory_space<vmem>>) target(%dma_start3A_145 : memref<10240x128xf32, #tpu.memory_space<vmem_shared>>) offsets(%dma_start3A_142 : memref<128xi32, #tpu.memory_space<vmem>>) semaphore(%run_scoped3A_139 : memref<!tpu.dma_semaphore, #tpu.memory_space<semaphore_mem>>) {add = true}
        %dma_wait3A_146 = arith.constant 0 : i32
        %dma_wait3A_147 = tpu.memref_slice %arg8[%mul3A_98, %dma_wait3A_146] : memref<40x128xi32, #tpu.memory_space<vmem>> -> memref<1x128xi32, #tpu.memory_space<vmem>>
        %dma_wait3A_148 = tpu.memref_squeeze %dma_wait3A_147 : memref<1x128xi32, #tpu.memory_space<vmem>> -> memref<128xi32, #tpu.memory_space<vmem>>
        %dma_wait3A_149 = arith.constant 0 : i32
        %dma_wait3A_150 = arith.constant 0 : i32
        %dma_wait3A_151 = tpu.memref_slice %arg11[%dma_wait3A_149, %dma_wait3A_150] : memref<10240x128xf32, #tpu.memory_space<vmem_shared>> -> memref<10240x128xf32, #tpu.memory_space<vmem_shared>>
        tpu.wait_indirect_dma semaphore(%run_scoped3A_139 : memref<!tpu.dma_semaphore, #tpu.memory_space<semaphore_mem>>) src(%arg9 : memref<128x128xf32, #tpu.memory_space<vmem>>) dst(%dma_wait3A_151 : memref<10240x128xf32, #tpu.memory_space<vmem_shared>>)
        tpu.yield
      }) : () -> ()
      %dma_wait3A_119 = arith.constant 1 : i32
      %dma_wait3A_120 = arith.constant 0 : i32
      %dma_wait3A_121 = tpu.memref_slice %arg7[%add3A_100, %dma_wait3A_120] : memref<40x128xi32, #tpu.memory_space<vmem>> -> memref<1x128xi32, #tpu.memory_space<vmem>>
      %dma_wait3A_122 = tpu.memref_squeeze %dma_wait3A_121 : memref<1x128xi32, #tpu.memory_space<vmem>> -> memref<128xi32, #tpu.memory_space<vmem>>
      %dma_wait3A_123 = arith.constant 0 : i32
      %dma_wait3A_124 = arith.constant 0 : i32
      %dma_wait3A_125 = tpu.memref_slice %arg2[%dma_wait3A_123, %dma_wait3A_124] : memref<10240x128xf32, #tpu.memory_space<hbm>> -> memref<10240x128xf32, #tpu.memory_space<hbm>>
      %dma_wait3A_126 = tpu.memref_slice %arg12[%dma_wait3A_119] : memref<2x!tpu.dma_semaphore, #tpu.memory_space<semaphore_mem>> -> memref<1x!tpu.dma_semaphore, #tpu.memory_space<semaphore_mem>>
      %dma_wait3A_127 = tpu.memref_squeeze %dma_wait3A_126 : memref<1x!tpu.dma_semaphore, #tpu.memory_space<semaphore_mem>> -> memref<!tpu.dma_semaphore, #tpu.memory_space<semaphore_mem>>
      tpu.wait_indirect_dma semaphore(%dma_wait3A_127 : memref<!tpu.dma_semaphore, #tpu.memory_space<semaphore_mem>>) src(%dma_wait3A_125 : memref<10240x128xf32, #tpu.memory_space<hbm>>) dst(%arg10 : memref<128x128xf32, #tpu.memory_space<vmem>>)
      %add3A_128 = arith.constant 2 : i32
      %add3A_129 = arith.addi %mul3A_98, %add3A_128 : i32
      %dma_start3A_130 = arith.constant 0 : i32
      %dma_start3A_131 = arith.constant 0 : i32
      %dma_start3A_132 = tpu.memref_slice %arg7[%add3A_129, %dma_start3A_131] : memref<40x128xi32, #tpu.memory_space<vmem>> -> memref<1x128xi32, #tpu.memory_space<vmem>>
      %dma_start3A_133 = tpu.memref_squeeze %dma_start3A_132 : memref<1x128xi32, #tpu.memory_space<vmem>> -> memref<128xi32, #tpu.memory_space<vmem>>
      %dma_start3A_134 = arith.constant 0 : i32
      %dma_start3A_135 = arith.constant 0 : i32
      %dma_start3A_136 = tpu.memref_slice %arg2[%dma_start3A_134, %dma_start3A_135] : memref<10240x128xf32, #tpu.memory_space<hbm>> -> memref<10240x128xf32, #tpu.memory_space<hbm>>
      %dma_start3A_137 = tpu.memref_slice %arg12[%dma_start3A_130] : memref<2x!tpu.dma_semaphore, #tpu.memory_space<semaphore_mem>> -> memref<1x!tpu.dma_semaphore, #tpu.memory_space<semaphore_mem>>
      %dma_start3A_138 = tpu.memref_squeeze %dma_start3A_137 : memref<1x!tpu.dma_semaphore, #tpu.memory_space<semaphore_mem>> -> memref<!tpu.dma_semaphore, #tpu.memory_space<semaphore_mem>>
      tpu.enqueue_indirect_dma source(%dma_start3A_136 : memref<10240x128xf32, #tpu.memory_space<hbm>>) target(%arg9 : memref<128x128xf32, #tpu.memory_space<vmem>>) offsets(%dma_start3A_133 : memref<128xi32, #tpu.memory_space<vmem>>) semaphore(%dma_start3A_138 : memref<!tpu.dma_semaphore, #tpu.memory_space<semaphore_mem>>)
      "tpu.region"() ({
        %run_scoped3A_139 = tpu.sem_alloc : memref<!tpu.dma_semaphore, #tpu.memory_space<semaphore_mem>>
        %dma_start3A_140 = arith.constant 0 : i32
        %dma_start3A_141 = tpu.memref_slice %arg8[%add3A_100, %dma_start3A_140] : memref<40x128xi32, #tpu.memory_space<vmem>> -> memref<1x128xi32, #tpu.memory_space<vmem>>
        %dma_start3A_142 = tpu.memref_squeeze %dma_start3A_141 : memref<1x128xi32, #tpu.memory_space<vmem>> -> memref<128xi32, #tpu.memory_space<vmem>>
        %dma_start3A_143 = arith.constant 0 : i32
        %dma_start3A_144 = arith.constant 0 : i32
        %dma_start3A_145 = tpu.memref_slice %arg11[%dma_start3A_143, %dma_start3A_144] : memref<10240x128xf32, #tpu.memory_space<vmem_shared>> -> memref<10240x128xf32, #tpu.memory_space<vmem_shared>>
        tpu.enqueue_indirect_dma source(%arg10 : memref<128x128xf32, #tpu.memory_space<vmem>>) target(%dma_start3A_145 : memref<10240x128xf32, #tpu.memory_space<vmem_shared>>) offsets(%dma_start3A_142 : memref<128xi32, #tpu.memory_space<vmem>>) semaphore(%run_scoped3A_139 : memref<!tpu.dma_semaphore, #tpu.memory_space<semaphore_mem>>) {add = true}
        %dma_wait3A_146 = arith.constant 0 : i32
        %dma_wait3A_147 = tpu.memref_slice %arg8[%add3A_100, %dma_wait3A_146] : memref<40x128xi32, #tpu.memory_space<vmem>> -> memref<1x128xi32, #tpu.memory_space<vmem>>
        %dma_wait3A_148 = tpu.memref_squeeze %dma_wait3A_147 : memref<1x128xi32, #tpu.memory_space<vmem>> -> memref<128xi32, #tpu.memory_space<vmem>>
        %dma_wait3A_149 = arith.constant 0 : i32
        %dma_wait3A_150 = arith.constant 0 : i32
        %dma_wait3A_151 = tpu.memref_slice %arg11[%dma_wait3A_149, %dma_wait3A_150] : memref<10240x128xf32, #tpu.memory_space<vmem_shared>> -> memref<10240x128xf32, #tpu.memory_space<vmem_shared>>
        tpu.wait_indirect_dma semaphore(%run_scoped3A_139 : memref<!tpu.dma_semaphore, #tpu.memory_space<semaphore_mem>>) src(%arg10 : memref<128x128xf32, #tpu.memory_space<vmem>>) dst(%dma_wait3A_151 : memref<10240x128xf32, #tpu.memory_space<vmem_shared>>)
        tpu.yield
      }) : () -> ()
    }
    %scan3A_16 = arith.constant 19 : i32
    %dma_wait3A = arith.constant 38 : i32
    %dma_wait3A_17 = arith.constant 0 : i32
    %dma_wait3A_18 = arith.constant 0 : i32
    %dma_wait3A_19 = tpu.memref_slice %arg7[%dma_wait3A, %dma_wait3A_18] : memref<40x128xi32, #tpu.memory_space<vmem>> -> memref<1x128xi32, #tpu.memory_space<vmem>>
    %dma_wait3A_20 = tpu.memref_squeeze %dma_wait3A_19 : memref<1x128xi32, #tpu.memory_space<vmem>> -> memref<128xi32, #tpu.memory_space<vmem>>
    %dma_wait3A_21 = arith.constant 0 : i32
    %dma_wait3A_22 = arith.constant 0 : i32
    %dma_wait3A_23 = tpu.memref_slice %arg2[%dma_wait3A_21, %dma_wait3A_22] : memref<10240x128xf32, #tpu.memory_space<hbm>> -> memref<10240x128xf32, #tpu.memory_space<hbm>>
    %dma_wait3A_24 = tpu.memref_slice %arg12[%dma_wait3A_17] : memref<2x!tpu.dma_semaphore, #tpu.memory_space<semaphore_mem>> -> memref<1x!tpu.dma_semaphore, #tpu.memory_space<semaphore_mem>>
    %dma_wait3A_25 = tpu.memref_squeeze %dma_wait3A_24 : memref<1x!tpu.dma_semaphore, #tpu.memory_space<semaphore_mem>> -> memref<!tpu.dma_semaphore, #tpu.memory_space<semaphore_mem>>
    tpu.wait_indirect_dma semaphore(%dma_wait3A_25 : memref<!tpu.dma_semaphore, #tpu.memory_space<semaphore_mem>>) src(%dma_wait3A_23 : memref<10240x128xf32, #tpu.memory_space<hbm>>) dst(%arg9 : memref<128x128xf32, #tpu.memory_space<vmem>>)
    %dma_start3A_26 = arith.constant 39 : i32
    %dma_start3A_27 = arith.constant 1 : i32
    %dma_start3A_28 = arith.constant 0 : i32
    %dma_start3A_29 = tpu.memref_slice %arg7[%dma_start3A_26, %dma_start3A_28] : memref<40x128xi32, #tpu.memory_space<vmem>> -> memref<1x128xi32, #tpu.memory_space<vmem>>
    %dma_start3A_30 = tpu.memref_squeeze %dma_start3A_29 : memref<1x128xi32, #tpu.memory_space<vmem>> -> memref<128xi32, #tpu.memory_space<vmem>>
    %dma_start3A_31 = arith.constant 0 : i32
    %dma_start3A_32 = arith.constant 0 : i32
    %dma_start3A_33 = tpu.memref_slice %arg2[%dma_start3A_31, %dma_start3A_32] : memref<10240x128xf32, #tpu.memory_space<hbm>> -> memref<10240x128xf32, #tpu.memory_space<hbm>>
    %dma_start3A_34 = tpu.memref_slice %arg12[%dma_start3A_27] : memref<2x!tpu.dma_semaphore, #tpu.memory_space<semaphore_mem>> -> memref<1x!tpu.dma_semaphore, #tpu.memory_space<semaphore_mem>>
    %dma_start3A_35 = tpu.memref_squeeze %dma_start3A_34 : memref<1x!tpu.dma_semaphore, #tpu.memory_space<semaphore_mem>> -> memref<!tpu.dma_semaphore, #tpu.memory_space<semaphore_mem>>
    tpu.enqueue_indirect_dma source(%dma_start3A_33 : memref<10240x128xf32, #tpu.memory_space<hbm>>) target(%arg10 : memref<128x128xf32, #tpu.memory_space<vmem>>) offsets(%dma_start3A_30 : memref<128xi32, #tpu.memory_space<vmem>>) semaphore(%dma_start3A_35 : memref<!tpu.dma_semaphore, #tpu.memory_space<semaphore_mem>>)
    %run_scoped3A = arith.constant 38 : i32
    "tpu.region"() ({
      %run_scoped3A_96 = tpu.sem_alloc : memref<!tpu.dma_semaphore, #tpu.memory_space<semaphore_mem>>
      %dma_start3A_97 = arith.constant 0 : i32
      %dma_start3A_98 = tpu.memref_slice %arg8[%run_scoped3A, %dma_start3A_97] : memref<40x128xi32, #tpu.memory_space<vmem>> -> memref<1x128xi32, #tpu.memory_space<vmem>>
      %dma_start3A_99 = tpu.memref_squeeze %dma_start3A_98 : memref<1x128xi32, #tpu.memory_space<vmem>> -> memref<128xi32, #tpu.memory_space<vmem>>
      %dma_start3A_100 = arith.constant 0 : i32
      %dma_start3A_101 = arith.constant 0 : i32
      %dma_start3A_102 = tpu.memref_slice %arg11[%dma_start3A_100, %dma_start3A_101] : memref<10240x128xf32, #tpu.memory_space<vmem_shared>> -> memref<10240x128xf32, #tpu.memory_space<vmem_shared>>
      tpu.enqueue_indirect_dma source(%arg9 : memref<128x128xf32, #tpu.memory_space<vmem>>) target(%dma_start3A_102 : memref<10240x128xf32, #tpu.memory_space<vmem_shared>>) offsets(%dma_start3A_99 : memref<128xi32, #tpu.memory_space<vmem>>) semaphore(%run_scoped3A_96 : memref<!tpu.dma_semaphore, #tpu.memory_space<semaphore_mem>>) {add = true}
      %dma_wait3A_103 = arith.constant 0 : i32
      %dma_wait3A_104 = tpu.memref_slice %arg8[%run_scoped3A, %dma_wait3A_103] : memref<40x128xi32, #tpu.memory_space<vmem>> -> memref<1x128xi32, #tpu.memory_space<vmem>>
      %dma_wait3A_105 = tpu.memref_squeeze %dma_wait3A_104 : memref<1x128xi32, #tpu.memory_space<vmem>> -> memref<128xi32, #tpu.memory_space<vmem>>
      %dma_wait3A_106 = arith.constant 0 : i32
      %dma_wait3A_107 = arith.constant 0 : i32
      %dma_wait3A_108 = tpu.memref_slice %arg11[%dma_wait3A_106, %dma_wait3A_107] : memref<10240x128xf32, #tpu.memory_space<vmem_shared>> -> memref<10240x128xf32, #tpu.memory_space<vmem_shared>>
      tpu.wait_indirect_dma semaphore(%run_scoped3A_96 : memref<!tpu.dma_semaphore, #tpu.memory_space<semaphore_mem>>) src(%arg9 : memref<128x128xf32, #tpu.memory_space<vmem>>) dst(%dma_wait3A_108 : memref<10240x128xf32, #tpu.memory_space<vmem_shared>>)
      tpu.yield
    }) : () -> ()
    %dma_wait3A_36 = arith.constant 39 : i32
    %dma_wait3A_37 = arith.constant 1 : i32
    %dma_wait3A_38 = arith.constant 0 : i32
    %dma_wait3A_39 = tpu.memref_slice %arg7[%dma_wait3A_36, %dma_wait3A_38] : memref<40x128xi32, #tpu.memory_space<vmem>> -> memref<1x128xi32, #tpu.memory_space<vmem>>
    %dma_wait3A_40 = tpu.memref_squeeze %dma_wait3A_39 : memref<1x128xi32, #tpu.memory_space<vmem>> -> memref<128xi32, #tpu.memory_space<vmem>>
    %dma_wait3A_41 = arith.constant 0 : i32
    %dma_wait3A_42 = arith.constant 0 : i32
    %dma_wait3A_43 = tpu.memref_slice %arg2[%dma_wait3A_41, %dma_wait3A_42] : memref<10240x128xf32, #tpu.memory_space<hbm>> -> memref<10240x128xf32, #tpu.memory_space<hbm>>
    %dma_wait3A_44 = tpu.memref_slice %arg12[%dma_wait3A_37] : memref<2x!tpu.dma_semaphore, #tpu.memory_space<semaphore_mem>> -> memref<1x!tpu.dma_semaphore, #tpu.memory_space<semaphore_mem>>
    %dma_wait3A_45 = tpu.memref_squeeze %dma_wait3A_44 : memref<1x!tpu.dma_semaphore, #tpu.memory_space<semaphore_mem>> -> memref<!tpu.dma_semaphore, #tpu.memory_space<semaphore_mem>>
    tpu.wait_indirect_dma semaphore(%dma_wait3A_45 : memref<!tpu.dma_semaphore, #tpu.memory_space<semaphore_mem>>) src(%dma_wait3A_43 : memref<10240x128xf32, #tpu.memory_space<hbm>>) dst(%arg10 : memref<128x128xf32, #tpu.memory_space<vmem>>)
    %run_scoped3A_46 = arith.constant 39 : i32
    "tpu.region"() ({
      %run_scoped3A_96 = tpu.sem_alloc : memref<!tpu.dma_semaphore, #tpu.memory_space<semaphore_mem>>
      %dma_start3A_97 = arith.constant 0 : i32
      %dma_start3A_98 = tpu.memref_slice %arg8[%run_scoped3A_46, %dma_start3A_97] : memref<40x128xi32, #tpu.memory_space<vmem>> -> memref<1x128xi32, #tpu.memory_space<vmem>>
      %dma_start3A_99 = tpu.memref_squeeze %dma_start3A_98 : memref<1x128xi32, #tpu.memory_space<vmem>> -> memref<128xi32, #tpu.memory_space<vmem>>
      %dma_start3A_100 = arith.constant 0 : i32
      %dma_start3A_101 = arith.constant 0 : i32
      %dma_start3A_102 = tpu.memref_slice %arg11[%dma_start3A_100, %dma_start3A_101] : memref<10240x128xf32, #tpu.memory_space<vmem_shared>> -> memref<10240x128xf32, #tpu.memory_space<vmem_shared>>
      tpu.enqueue_indirect_dma source(%arg10 : memref<128x128xf32, #tpu.memory_space<vmem>>) target(%dma_start3A_102 : memref<10240x128xf32, #tpu.memory_space<vmem_shared>>) offsets(%dma_start3A_99 : memref<128xi32, #tpu.memory_space<vmem>>) semaphore(%run_scoped3A_96 : memref<!tpu.dma_semaphore, #tpu.memory_space<semaphore_mem>>) {add = true}
      %dma_wait3A_103 = arith.constant 0 : i32
      %dma_wait3A_104 = tpu.memref_slice %arg8[%run_scoped3A_46, %dma_wait3A_103] : memref<40x128xi32, #tpu.memory_space<vmem>> -> memref<1x128xi32, #tpu.memory_space<vmem>>
      %dma_wait3A_105 = tpu.memref_squeeze %dma_wait3A_104 : memref<1x128xi32, #tpu.memory_space<vmem>> -> memref<128xi32, #tpu.memory_space<vmem>>
      %dma_wait3A_106 = arith.constant 0 : i32
      %dma_wait3A_107 = arith.constant 0 : i32
      %dma_wait3A_108 = tpu.memref_slice %arg11[%dma_wait3A_106, %dma_wait3A_107] : memref<10240x128xf32, #tpu.memory_space<vmem_shared>> -> memref<10240x128xf32, #tpu.memory_space<vmem_shared>>
      tpu.wait_indirect_dma semaphore(%run_scoped3A_96 : memref<!tpu.dma_semaphore, #tpu.memory_space<semaphore_mem>>) src(%arg10 : memref<128x128xf32, #tpu.memory_space<vmem>>) dst(%dma_wait3A_108 : memref<10240x128xf32, #tpu.memory_space<vmem_shared>>)
      tpu.yield
    }) : () -> ()
    "tpu.region"() ({
      %run_scoped3A_96 = tpu.sem_alloc : memref<!tpu.dma_semaphore, #tpu.memory_space<semaphore_mem>>
      %dma_start3A_97 = arith.constant 40 : i32
      %dma_start3A_98 = arith.constant 0 : i32
      %dma_start3A_99 = tpu.memref_slice %arg3[%add3A, %dma_start3A_97, %dma_start3A_98] : memref<32x80x128xi32, #tpu.memory_space<hbm>> -> memref<1x40x128xi32, #tpu.memory_space<hbm>>
      %dma_start3A_100 = tpu.memref_squeeze %dma_start3A_99 : memref<1x40x128xi32, #tpu.memory_space<hbm>> -> memref<40x128xi32, #tpu.memory_space<hbm>>
      %dma_start3A_101 = arith.constant 40 : i32
      %dma_start3A_102 = arith.constant 0 : i32
      %dma_start3A_103 = tpu.memref_slice %arg3[%add3A, %dma_start3A_101, %dma_start3A_102] : memref<32x80x128xi32, #tpu.memory_space<hbm>> -> memref<1x40x128xi32, #tpu.memory_space<hbm>>
      %dma_start3A_104 = tpu.memref_squeeze %dma_start3A_103 : memref<1x40x128xi32, #tpu.memory_space<hbm>> -> memref<40x128xi32, #tpu.memory_space<hbm>>
      tpu.enqueue_dma source(%dma_start3A_104 : memref<40x128xi32, #tpu.memory_space<hbm>>) target(%arg7 : memref<40x128xi32, #tpu.memory_space<vmem>>) target_semaphore(%run_scoped3A_96 : memref<!tpu.dma_semaphore, #tpu.memory_space<semaphore_mem>>)
      %dma_wait3A_105 = arith.constant 40 : i32
      %dma_wait3A_106 = arith.constant 0 : i32
      %dma_wait3A_107 = tpu.memref_slice %arg3[%add3A, %dma_wait3A_105, %dma_wait3A_106] : memref<32x80x128xi32, #tpu.memory_space<hbm>> -> memref<1x40x128xi32, #tpu.memory_space<hbm>>
      %dma_wait3A_108 = tpu.memref_squeeze %dma_wait3A_107 : memref<1x40x128xi32, #tpu.memory_space<hbm>> -> memref<40x128xi32, #tpu.memory_space<hbm>>
      %dma_wait3A_109 = arith.constant 40 : i32
      %dma_wait3A_110 = arith.constant 0 : i32
      %dma_wait3A_111 = tpu.memref_slice %arg3[%add3A, %dma_wait3A_109, %dma_wait3A_110] : memref<32x80x128xi32, #tpu.memory_space<hbm>> -> memref<1x40x128xi32, #tpu.memory_space<hbm>>
      %dma_wait3A_112 = tpu.memref_squeeze %dma_wait3A_111 : memref<1x40x128xi32, #tpu.memory_space<hbm>> -> memref<40x128xi32, #tpu.memory_space<hbm>>
      tpu.wait_dma2 semaphore(%run_scoped3A_96 : memref<!tpu.dma_semaphore, #tpu.memory_space<semaphore_mem>>) src(%dma_wait3A_112 : memref<40x128xi32, #tpu.memory_space<hbm>>) dst(%arg7 : memref<40x128xi32, #tpu.memory_space<vmem>>)
      tpu.yield
    }) : () -> ()
    "tpu.region"() ({
      %run_scoped3A_96 = tpu.sem_alloc : memref<!tpu.dma_semaphore, #tpu.memory_space<semaphore_mem>>
      %dma_start3A_97 = arith.constant 40 : i32
      %dma_start3A_98 = arith.constant 0 : i32
      %dma_start3A_99 = tpu.memref_slice %arg4[%add3A, %dma_start3A_97, %dma_start3A_98] : memref<32x80x128xi32, #tpu.memory_space<hbm>> -> memref<1x40x128xi32, #tpu.memory_space<hbm>>
      %dma_start3A_100 = tpu.memref_squeeze %dma_start3A_99 : memref<1x40x128xi32, #tpu.memory_space<hbm>> -> memref<40x128xi32, #tpu.memory_space<hbm>>
      %dma_start3A_101 = arith.constant 40 : i32
      %dma_start3A_102 = arith.constant 0 : i32
      %dma_start3A_103 = tpu.memref_slice %arg4[%add3A, %dma_start3A_101, %dma_start3A_102] : memref<32x80x128xi32, #tpu.memory_space<hbm>> -> memref<1x40x128xi32, #tpu.memory_space<hbm>>
      %dma_start3A_104 = tpu.memref_squeeze %dma_start3A_103 : memref<1x40x128xi32, #tpu.memory_space<hbm>> -> memref<40x128xi32, #tpu.memory_space<hbm>>
      tpu.enqueue_dma source(%dma_start3A_104 : memref<40x128xi32, #tpu.memory_space<hbm>>) target(%arg8 : memref<40x128xi32, #tpu.memory_space<vmem>>) target_semaphore(%run_scoped3A_96 : memref<!tpu.dma_semaphore, #tpu.memory_space<semaphore_mem>>)
      %dma_wait3A_105 = arith.constant 40 : i32
      %dma_wait3A_106 = arith.constant 0 : i32
      %dma_wait3A_107 = tpu.memref_slice %arg4[%add3A, %dma_wait3A_105, %dma_wait3A_106] : memref<32x80x128xi32, #tpu.memory_space<hbm>> -> memref<1x40x128xi32, #tpu.memory_space<hbm>>
      %dma_wait3A_108 = tpu.memref_squeeze %dma_wait3A_107 : memref<1x40x128xi32, #tpu.memory_space<hbm>> -> memref<40x128xi32, #tpu.memory_space<hbm>>
      %dma_wait3A_109 = arith.constant 40 : i32
      %dma_wait3A_110 = arith.constant 0 : i32
      %dma_wait3A_111 = tpu.memref_slice %arg4[%add3A, %dma_wait3A_109, %dma_wait3A_110] : memref<32x80x128xi32, #tpu.memory_space<hbm>> -> memref<1x40x128xi32, #tpu.memory_space<hbm>>
      %dma_wait3A_112 = tpu.memref_squeeze %dma_wait3A_111 : memref<1x40x128xi32, #tpu.memory_space<hbm>> -> memref<40x128xi32, #tpu.memory_space<hbm>>
      tpu.wait_dma2 semaphore(%run_scoped3A_96 : memref<!tpu.dma_semaphore, #tpu.memory_space<semaphore_mem>>) src(%dma_wait3A_112 : memref<40x128xi32, #tpu.memory_space<hbm>>) dst(%arg8 : memref<40x128xi32, #tpu.memory_space<vmem>>)
      tpu.yield
    }) : () -> ()
    %dma_start3A_47 = arith.constant 0 : i32
    %dma_start3A_48 = arith.constant 0 : i32
    %dma_start3A_49 = arith.constant 0 : i32
    %dma_start3A_50 = tpu.memref_slice %arg7[%dma_start3A_47, %dma_start3A_49] : memref<40x128xi32, #tpu.memory_space<vmem>> -> memref<1x128xi32, #tpu.memory_space<vmem>>
    %dma_start3A_51 = tpu.memref_squeeze %dma_start3A_50 : memref<1x128xi32, #tpu.memory_space<vmem>> -> memref<128xi32, #tpu.memory_space<vmem>>
    %dma_start3A_52 = arith.constant 0 : i32
    %dma_start3A_53 = arith.constant 0 : i32
    %dma_start3A_54 = tpu.memref_slice %arg2[%dma_start3A_52, %dma_start3A_53] : memref<10240x128xf32, #tpu.memory_space<hbm>> -> memref<10240x128xf32, #tpu.memory_space<hbm>>
    %dma_start3A_55 = tpu.memref_slice %arg12[%dma_start3A_48] : memref<2x!tpu.dma_semaphore, #tpu.memory_space<semaphore_mem>> -> memref<1x!tpu.dma_semaphore, #tpu.memory_space<semaphore_mem>>
    %dma_start3A_56 = tpu.memref_squeeze %dma_start3A_55 : memref<1x!tpu.dma_semaphore, #tpu.memory_space<semaphore_mem>> -> memref<!tpu.dma_semaphore, #tpu.memory_space<semaphore_mem>>
    tpu.enqueue_indirect_dma source(%dma_start3A_54 : memref<10240x128xf32, #tpu.memory_space<hbm>>) target(%arg9 : memref<128x128xf32, #tpu.memory_space<vmem>>) offsets(%dma_start3A_51 : memref<128xi32, #tpu.memory_space<vmem>>) semaphore(%dma_start3A_56 : memref<!tpu.dma_semaphore, #tpu.memory_space<semaphore_mem>>)
    %scan3A_57 = arith.constant 0 : i32
    %scan3A_58 = arith.constant 0 : i32
    %scan3A_59 = arith.constant 19 : i32
    %scan3A_60 = arith.addi %scan3A_58, %scan3A_59 : i32
    %scan3A_61 = arith.constant 1 : i32
    scf.for %scan3A_96 = %scan3A_58 to %scan3A_60 step %scan3A_61  : i32 {
      %mul3A_97 = arith.constant 2 : i32
      %mul3A_98 = arith.muli %mul3A_97, %scan3A_96 : i32
      %add3A_99 = arith.constant 1 : i32
      %add3A_100 = arith.addi %mul3A_98, %add3A_99 : i32
      %dma_wait3A_101 = arith.constant 0 : i32
      %dma_wait3A_102 = arith.constant 0 : i32
      %dma_wait3A_103 = tpu.memref_slice %arg7[%mul3A_98, %dma_wait3A_102] : memref<40x128xi32, #tpu.memory_space<vmem>> -> memref<1x128xi32, #tpu.memory_space<vmem>>
      %dma_wait3A_104 = tpu.memref_squeeze %dma_wait3A_103 : memref<1x128xi32, #tpu.memory_space<vmem>> -> memref<128xi32, #tpu.memory_space<vmem>>
      %dma_wait3A_105 = arith.constant 0 : i32
      %dma_wait3A_106 = arith.constant 0 : i32
      %dma_wait3A_107 = tpu.memref_slice %arg2[%dma_wait3A_105, %dma_wait3A_106] : memref<10240x128xf32, #tpu.memory_space<hbm>> -> memref<10240x128xf32, #tpu.memory_space<hbm>>
      %dma_wait3A_108 = tpu.memref_slice %arg12[%dma_wait3A_101] : memref<2x!tpu.dma_semaphore, #tpu.memory_space<semaphore_mem>> -> memref<1x!tpu.dma_semaphore, #tpu.memory_space<semaphore_mem>>
      %dma_wait3A_109 = tpu.memref_squeeze %dma_wait3A_108 : memref<1x!tpu.dma_semaphore, #tpu.memory_space<semaphore_mem>> -> memref<!tpu.dma_semaphore, #tpu.memory_space<semaphore_mem>>
      tpu.wait_indirect_dma semaphore(%dma_wait3A_109 : memref<!tpu.dma_semaphore, #tpu.memory_space<semaphore_mem>>) src(%dma_wait3A_107 : memref<10240x128xf32, #tpu.memory_space<hbm>>) dst(%arg9 : memref<128x128xf32, #tpu.memory_space<vmem>>)
      %dma_start3A_110 = arith.constant 1 : i32
      %dma_start3A_111 = arith.constant 0 : i32
      %dma_start3A_112 = tpu.memref_slice %arg7[%add3A_100, %dma_start3A_111] : memref<40x128xi32, #tpu.memory_space<vmem>> -> memref<1x128xi32, #tpu.memory_space<vmem>>
      %dma_start3A_113 = tpu.memref_squeeze %dma_start3A_112 : memref<1x128xi32, #tpu.memory_space<vmem>> -> memref<128xi32, #tpu.memory_space<vmem>>
      %dma_start3A_114 = arith.constant 0 : i32
      %dma_start3A_115 = arith.constant 0 : i32
      %dma_start3A_116 = tpu.memref_slice %arg2[%dma_start3A_114, %dma_start3A_115] : memref<10240x128xf32, #tpu.memory_space<hbm>> -> memref<10240x128xf32, #tpu.memory_space<hbm>>
      %dma_start3A_117 = tpu.memref_slice %arg12[%dma_start3A_110] : memref<2x!tpu.dma_semaphore, #tpu.memory_space<semaphore_mem>> -> memref<1x!tpu.dma_semaphore, #tpu.memory_space<semaphore_mem>>
      %dma_start3A_118 = tpu.memref_squeeze %dma_start3A_117 : memref<1x!tpu.dma_semaphore, #tpu.memory_space<semaphore_mem>> -> memref<!tpu.dma_semaphore, #tpu.memory_space<semaphore_mem>>
      tpu.enqueue_indirect_dma source(%dma_start3A_116 : memref<10240x128xf32, #tpu.memory_space<hbm>>) target(%arg10 : memref<128x128xf32, #tpu.memory_space<vmem>>) offsets(%dma_start3A_113 : memref<128xi32, #tpu.memory_space<vmem>>) semaphore(%dma_start3A_118 : memref<!tpu.dma_semaphore, #tpu.memory_space<semaphore_mem>>)
      "tpu.region"() ({
        %run_scoped3A_139 = tpu.sem_alloc : memref<!tpu.dma_semaphore, #tpu.memory_space<semaphore_mem>>
        %dma_start3A_140 = arith.constant 0 : i32
        %dma_start3A_141 = tpu.memref_slice %arg8[%mul3A_98, %dma_start3A_140] : memref<40x128xi32, #tpu.memory_space<vmem>> -> memref<1x128xi32, #tpu.memory_space<vmem>>
        %dma_start3A_142 = tpu.memref_squeeze %dma_start3A_141 : memref<1x128xi32, #tpu.memory_space<vmem>> -> memref<128xi32, #tpu.memory_space<vmem>>
        %dma_start3A_143 = arith.constant 0 : i32
        %dma_start3A_144 = arith.constant 0 : i32
        %dma_start3A_145 = tpu.memref_slice %arg11[%dma_start3A_143, %dma_start3A_144] : memref<10240x128xf32, #tpu.memory_space<vmem_shared>> -> memref<10240x128xf32, #tpu.memory_space<vmem_shared>>
        tpu.enqueue_indirect_dma source(%arg9 : memref<128x128xf32, #tpu.memory_space<vmem>>) target(%dma_start3A_145 : memref<10240x128xf32, #tpu.memory_space<vmem_shared>>) offsets(%dma_start3A_142 : memref<128xi32, #tpu.memory_space<vmem>>) semaphore(%run_scoped3A_139 : memref<!tpu.dma_semaphore, #tpu.memory_space<semaphore_mem>>) {add = true}
        %dma_wait3A_146 = arith.constant 0 : i32
        %dma_wait3A_147 = tpu.memref_slice %arg8[%mul3A_98, %dma_wait3A_146] : memref<40x128xi32, #tpu.memory_space<vmem>> -> memref<1x128xi32, #tpu.memory_space<vmem>>
        %dma_wait3A_148 = tpu.memref_squeeze %dma_wait3A_147 : memref<1x128xi32, #tpu.memory_space<vmem>> -> memref<128xi32, #tpu.memory_space<vmem>>
        %dma_wait3A_149 = arith.constant 0 : i32
        %dma_wait3A_150 = arith.constant 0 : i32
        %dma_wait3A_151 = tpu.memref_slice %arg11[%dma_wait3A_149, %dma_wait3A_150] : memref<10240x128xf32, #tpu.memory_space<vmem_shared>> -> memref<10240x128xf32, #tpu.memory_space<vmem_shared>>
        tpu.wait_indirect_dma semaphore(%run_scoped3A_139 : memref<!tpu.dma_semaphore, #tpu.memory_space<semaphore_mem>>) src(%arg9 : memref<128x128xf32, #tpu.memory_space<vmem>>) dst(%dma_wait3A_151 : memref<10240x128xf32, #tpu.memory_space<vmem_shared>>)
        tpu.yield
      }) : () -> ()
      %dma_wait3A_119 = arith.constant 1 : i32
      %dma_wait3A_120 = arith.constant 0 : i32
      %dma_wait3A_121 = tpu.memref_slice %arg7[%add3A_100, %dma_wait3A_120] : memref<40x128xi32, #tpu.memory_space<vmem>> -> memref<1x128xi32, #tpu.memory_space<vmem>>
      %dma_wait3A_122 = tpu.memref_squeeze %dma_wait3A_121 : memref<1x128xi32, #tpu.memory_space<vmem>> -> memref<128xi32, #tpu.memory_space<vmem>>
      %dma_wait3A_123 = arith.constant 0 : i32
      %dma_wait3A_124 = arith.constant 0 : i32
      %dma_wait3A_125 = tpu.memref_slice %arg2[%dma_wait3A_123, %dma_wait3A_124] : memref<10240x128xf32, #tpu.memory_space<hbm>> -> memref<10240x128xf32, #tpu.memory_space<hbm>>
      %dma_wait3A_126 = tpu.memref_slice %arg12[%dma_wait3A_119] : memref<2x!tpu.dma_semaphore, #tpu.memory_space<semaphore_mem>> -> memref<1x!tpu.dma_semaphore, #tpu.memory_space<semaphore_mem>>
      %dma_wait3A_127 = tpu.memref_squeeze %dma_wait3A_126 : memref<1x!tpu.dma_semaphore, #tpu.memory_space<semaphore_mem>> -> memref<!tpu.dma_semaphore, #tpu.memory_space<semaphore_mem>>
      tpu.wait_indirect_dma semaphore(%dma_wait3A_127 : memref<!tpu.dma_semaphore, #tpu.memory_space<semaphore_mem>>) src(%dma_wait3A_125 : memref<10240x128xf32, #tpu.memory_space<hbm>>) dst(%arg10 : memref<128x128xf32, #tpu.memory_space<vmem>>)
      %add3A_128 = arith.constant 2 : i32
      %add3A_129 = arith.addi %mul3A_98, %add3A_128 : i32
      %dma_start3A_130 = arith.constant 0 : i32
      %dma_start3A_131 = arith.constant 0 : i32
      %dma_start3A_132 = tpu.memref_slice %arg7[%add3A_129, %dma_start3A_131] : memref<40x128xi32, #tpu.memory_space<vmem>> -> memref<1x128xi32, #tpu.memory_space<vmem>>
      %dma_start3A_133 = tpu.memref_squeeze %dma_start3A_132 : memref<1x128xi32, #tpu.memory_space<vmem>> -> memref<128xi32, #tpu.memory_space<vmem>>
      %dma_start3A_134 = arith.constant 0 : i32
      %dma_start3A_135 = arith.constant 0 : i32
      %dma_start3A_136 = tpu.memref_slice %arg2[%dma_start3A_134, %dma_start3A_135] : memref<10240x128xf32, #tpu.memory_space<hbm>> -> memref<10240x128xf32, #tpu.memory_space<hbm>>
      %dma_start3A_137 = tpu.memref_slice %arg12[%dma_start3A_130] : memref<2x!tpu.dma_semaphore, #tpu.memory_space<semaphore_mem>> -> memref<1x!tpu.dma_semaphore, #tpu.memory_space<semaphore_mem>>
      %dma_start3A_138 = tpu.memref_squeeze %dma_start3A_137 : memref<1x!tpu.dma_semaphore, #tpu.memory_space<semaphore_mem>> -> memref<!tpu.dma_semaphore, #tpu.memory_space<semaphore_mem>>
      tpu.enqueue_indirect_dma source(%dma_start3A_136 : memref<10240x128xf32, #tpu.memory_space<hbm>>) target(%arg9 : memref<128x128xf32, #tpu.memory_space<vmem>>) offsets(%dma_start3A_133 : memref<128xi32, #tpu.memory_space<vmem>>) semaphore(%dma_start3A_138 : memref<!tpu.dma_semaphore, #tpu.memory_space<semaphore_mem>>)
      "tpu.region"() ({
        %run_scoped3A_139 = tpu.sem_alloc : memref<!tpu.dma_semaphore, #tpu.memory_space<semaphore_mem>>
        %dma_start3A_140 = arith.constant 0 : i32
        %dma_start3A_141 = tpu.memref_slice %arg8[%add3A_100, %dma_start3A_140] : memref<40x128xi32, #tpu.memory_space<vmem>> -> memref<1x128xi32, #tpu.memory_space<vmem>>
        %dma_start3A_142 = tpu.memref_squeeze %dma_start3A_141 : memref<1x128xi32, #tpu.memory_space<vmem>> -> memref<128xi32, #tpu.memory_space<vmem>>
        %dma_start3A_143 = arith.constant 0 : i32
        %dma_start3A_144 = arith.constant 0 : i32
        %dma_start3A_145 = tpu.memref_slice %arg11[%dma_start3A_143, %dma_start3A_144] : memref<10240x128xf32, #tpu.memory_space<vmem_shared>> -> memref<10240x128xf32, #tpu.memory_space<vmem_shared>>
        tpu.enqueue_indirect_dma source(%arg10 : memref<128x128xf32, #tpu.memory_space<vmem>>) target(%dma_start3A_145 : memref<10240x128xf32, #tpu.memory_space<vmem_shared>>) offsets(%dma_start3A_142 : memref<128xi32, #tpu.memory_space<vmem>>) semaphore(%run_scoped3A_139 : memref<!tpu.dma_semaphore, #tpu.memory_space<semaphore_mem>>) {add = true}
        %dma_wait3A_146 = arith.constant 0 : i32
        %dma_wait3A_147 = tpu.memref_slice %arg8[%add3A_100, %dma_wait3A_146] : memref<40x128xi32, #tpu.memory_space<vmem>> -> memref<1x128xi32, #tpu.memory_space<vmem>>
        %dma_wait3A_148 = tpu.memref_squeeze %dma_wait3A_147 : memref<1x128xi32, #tpu.memory_space<vmem>> -> memref<128xi32, #tpu.memory_space<vmem>>
        %dma_wait3A_149 = arith.constant 0 : i32
        %dma_wait3A_150 = arith.constant 0 : i32
        %dma_wait3A_151 = tpu.memref_slice %arg11[%dma_wait3A_149, %dma_wait3A_150] : memref<10240x128xf32, #tpu.memory_space<vmem_shared>> -> memref<10240x128xf32, #tpu.memory_space<vmem_shared>>
        tpu.wait_indirect_dma semaphore(%run_scoped3A_139 : memref<!tpu.dma_semaphore, #tpu.memory_space<semaphore_mem>>) src(%arg10 : memref<128x128xf32, #tpu.memory_space<vmem>>) dst(%dma_wait3A_151 : memref<10240x128xf32, #tpu.memory_space<vmem_shared>>)
        tpu.yield
      }) : () -> ()
    }
    %scan3A_62 = arith.constant 19 : i32
    %dma_wait3A_63 = arith.constant 38 : i32
    %dma_wait3A_64 = arith.constant 0 : i32
    %dma_wait3A_65 = arith.constant 0 : i32
    %dma_wait3A_66 = tpu.memref_slice %arg7[%dma_wait3A_63, %dma_wait3A_65] : memref<40x128xi32, #tpu.memory_space<vmem>> -> memref<1x128xi32, #tpu.memory_space<vmem>>
    %dma_wait3A_67 = tpu.memref_squeeze %dma_wait3A_66 : memref<1x128xi32, #tpu.memory_space<vmem>> -> memref<128xi32, #tpu.memory_space<vmem>>
    %dma_wait3A_68 = arith.constant 0 : i32
    %dma_wait3A_69 = arith.constant 0 : i32
    %dma_wait3A_70 = tpu.memref_slice %arg2[%dma_wait3A_68, %dma_wait3A_69] : memref<10240x128xf32, #tpu.memory_space<hbm>> -> memref<10240x128xf32, #tpu.memory_space<hbm>>
    %dma_wait3A_71 = tpu.memref_slice %arg12[%dma_wait3A_64] : memref<2x!tpu.dma_semaphore, #tpu.memory_space<semaphore_mem>> -> memref<1x!tpu.dma_semaphore, #tpu.memory_space<semaphore_mem>>
    %dma_wait3A_72 = tpu.memref_squeeze %dma_wait3A_71 : memref<1x!tpu.dma_semaphore, #tpu.memory_space<semaphore_mem>> -> memref<!tpu.dma_semaphore, #tpu.memory_space<semaphore_mem>>
    tpu.wait_indirect_dma semaphore(%dma_wait3A_72 : memref<!tpu.dma_semaphore, #tpu.memory_space<semaphore_mem>>) src(%dma_wait3A_70 : memref<10240x128xf32, #tpu.memory_space<hbm>>) dst(%arg9 : memref<128x128xf32, #tpu.memory_space<vmem>>)
    %dma_start3A_73 = arith.constant 39 : i32
    %dma_start3A_74 = arith.constant 1 : i32
    %dma_start3A_75 = arith.constant 0 : i32
    %dma_start3A_76 = tpu.memref_slice %arg7[%dma_start3A_73, %dma_start3A_75] : memref<40x128xi32, #tpu.memory_space<vmem>> -> memref<1x128xi32, #tpu.memory_space<vmem>>
    %dma_start3A_77 = tpu.memref_squeeze %dma_start3A_76 : memref<1x128xi32, #tpu.memory_space<vmem>> -> memref<128xi32, #tpu.memory_space<vmem>>
    %dma_start3A_78 = arith.constant 0 : i32
    %dma_start3A_79 = arith.constant 0 : i32
    %dma_start3A_80 = tpu.memref_slice %arg2[%dma_start3A_78, %dma_start3A_79] : memref<10240x128xf32, #tpu.memory_space<hbm>> -> memref<10240x128xf32, #tpu.memory_space<hbm>>
    %dma_start3A_81 = tpu.memref_slice %arg12[%dma_start3A_74] : memref<2x!tpu.dma_semaphore, #tpu.memory_space<semaphore_mem>> -> memref<1x!tpu.dma_semaphore, #tpu.memory_space<semaphore_mem>>
    %dma_start3A_82 = tpu.memref_squeeze %dma_start3A_81 : memref<1x!tpu.dma_semaphore, #tpu.memory_space<semaphore_mem>> -> memref<!tpu.dma_semaphore, #tpu.memory_space<semaphore_mem>>
    tpu.enqueue_indirect_dma source(%dma_start3A_80 : memref<10240x128xf32, #tpu.memory_space<hbm>>) target(%arg10 : memref<128x128xf32, #tpu.memory_space<vmem>>) offsets(%dma_start3A_77 : memref<128xi32, #tpu.memory_space<vmem>>) semaphore(%dma_start3A_82 : memref<!tpu.dma_semaphore, #tpu.memory_space<semaphore_mem>>)
    %run_scoped3A_83 = arith.constant 38 : i32
    "tpu.region"() ({
      %run_scoped3A_96 = tpu.sem_alloc : memref<!tpu.dma_semaphore, #tpu.memory_space<semaphore_mem>>
      %dma_start3A_97 = arith.constant 0 : i32
      %dma_start3A_98 = tpu.memref_slice %arg8[%run_scoped3A_83, %dma_start3A_97] : memref<40x128xi32, #tpu.memory_space<vmem>> -> memref<1x128xi32, #tpu.memory_space<vmem>>
      %dma_start3A_99 = tpu.memref_squeeze %dma_start3A_98 : memref<1x128xi32, #tpu.memory_space<vmem>> -> memref<128xi32, #tpu.memory_space<vmem>>
      %dma_start3A_100 = arith.constant 0 : i32
      %dma_start3A_101 = arith.constant 0 : i32
      %dma_start3A_102 = tpu.memref_slice %arg11[%dma_start3A_100, %dma_start3A_101] : memref<10240x128xf32, #tpu.memory_space<vmem_shared>> -> memref<10240x128xf32, #tpu.memory_space<vmem_shared>>
      tpu.enqueue_indirect_dma source(%arg9 : memref<128x128xf32, #tpu.memory_space<vmem>>) target(%dma_start3A_102 : memref<10240x128xf32, #tpu.memory_space<vmem_shared>>) offsets(%dma_start3A_99 : memref<128xi32, #tpu.memory_space<vmem>>) semaphore(%run_scoped3A_96 : memref<!tpu.dma_semaphore, #tpu.memory_space<semaphore_mem>>) {add = true}
      %dma_wait3A_103 = arith.constant 0 : i32
      %dma_wait3A_104 = tpu.memref_slice %arg8[%run_scoped3A_83, %dma_wait3A_103] : memref<40x128xi32, #tpu.memory_space<vmem>> -> memref<1x128xi32, #tpu.memory_space<vmem>>
      %dma_wait3A_105 = tpu.memref_squeeze %dma_wait3A_104 : memref<1x128xi32, #tpu.memory_space<vmem>> -> memref<128xi32, #tpu.memory_space<vmem>>
      %dma_wait3A_106 = arith.constant 0 : i32
      %dma_wait3A_107 = arith.constant 0 : i32
      %dma_wait3A_108 = tpu.memref_slice %arg11[%dma_wait3A_106, %dma_wait3A_107] : memref<10240x128xf32, #tpu.memory_space<vmem_shared>> -> memref<10240x128xf32, #tpu.memory_space<vmem_shared>>
      tpu.wait_indirect_dma semaphore(%run_scoped3A_96 : memref<!tpu.dma_semaphore, #tpu.memory_space<semaphore_mem>>) src(%arg9 : memref<128x128xf32, #tpu.memory_space<vmem>>) dst(%dma_wait3A_108 : memref<10240x128xf32, #tpu.memory_space<vmem_shared>>)
      tpu.yield
    }) : () -> ()
    %dma_wait3A_84 = arith.constant 39 : i32
    %dma_wait3A_85 = arith.constant 1 : i32
    %dma_wait3A_86 = arith.constant 0 : i32
    %dma_wait3A_87 = tpu.memref_slice %arg7[%dma_wait3A_84, %dma_wait3A_86] : memref<40x128xi32, #tpu.memory_space<vmem>> -> memref<1x128xi32, #tpu.memory_space<vmem>>
    %dma_wait3A_88 = tpu.memref_squeeze %dma_wait3A_87 : memref<1x128xi32, #tpu.memory_space<vmem>> -> memref<128xi32, #tpu.memory_space<vmem>>
    %dma_wait3A_89 = arith.constant 0 : i32
    %dma_wait3A_90 = arith.constant 0 : i32
    %dma_wait3A_91 = tpu.memref_slice %arg2[%dma_wait3A_89, %dma_wait3A_90] : memref<10240x128xf32, #tpu.memory_space<hbm>> -> memref<10240x128xf32, #tpu.memory_space<hbm>>
    %dma_wait3A_92 = tpu.memref_slice %arg12[%dma_wait3A_85] : memref<2x!tpu.dma_semaphore, #tpu.memory_space<semaphore_mem>> -> memref<1x!tpu.dma_semaphore, #tpu.memory_space<semaphore_mem>>
    %dma_wait3A_93 = tpu.memref_squeeze %dma_wait3A_92 : memref<1x!tpu.dma_semaphore, #tpu.memory_space<semaphore_mem>> -> memref<!tpu.dma_semaphore, #tpu.memory_space<semaphore_mem>>
    tpu.wait_indirect_dma semaphore(%dma_wait3A_93 : memref<!tpu.dma_semaphore, #tpu.memory_space<semaphore_mem>>) src(%dma_wait3A_91 : memref<10240x128xf32, #tpu.memory_space<hbm>>) dst(%arg10 : memref<128x128xf32, #tpu.memory_space<vmem>>)
    %run_scoped3A_94 = arith.constant 39 : i32
    "tpu.region"() ({
      %run_scoped3A_96 = tpu.sem_alloc : memref<!tpu.dma_semaphore, #tpu.memory_space<semaphore_mem>>
      %dma_start3A_97 = arith.constant 0 : i32
      %dma_start3A_98 = tpu.memref_slice %arg8[%run_scoped3A_94, %dma_start3A_97] : memref<40x128xi32, #tpu.memory_space<vmem>> -> memref<1x128xi32, #tpu.memory_space<vmem>>
      %dma_start3A_99 = tpu.memref_squeeze %dma_start3A_98 : memref<1x128xi32, #tpu.memory_space<vmem>> -> memref<128xi32, #tpu.memory_space<vmem>>
      %dma_start3A_100 = arith.constant 0 : i32
      %dma_start3A_101 = arith.constant 0 : i32
      %dma_start3A_102 = tpu.memref_slice %arg11[%dma_start3A_100, %dma_start3A_101] : memref<10240x128xf32, #tpu.memory_space<vmem_shared>> -> memref<10240x128xf32, #tpu.memory_space<vmem_shared>>
      tpu.enqueue_indirect_dma source(%arg10 : memref<128x128xf32, #tpu.memory_space<vmem>>) target(%dma_start3A_102 : memref<10240x128xf32, #tpu.memory_space<vmem_shared>>) offsets(%dma_start3A_99 : memref<128xi32, #tpu.memory_space<vmem>>) semaphore(%run_scoped3A_96 : memref<!tpu.dma_semaphore, #tpu.memory_space<semaphore_mem>>) {add = true}
      %dma_wait3A_103 = arith.constant 0 : i32
      %dma_wait3A_104 = tpu.memref_slice %arg8[%run_scoped3A_94, %dma_wait3A_103] : memref<40x128xi32, #tpu.memory_space<vmem>> -> memref<1x128xi32, #tpu.memory_space<vmem>>
      %dma_wait3A_105 = tpu.memref_squeeze %dma_wait3A_104 : memref<1x128xi32, #tpu.memory_space<vmem>> -> memref<128xi32, #tpu.memory_space<vmem>>
      %dma_wait3A_106 = arith.constant 0 : i32
      %dma_wait3A_107 = arith.constant 0 : i32
      %dma_wait3A_108 = tpu.memref_slice %arg11[%dma_wait3A_106, %dma_wait3A_107] : memref<10240x128xf32, #tpu.memory_space<vmem_shared>> -> memref<10240x128xf32, #tpu.memory_space<vmem_shared>>
      tpu.wait_indirect_dma semaphore(%run_scoped3A_96 : memref<!tpu.dma_semaphore, #tpu.memory_space<semaphore_mem>>) src(%arg10 : memref<128x128xf32, #tpu.memory_space<vmem>>) dst(%dma_wait3A_108 : memref<10240x128xf32, #tpu.memory_space<vmem_shared>>)
      tpu.yield
    }) : () -> ()
    %barrier3A_95 = arith.constant 0 : index
    tpu.barrier barrier_id(%barrier3A_95)
    "tpu.region"() ({
      %run_scoped3A_96 = tpu.sem_alloc : memref<!tpu.dma_semaphore, #tpu.memory_space<semaphore_mem>>
      %dma_start3A_97 = arith.constant 0 : i32
      %dma_start3A_98 = tpu.memref_slice %arg6[%arg0, %mul3A_2, %dma_start3A_97] : memref<2x10240x128xf32, #tpu.memory_space<hbm>> -> memref<1x640x128xf32, #tpu.memory_space<hbm>>
      %dma_start3A_99 = tpu.memref_squeeze %dma_start3A_98 : memref<1x640x128xf32, #tpu.memory_space<hbm>> -> memref<640x128xf32, #tpu.memory_space<hbm>>
      %dma_start3A_100 = arith.constant 0 : i32
      %dma_start3A_101 = tpu.memref_slice %arg11[%mul3A_2, %dma_start3A_100] : memref<10240x128xf32, #tpu.memory_space<vmem_shared>> -> memref<640x128xf32, #tpu.memory_space<vmem_shared>>
      tpu.enqueue_dma source(%dma_start3A_101 : memref<640x128xf32, #tpu.memory_space<vmem_shared>>) target(%dma_start3A_99 : memref<640x128xf32, #tpu.memory_space<hbm>>) target_semaphore(%run_scoped3A_96 : memref<!tpu.dma_semaphore, #tpu.memory_space<semaphore_mem>>)
      %dma_wait3A_102 = arith.constant 0 : i32
      %dma_wait3A_103 = tpu.memref_slice %arg6[%arg0, %mul3A_2, %dma_wait3A_102] : memref<2x10240x128xf32, #tpu.memory_space<hbm>> -> memref<1x640x128xf32, #tpu.memory_space<hbm>>
      %dma_wait3A_104 = tpu.memref_squeeze %dma_wait3A_103 : memref<1x640x128xf32, #tpu.memory_space<hbm>> -> memref<640x128xf32, #tpu.memory_space<hbm>>
      %dma_wait3A_105 = arith.constant 0 : i32
      %dma_wait3A_106 = tpu.memref_slice %arg11[%mul3A_2, %dma_wait3A_105] : memref<10240x128xf32, #tpu.memory_space<vmem_shared>> -> memref<640x128xf32, #tpu.memory_space<vmem_shared>>
      tpu.wait_dma2 semaphore(%run_scoped3A_96 : memref<!tpu.dma_semaphore, #tpu.memory_space<semaphore_mem>>) src(%dma_wait3A_106 : memref<640x128xf32, #tpu.memory_space<vmem_shared>>) dst(%dma_wait3A_104 : memref<640x128xf32, #tpu.memory_space<hbm>>)
      tpu.yield
    }) : () -> ()
    return
  }
}

module attributes {stable_mosaic.version = 14 : i64} {
  func.func @_mm_body(%arg0: i32, %arg1: memref<5120x128xf32, #tpu.memory_space<vmem>>, %arg2: memref<128x128xf32, #tpu.memory_space<vmem>>, %arg3: memref<5120x128xf32, #tpu.memory_space<vmem>>) attributes {dimension_semantics = [#tpu.dimension_semantics<arbitrary>], iteration_bounds = array<i64: 2>, scalar_prefetch = 0 : i64, scratch_operands = 0 : i64, tpu.core_type = #tpu.core_type<tc>, window_params = [{transform_indices = @transform_0, window_bounds = array<i64: 5120, 128>}, {pipeline_mode = #tpu.pipeline_mode<synchronous>, transform_indices = @transform_1, window_bounds = array<i64: 128, 128>}, {transform_indices = @transform_2, window_bounds = array<i64: 5120, 128>}]} {
    %get3A = arith.constant 0 : index
    %get3A_0 = arith.constant 0 : index
    %get3A_1 = vector.load %arg1[%get3A, %get3A_0] : memref<5120x128xf32, #tpu.memory_space<vmem>>, vector<5120x128xf32>
    %get3A_2 = arith.constant 0 : index
    %get3A_3 = arith.constant 0 : index
    %get3A_4 = vector.load %arg2[%get3A_2, %get3A_3] : memref<128x128xf32, #tpu.memory_space<vmem>>, vector<128x128xf32>
    %dot_general3A = arith.constant dense<0.000000e+00> : vector<5120x128xf32>
    %dot_general3A_5 = tpu.matmul %get3A_1, %get3A_4, %dot_general3A {dimension_numbers = #tpu.dot_dimension_numbers<[1], [0], [0], [1], [0, 0, 1, 1], [], []>, transpose_lhs_hint = false} : vector<5120x128xf32>, vector<128x128xf32>, vector<5120x128xf32> -> vector<5120x128xf32>
    %swap3A = arith.constant 0 : index
    %swap3A_6 = arith.constant 0 : index
    %swap3A_7 = vector.load %arg3[%swap3A, %swap3A_6] : memref<5120x128xf32, #tpu.memory_space<vmem>>, vector<5120x128xf32>
    tpu.vector_store %arg3[%swap3A, %swap3A_6], %dot_general3A_5 {strides = array<i32>} : memref<5120x128xf32, #tpu.memory_space<vmem>>, vector<5120x128xf32>,
    return
  }
  func.func @transform_0(%arg0: i32) -> (i32, i32) {
    %c0_i32 = arith.constant 0 : i32
    %c0_i32_0 = arith.constant 0 : i32
    return %arg0, %c0_i32 : i32, i32
  }
  func.func @transform_1(%arg0: i32) -> (i32, i32) {
    %c0_i32 = arith.constant 0 : i32
    %c0_i32_0 = arith.constant 0 : i32
    %c0_i32_1 = arith.constant 0 : i32
    return %c0_i32, %c0_i32_0 : i32, i32
  }
  func.func @transform_2(%arg0: i32) -> (i32, i32) {
    %c0_i32 = arith.constant 0 : i32
    %c0_i32_0 = arith.constant 0 : i32
    return %arg0, %c0_i32 : i32, i32
  }
}

module attributes {stable_mosaic.version = 14 : i64} {
  func.func @_gru_next_body(%arg0: i32, %arg1: memref<2x5120x128xf32, #tpu.memory_space<vmem>>, %arg2: memref<5120x128xf32, #tpu.memory_space<vmem>>, %arg3: memref<384x128xf32, #tpu.memory_space<vmem>>, %arg4: memref<384x128xf32, #tpu.memory_space<vmem>>, %arg5: memref<1x384xf32, #tpu.memory_space<vmem>>, %arg6: memref<1x384xf32, #tpu.memory_space<vmem>>, %arg7: memref<128x128xf32, #tpu.memory_space<vmem>>, %arg8: memref<5120x128xf32, #tpu.memory_space<vmem>>, %arg9: memref<5120x128xf32, #tpu.memory_space<vmem>>) attributes {dimension_semantics = [#tpu.dimension_semantics<arbitrary>], iteration_bounds = array<i64: 2>, scalar_prefetch = 0 : i64, scratch_operands = 0 : i64, tpu.core_type = #tpu.core_type<tc>, window_params = [{transform_indices = @transform_0, window_bounds = array<i64: 2, 5120, 128>}, {transform_indices = @transform_1, window_bounds = array<i64: 5120, 128>}, {pipeline_mode = #tpu.pipeline_mode<synchronous>, transform_indices = @transform_2, window_bounds = array<i64: 384, 128>}, {pipeline_mode = #tpu.pipeline_mode<synchronous>, transform_indices = @transform_3, window_bounds = array<i64: 384, 128>}, {pipeline_mode = #tpu.pipeline_mode<synchronous>, transform_indices = @transform_4, window_bounds = array<i64: 1, 384>}, {pipeline_mode = #tpu.pipeline_mode<synchronous>, transform_indices = @transform_5, window_bounds = array<i64: 1, 384>}, {pipeline_mode = #tpu.pipeline_mode<synchronous>, transform_indices = @transform_6, window_bounds = array<i64: 128, 128>}, {transform_indices = @transform_7, window_bounds = array<i64: 5120, 128>}, {transform_indices = @transform_8, window_bounds = array<i64: 5120, 128>}]} {
    %get3A = arith.constant 0 : index
    %get3A_0 = arith.constant 0 : index
    %get3A_1 = arith.constant 0 : index
    %get3A_2 = vector.load %arg1[%get3A, %get3A_0, %get3A_1] : memref<2x5120x128xf32, #tpu.memory_space<vmem>>, vector<1x5120x128xf32>
    %get3A_3 = vector.shape_cast %get3A_2 : vector<1x5120x128xf32> to vector<5120x128xf32>
    %get3A_4 = arith.constant 1 : index
    %get3A_5 = arith.constant 0 : index
    %get3A_6 = arith.constant 0 : index
    %get3A_7 = vector.load %arg1[%get3A_4, %get3A_5, %get3A_6] : memref<2x5120x128xf32, #tpu.memory_space<vmem>>, vector<1x5120x128xf32>
    %get3A_8 = vector.shape_cast %get3A_7 : vector<1x5120x128xf32> to vector<5120x128xf32>
    %add3A = arith.addf %get3A_3, %get3A_8 : vector<5120x128xf32>
    %get3A_9 = arith.constant 0 : index
    %get3A_10 = arith.constant 0 : index
    %get3A_11 = vector.load %arg2[%get3A_9, %get3A_10] : memref<5120x128xf32, #tpu.memory_space<vmem>>, vector<5120x128xf32>
    %get3A_12 = arith.constant 0 : index
    %get3A_13 = arith.constant 0 : index
    %get3A_14 = vector.load %arg3[%get3A_12, %get3A_13] : memref<384x128xf32, #tpu.memory_space<vmem>>, vector<384x128xf32>
    %dot_general3A = arith.constant dense<0.000000e+00> : vector<5120x384xf32>
    %dot_general3A_15 = tpu.matmul %add3A, %get3A_14, %dot_general3A {dimension_numbers = #tpu.dot_dimension_numbers<[1], [1], [0], [0], [0, 0, 1, 0], [], []>, transpose_lhs_hint = false} : vector<5120x128xf32>, vector<384x128xf32>, vector<5120x384xf32> -> vector<5120x384xf32>
    %get3A_16 = arith.constant 0 : index
    %get3A_17 = arith.constant 0 : index
    %get3A_18 = vector.load %arg5[%get3A_16, %get3A_17] : memref<1x384xf32, #tpu.memory_space<vmem>>, vector<1x384xf32>
    %add3A_19 = vector.broadcast %get3A_18 : vector<1x384xf32> to vector<5120x384xf32>
    %add3A_20 = arith.addf %dot_general3A_15, %add3A_19 : vector<5120x384xf32>
    %get3A_21 = arith.constant 0 : index
    %get3A_22 = arith.constant 0 : index
    %get3A_23 = vector.load %arg4[%get3A_21, %get3A_22] : memref<384x128xf32, #tpu.memory_space<vmem>>, vector<384x128xf32>
    %dot_general3A_24 = arith.constant dense<0.000000e+00> : vector<5120x384xf32>
    %dot_general3A_25 = tpu.matmul %get3A_11, %get3A_23, %dot_general3A_24 {dimension_numbers = #tpu.dot_dimension_numbers<[1], [1], [0], [0], [0, 0, 1, 0], [], []>, transpose_lhs_hint = false} : vector<5120x128xf32>, vector<384x128xf32>, vector<5120x384xf32> -> vector<5120x384xf32>
    %get3A_26 = arith.constant 0 : index
    %get3A_27 = arith.constant 0 : index
    %get3A_28 = vector.load %arg6[%get3A_26, %get3A_27] : memref<1x384xf32, #tpu.memory_space<vmem>>, vector<1x384xf32>
    %add3A_29 = vector.broadcast %get3A_28 : vector<1x384xf32> to vector<5120x384xf32>
    %add3A_30 = arith.addf %dot_general3A_25, %add3A_29 : vector<5120x384xf32>
    %slice3A = vector.extract_strided_slice %add3A_20 {offsets = [0, 0], sizes = [5120, 128], strides = [1, 1]} : vector<5120x384xf32> to vector<5120x128xf32>
    %slice3A_31 = vector.extract_strided_slice %add3A_30 {offsets = [0, 0], sizes = [5120, 128], strides = [1, 1]} : vector<5120x384xf32> to vector<5120x128xf32>
    %add3A_32 = arith.addf %slice3A, %slice3A_31 : vector<5120x128xf32>
    %logistic3A = arith.negf %add3A_32 : vector<5120x128xf32>
    %logistic3A_33 = math.exp %logistic3A : vector<5120x128xf32>
    %logistic3A_34 = arith.constant 1.000000e+00 : f32
    %logistic3A_35 = vector.broadcast %logistic3A_34 : f32 to vector<5120x128xf32>
    %logistic3A_36 = arith.addf %logistic3A_35, %logistic3A_33 : vector<5120x128xf32>
    %logistic3A_37 = arith.divf %logistic3A_35, %logistic3A_36 : vector<5120x128xf32>
    %slice3A_38 = vector.extract_strided_slice %add3A_20 {offsets = [0, 128], sizes = [5120, 128], strides = [1, 1]} : vector<5120x384xf32> to vector<5120x128xf32>
    %slice3A_39 = vector.extract_strided_slice %add3A_30 {offsets = [0, 128], sizes = [5120, 128], strides = [1, 1]} : vector<5120x384xf32> to vector<5120x128xf32>
    %add3A_40 = arith.addf %slice3A_38, %slice3A_39 : vector<5120x128xf32>
    %logistic3A_41 = arith.negf %add3A_40 : vector<5120x128xf32>
    %logistic3A_42 = math.exp %logistic3A_41 : vector<5120x128xf32>
    %logistic3A_43 = arith.constant 1.000000e+00 : f32
    %logistic3A_44 = vector.broadcast %logistic3A_43 : f32 to vector<5120x128xf32>
    %logistic3A_45 = arith.addf %logistic3A_44, %logistic3A_42 : vector<5120x128xf32>
    %logistic3A_46 = arith.divf %logistic3A_44, %logistic3A_45 : vector<5120x128xf32>
    %slice3A_47 = vector.extract_strided_slice %add3A_20 {offsets = [0, 256], sizes = [5120, 128], strides = [1, 1]} : vector<5120x384xf32> to vector<5120x128xf32>
    %slice3A_48 = vector.extract_strided_slice %add3A_30 {offsets = [0, 256], sizes = [5120, 128], strides = [1, 1]} : vector<5120x384xf32> to vector<5120x128xf32>
    %mul3A = arith.mulf %logistic3A_37, %slice3A_48 : vector<5120x128xf32>
    %add3A_49 = arith.addf %slice3A_47, %mul3A : vector<5120x128xf32>
    %tanh3A = math.tanh %add3A_49 : vector<5120x128xf32>
    %sub3A = arith.constant 1.000000e+00 : f32
    %sub3A_50 = vector.broadcast %sub3A : f32 to vector<5120x128xf32>
    %sub3A_51 = arith.subf %sub3A_50, %logistic3A_46 : vector<5120x128xf32>
    %mul3A_52 = arith.mulf %sub3A_51, %tanh3A : vector<5120x128xf32>
    %mul3A_53 = arith.mulf %logistic3A_46, %get3A_11 : vector<5120x128xf32>
    %add3A_54 = arith.addf %mul3A_52, %mul3A_53 : vector<5120x128xf32>
    %swap3A = arith.constant 0 : index
    %swap3A_55 = arith.constant 0 : index
    %swap3A_56 = vector.load %arg8[%swap3A, %swap3A_55] : memref<5120x128xf32, #tpu.memory_space<vmem>>, vector<5120x128xf32>
    tpu.vector_store %arg8[%swap3A, %swap3A_55], %add3A_54 {strides = array<i32>} : memref<5120x128xf32, #tpu.memory_space<vmem>>, vector<5120x128xf32>,
    %get3A_57 = arith.constant 0 : index
    %get3A_58 = arith.constant 0 : index
    %get3A_59 = vector.load %arg7[%get3A_57, %get3A_58] : memref<128x128xf32, #tpu.memory_space<vmem>>, vector<128x128xf32>
    %dot_general3A_60 = arith.constant dense<0.000000e+00> : vector<5120x128xf32>
    %dot_general3A_61 = tpu.matmul %add3A_54, %get3A_59, %dot_general3A_60 {dimension_numbers = #tpu.dot_dimension_numbers<[1], [0], [0], [1], [0, 0, 1, 1], [], []>, transpose_lhs_hint = false} : vector<5120x128xf32>, vector<128x128xf32>, vector<5120x128xf32> -> vector<5120x128xf32>
    %swap3A_62 = arith.constant 0 : index
    %swap3A_63 = arith.constant 0 : index
    %swap3A_64 = vector.load %arg9[%swap3A_62, %swap3A_63] : memref<5120x128xf32, #tpu.memory_space<vmem>>, vector<5120x128xf32>
    tpu.vector_store %arg9[%swap3A_62, %swap3A_63], %dot_general3A_61 {strides = array<i32>} : memref<5120x128xf32, #tpu.memory_space<vmem>>, vector<5120x128xf32>,
    return
  }
  func.func @transform_0(%arg0: i32) -> (i32, i32, i32) {
    %c0_i32 = arith.constant 0 : i32
    %c0_i32_0 = arith.constant 0 : i32
    %c0_i32_1 = arith.constant 0 : i32
    return %c0_i32, %arg0, %c0_i32_0 : i32, i32, i32
  }
  func.func @transform_1(%arg0: i32) -> (i32, i32) {
    %c0_i32 = arith.constant 0 : i32
    %c0_i32_0 = arith.constant 0 : i32
    return %arg0, %c0_i32 : i32, i32
  }
  func.func @transform_2(%arg0: i32) -> (i32, i32) {
    %c0_i32 = arith.constant 0 : i32
    %c0_i32_0 = arith.constant 0 : i32
    %c0_i32_1 = arith.constant 0 : i32
    return %c0_i32, %c0_i32_0 : i32, i32
  }
  func.func @transform_3(%arg0: i32) -> (i32, i32) {
    %c0_i32 = arith.constant 0 : i32
    %c0_i32_0 = arith.constant 0 : i32
    %c0_i32_1 = arith.constant 0 : i32
    return %c0_i32, %c0_i32_0 : i32, i32
  }
  func.func @transform_4(%arg0: i32) -> (i32, i32) {
    %c0_i32 = arith.constant 0 : i32
    %c0_i32_0 = arith.constant 0 : i32
    %c0_i32_1 = arith.constant 0 : i32
    return %c0_i32, %c0_i32_0 : i32, i32
  }
  func.func @transform_5(%arg0: i32) -> (i32, i32) {
    %c0_i32 = arith.constant 0 : i32
    %c0_i32_0 = arith.constant 0 : i32
    %c0_i32_1 = arith.constant 0 : i32
    return %c0_i32, %c0_i32_0 : i32, i32
  }
  func.func @transform_6(%arg0: i32) -> (i32, i32) {
    %c0_i32 = arith.constant 0 : i32
    %c0_i32_0 = arith.constant 0 : i32
    %c0_i32_1 = arith.constant 0 : i32
    return %c0_i32, %c0_i32_0 : i32, i32
  }
  func.func @transform_7(%arg0: i32) -> (i32, i32) {
    %c0_i32 = arith.constant 0 : i32
    %c0_i32_0 = arith.constant 0 : i32
    return %arg0, %c0_i32 : i32, i32
  }
  func.func @transform_8(%arg0: i32) -> (i32, i32) {
    %c0_i32 = arith.constant 0 : i32
    %c0_i32_0 = arith.constant 0 : i32
    return %arg0, %c0_i32 : i32, i32
  }
}

module attributes {stable_mosaic.version = 14 : i64} {
  func.func @_gru_mean_body(%arg0: i32, %arg1: memref<2x5120x128xf32, #tpu.memory_space<vmem>>, %arg2: memref<5120x128xf32, #tpu.memory_space<vmem>>, %arg3: memref<384x128xf32, #tpu.memory_space<vmem>>, %arg4: memref<384x128xf32, #tpu.memory_space<vmem>>, %arg5: memref<1x384xf32, #tpu.memory_space<vmem>>, %arg6: memref<1x384xf32, #tpu.memory_space<vmem>>, %arg7: memref<1x128xf32, #tpu.memory_space<vmem>>) attributes {dimension_semantics = [#tpu.dimension_semantics<arbitrary>], iteration_bounds = array<i64: 2>, scalar_prefetch = 0 : i64, scratch_operands = 0 : i64, tpu.core_type = #tpu.core_type<tc>, window_params = [{transform_indices = @transform_0, window_bounds = array<i64: 2, 5120, 128>}, {transform_indices = @transform_1, window_bounds = array<i64: 5120, 128>}, {pipeline_mode = #tpu.pipeline_mode<synchronous>, transform_indices = @transform_2, window_bounds = array<i64: 384, 128>}, {pipeline_mode = #tpu.pipeline_mode<synchronous>, transform_indices = @transform_3, window_bounds = array<i64: 384, 128>}, {pipeline_mode = #tpu.pipeline_mode<synchronous>, transform_indices = @transform_4, window_bounds = array<i64: 1, 384>}, {pipeline_mode = #tpu.pipeline_mode<synchronous>, transform_indices = @transform_5, window_bounds = array<i64: 1, 384>}, {pipeline_mode = #tpu.pipeline_mode<synchronous>, transform_indices = @transform_6, window_bounds = array<i64: 1, 128>}]} {
    %get3A = arith.constant 0 : index
    %get3A_0 = arith.constant 0 : index
    %get3A_1 = arith.constant 0 : index
    %get3A_2 = vector.load %arg1[%get3A, %get3A_0, %get3A_1] : memref<2x5120x128xf32, #tpu.memory_space<vmem>>, vector<1x5120x128xf32>
    %get3A_3 = vector.shape_cast %get3A_2 : vector<1x5120x128xf32> to vector<5120x128xf32>
    %get3A_4 = arith.constant 1 : index
    %get3A_5 = arith.constant 0 : index
    %get3A_6 = arith.constant 0 : index
    %get3A_7 = vector.load %arg1[%get3A_4, %get3A_5, %get3A_6] : memref<2x5120x128xf32, #tpu.memory_space<vmem>>, vector<1x5120x128xf32>
    %get3A_8 = vector.shape_cast %get3A_7 : vector<1x5120x128xf32> to vector<5120x128xf32>
    %add3A = arith.addf %get3A_3, %get3A_8 : vector<5120x128xf32>
    %get3A_9 = arith.constant 0 : index
    %get3A_10 = arith.constant 0 : index
    %get3A_11 = vector.load %arg2[%get3A_9, %get3A_10] : memref<5120x128xf32, #tpu.memory_space<vmem>>, vector<5120x128xf32>
    %get3A_12 = arith.constant 0 : index
    %get3A_13 = arith.constant 0 : index
    %get3A_14 = vector.load %arg3[%get3A_12, %get3A_13] : memref<384x128xf32, #tpu.memory_space<vmem>>, vector<384x128xf32>
    %dot_general3A = arith.constant dense<0.000000e+00> : vector<5120x384xf32>
    %dot_general3A_15 = tpu.matmul %add3A, %get3A_14, %dot_general3A {dimension_numbers = #tpu.dot_dimension_numbers<[1], [1], [0], [0], [0, 0, 1, 0], [], []>, transpose_lhs_hint = false} : vector<5120x128xf32>, vector<384x128xf32>, vector<5120x384xf32> -> vector<5120x384xf32>
    %get3A_16 = arith.constant 0 : index
    %get3A_17 = arith.constant 0 : index
    %get3A_18 = vector.load %arg5[%get3A_16, %get3A_17] : memref<1x384xf32, #tpu.memory_space<vmem>>, vector<1x384xf32>
    %add3A_19 = vector.broadcast %get3A_18 : vector<1x384xf32> to vector<5120x384xf32>
    %add3A_20 = arith.addf %dot_general3A_15, %add3A_19 : vector<5120x384xf32>
    %get3A_21 = arith.constant 0 : index
    %get3A_22 = arith.constant 0 : index
    %get3A_23 = vector.load %arg4[%get3A_21, %get3A_22] : memref<384x128xf32, #tpu.memory_space<vmem>>, vector<384x128xf32>
    %dot_general3A_24 = arith.constant dense<0.000000e+00> : vector<5120x384xf32>
    %dot_general3A_25 = tpu.matmul %get3A_11, %get3A_23, %dot_general3A_24 {dimension_numbers = #tpu.dot_dimension_numbers<[1], [1], [0], [0], [0, 0, 1, 0], [], []>, transpose_lhs_hint = false} : vector<5120x128xf32>, vector<384x128xf32>, vector<5120x384xf32> -> vector<5120x384xf32>
    %get3A_26 = arith.constant 0 : index
    %get3A_27 = arith.constant 0 : index
    %get3A_28 = vector.load %arg6[%get3A_26, %get3A_27] : memref<1x384xf32, #tpu.memory_space<vmem>>, vector<1x384xf32>
    %add3A_29 = vector.broadcast %get3A_28 : vector<1x384xf32> to vector<5120x384xf32>
    %add3A_30 = arith.addf %dot_general3A_25, %add3A_29 : vector<5120x384xf32>
    %slice3A = vector.extract_strided_slice %add3A_20 {offsets = [0, 0], sizes = [5120, 128], strides = [1, 1]} : vector<5120x384xf32> to vector<5120x128xf32>
    %slice3A_31 = vector.extract_strided_slice %add3A_30 {offsets = [0, 0], sizes = [5120, 128], strides = [1, 1]} : vector<5120x384xf32> to vector<5120x128xf32>
    %add3A_32 = arith.addf %slice3A, %slice3A_31 : vector<5120x128xf32>
    %logistic3A = arith.negf %add3A_32 : vector<5120x128xf32>
    %logistic3A_33 = math.exp %logistic3A : vector<5120x128xf32>
    %logistic3A_34 = arith.constant 1.000000e+00 : f32
    %logistic3A_35 = vector.broadcast %logistic3A_34 : f32 to vector<5120x128xf32>
    %logistic3A_36 = arith.addf %logistic3A_35, %logistic3A_33 : vector<5120x128xf32>
    %logistic3A_37 = arith.divf %logistic3A_35, %logistic3A_36 : vector<5120x128xf32>
    %slice3A_38 = vector.extract_strided_slice %add3A_20 {offsets = [0, 128], sizes = [5120, 128], strides = [1, 1]} : vector<5120x384xf32> to vector<5120x128xf32>
    %slice3A_39 = vector.extract_strided_slice %add3A_30 {offsets = [0, 128], sizes = [5120, 128], strides = [1, 1]} : vector<5120x384xf32> to vector<5120x128xf32>
    %add3A_40 = arith.addf %slice3A_38, %slice3A_39 : vector<5120x128xf32>
    %logistic3A_41 = arith.negf %add3A_40 : vector<5120x128xf32>
    %logistic3A_42 = math.exp %logistic3A_41 : vector<5120x128xf32>
    %logistic3A_43 = arith.constant 1.000000e+00 : f32
    %logistic3A_44 = vector.broadcast %logistic3A_43 : f32 to vector<5120x128xf32>
    %logistic3A_45 = arith.addf %logistic3A_44, %logistic3A_42 : vector<5120x128xf32>
    %logistic3A_46 = arith.divf %logistic3A_44, %logistic3A_45 : vector<5120x128xf32>
    %slice3A_47 = vector.extract_strided_slice %add3A_20 {offsets = [0, 256], sizes = [5120, 128], strides = [1, 1]} : vector<5120x384xf32> to vector<5120x128xf32>
    %slice3A_48 = vector.extract_strided_slice %add3A_30 {offsets = [0, 256], sizes = [5120, 128], strides = [1, 1]} : vector<5120x384xf32> to vector<5120x128xf32>
    %mul3A = arith.mulf %logistic3A_37, %slice3A_48 : vector<5120x128xf32>
    %add3A_49 = arith.addf %slice3A_47, %mul3A : vector<5120x128xf32>
    %tanh3A = math.tanh %add3A_49 : vector<5120x128xf32>
    %sub3A = arith.constant 1.000000e+00 : f32
    %sub3A_50 = vector.broadcast %sub3A : f32 to vector<5120x128xf32>
    %sub3A_51 = arith.subf %sub3A_50, %logistic3A_46 : vector<5120x128xf32>
    %mul3A_52 = arith.mulf %sub3A_51, %tanh3A : vector<5120x128xf32>
    %mul3A_53 = arith.mulf %logistic3A_46, %get3A_11 : vector<5120x128xf32>
    %add3A_54 = arith.addf %mul3A_52, %mul3A_53 : vector<5120x128xf32>
    %iota3A = tpu.iota {dimensions = array<i32: 0>} : vector<5120x1xi32>
    %mul3A_55 = arith.constant 5120 : i32
    %mul3A_56 = arith.muli %arg0, %mul3A_55 : i32
    %add3A_57 = vector.broadcast %mul3A_56 : i32 to vector<5120x1xi32>
    %add3A_58 = arith.addi %iota3A, %add3A_57 : vector<5120x1xi32>
    %lt3A = arith.constant 10000 : i32
    %lt3A_59 = vector.broadcast %lt3A : i32 to vector<5120x1xi32>
    %lt3A_60 = arith.cmpi slt, %add3A_58, %lt3A_59 : vector<5120x1xi32>
    %jit3A = arith.constant 0.000000e+00 : f32
    %broadcast_in_dim3A = vector.shape_cast %lt3A_60 : vector<5120x1xi1> to vector<5120x1xi1>
    %broadcast_in_dim3A_61 = vector.broadcast %broadcast_in_dim3A : vector<5120x1xi1> to vector<5120x128xi1>
    %broadcast_in_dim3A_62 = vector.broadcast %jit3A : f32 to vector<5120x128xf32>
    %select_n3A = arith.select %broadcast_in_dim3A_61, %add3A_54, %broadcast_in_dim3A_62 : vector<5120x128xi1>, vector<5120x128xf32>
    %reduce_sum3A = arith.constant dense<0.000000e+00> : vector<128xf32>
    %reduce_sum3A_63 = vector.multi_reduction <add>, %select_n3A, %reduce_sum3A [0] : vector<5120x128xf32> to vector<128xf32>
    %broadcast_in_dim3A_64 = vector.shape_cast %reduce_sum3A_63 : vector<128xf32> to vector<1x128xf32>
    %eq3A = arith.constant 0 : i32
    %eq3A_65 = arith.cmpi eq, %arg0, %eq3A : i32
    %convert_element_type3A = arith.extui %eq3A_65 : i1 to i32
    %cond3A = arith.constant 0 : i32
    %cond3A_66 = arith.cmpi ne, %convert_element_type3A, %cond3A : i32
    scf.if %cond3A_66 {
      %swap3A = arith.constant 0 : index
      %swap3A_71 = arith.constant 0 : index
      %swap3A_72 = vector.load %arg7[%swap3A, %swap3A_71] : memref<1x128xf32, #tpu.memory_space<vmem>>, vector<1x128xf32>
      tpu.vector_store %arg7[%swap3A, %swap3A_71], %broadcast_in_dim3A_64 {strides = array<i32>} : memref<1x128xf32, #tpu.memory_space<vmem>>, vector<1x128xf32>,
    } else {
    }
    %gt3A = arith.constant 0 : i32
    %gt3A_67 = arith.cmpi sgt, %arg0, %gt3A : i32
    %convert_element_type3A_68 = arith.extui %gt3A_67 : i1 to i32
    %cond3A_69 = arith.constant 0 : i32
    %cond3A_70 = arith.cmpi ne, %convert_element_type3A_68, %cond3A_69 : i32
    scf.if %cond3A_70 {
      %get3A_71 = arith.constant 0 : index
      %get3A_72 = arith.constant 0 : index
      %get3A_73 = vector.load %arg7[%get3A_71, %get3A_72] : memref<1x128xf32, #tpu.memory_space<vmem>>, vector<1x128xf32>
      %add3A_74 = arith.addf %get3A_73, %broadcast_in_dim3A_64 : vector<1x128xf32>
      %swap3A = arith.constant 0 : index
      %swap3A_75 = arith.constant 0 : index
      %swap3A_76 = vector.load %arg7[%swap3A, %swap3A_75] : memref<1x128xf32, #tpu.memory_space<vmem>>, vector<1x128xf32>
      tpu.vector_store %arg7[%swap3A, %swap3A_75], %add3A_74 {strides = array<i32>} : memref<1x128xf32, #tpu.memory_space<vmem>>, vector<1x128xf32>,
    } else {
    }
    return
  }
  func.func @transform_0(%arg0: i32) -> (i32, i32, i32) {
    %c0_i32 = arith.constant 0 : i32
    %c0_i32_0 = arith.constant 0 : i32
    %c0_i32_1 = arith.constant 0 : i32
    return %c0_i32, %arg0, %c0_i32_0 : i32, i32, i32
  }
  func.func @transform_1(%arg0: i32) -> (i32, i32) {
    %c0_i32 = arith.constant 0 : i32
    %c0_i32_0 = arith.constant 0 : i32
    return %arg0, %c0_i32 : i32, i32
  }
  func.func @transform_2(%arg0: i32) -> (i32, i32) {
    %c0_i32 = arith.constant 0 : i32
    %c0_i32_0 = arith.constant 0 : i32
    %c0_i32_1 = arith.constant 0 : i32
    return %c0_i32, %c0_i32_0 : i32, i32
  }
  func.func @transform_3(%arg0: i32) -> (i32, i32) {
    %c0_i32 = arith.constant 0 : i32
    %c0_i32_0 = arith.constant 0 : i32
    %c0_i32_1 = arith.constant 0 : i32
    return %c0_i32, %c0_i32_0 : i32, i32
  }
  func.func @transform_4(%arg0: i32) -> (i32, i32) {
    %c0_i32 = arith.constant 0 : i32
    %c0_i32_0 = arith.constant 0 : i32
    %c0_i32_1 = arith.constant 0 : i32
    return %c0_i32, %c0_i32_0 : i32, i32
  }
  func.func @transform_5(%arg0: i32) -> (i32, i32) {
    %c0_i32 = arith.constant 0 : i32
    %c0_i32_0 = arith.constant 0 : i32
    %c0_i32_1 = arith.constant 0 : i32
    return %c0_i32, %c0_i32_0 : i32, i32
  }
  func.func @transform_6(%arg0: i32) -> (i32, i32) {
    %c0_i32 = arith.constant 0 : i32
    %c0_i32_0 = arith.constant 0 : i32
    %c0_i32_1 = arith.constant 0 : i32
    return %c0_i32, %c0_i32_0 : i32, i32
  }
}

</mosaic_0001>

<sc_bundles>
// kernel: kernel.11.cloned.1.call-start
scs
__scs_entry_jumppad:
0x0: {  	(pc) =	sbr.rel $0x88, $3  }
0x1: {  	(tag) =	ssettag $0x0;
	lr =	simm.s32 $0x1  }
0x2: {  	[smem:$0x3F99] =	sst lr;
	_ =	strace $0xD0000000  }
0x3: {  	_ = 	snop  }
0x4: {  	_ = 	snop  }
0x5: {  	_ = 	snop  }
0x6: {  	_ = 	snop  }
0x7: {  	_ = 	snop  }
__scs_overlays_trampoline_lowered:
0x8: {  	[smem:$0x3FA8] =	sst s0  }
0x9: {  	[smem:$0x3FA9] =	sst s1  }
0xa: {  	[smem:$0x3FAA] =	sst s2  }
0xb: {  	[smem:$0x3FAB] =	sst s3  }
0xc: {  	[smem:$0x3FAC] =	sst s4  }
0xd: {  	[smem:$0x3FAD] =	sst s5  }
0xe: {  	[smem:$0x3FAE] =	sst s6  }
0xf: {  	[smem:$0x3FAF] =	sst s7  }
0x10: {  	[smem:$0x3FB0] =	sst s8  }
0x11: {  	[smem:$0x3FB1] =	sst s9;
	s0 =	simm.s32 @!p0 $0x0  }
0x12: {  	s1 =	sld [smem:$0x3F97];
	s0 =	simm.s32 @p0 $0x1  }
0x13: {  	[smem:$0x3FB2] =	sst s0;
	s0 =	simm.s32 @!p1 $0x0  }
0x14: {  	s2 =	sld [smem:$0x3F96];
	s0 =	simm.s32 @p1 $0x1  }
0x15: {  	[smem:$0x3FB3] =	sst s0;
	s0 =	simm.s32 @!p2 $0x0  }
0x16: {  	s3 =	sld [smem:$0x3FDB];
	s0 =	simm.s32 @p2 $0x1  }
0x17: {  	s4 =	simm.s32 $0x1BF5;
	[smem:$0x3FB5] =	sst s0  }
0x18: {  	s0 =	sld [smem:$0x3F98];
	_ =	swait.ge [sflag:s4], $0x0  }
0x19: {  	s7 =	sld [smem:$0x3F99]  }
0x1a: {  	s8 =	sadd.s32 $0xFFFFE003, lr  }
0x1b: {  	s9 =	sadd.s32 $0xFFFFFEF7, lr;
	s5 =	simm.s32 $0xFFFFFFFF;
	p2 =	slt.u32 s8, $0xFFFFF086  }
0x1c: {  	p1 =	slt.u32 s9, $0xF7A;
	s5 =	simm.s32 @!p2 $0x0  }
0x1d: {  	s5 =	simm.s32 @p1 $0x1;
	p0 =	seq.s32 s7, s2  }
0x1e: {  	s7 =	smul.u32 @!p0 $0xF7A, s2;
	p2 =	seq.s32 @!p0 s5, $0x0  }
0x1f: {  	s9 =	smul.u32 $0xF7A, s1;
	s8 =	simm.s32 @!p0 $0x1BF5;
	p2 =	por !p2, p0  }
0x20: {  	[sflag:s8] =	ssyncset.s32 @!p0 $0xFFFFF086;
	s6 =	sadd.s32 @!p0 s3, s7;
	s7 =	simm.s32 @!p0 $0x108  }
0x21: {  	s3 =	sadd.s32 s3, s9;
	s6 =	sadd.s32 @!p0 $0x88, s6;
	s7 =	simm.s32 @p2 $0x1082  }
0x22: {  	[simem:s7], [sflag:s8] =	dma.local @!p0 [hbm:s6], $0xF7A  }
0x23: {  	s9 =	sor.u32 $0xD0000000, s2;
	s6 =	simm.s32 $0x108;
	_ =	swait.ge @!p0 [sflag:s8], $0x0  }
0x24: {  	s3 =	sadd.s32 $0x88, s3;
	s6 =	simm.s32 @!p1 $0x1082;
	[sflag:s4] =	ssyncset.s32 $0xFFFFF086  }
0x25: {  	[simem:s6], [sflag:s4] =	dma.local [hbm:s3], $0xF7A  }
0x26: {  	[smem:$0x3F99] =	sst s1;
	(tag) =	ssettag s2;
	_ =	strace s9  }
0x27: {  	s1 =	sld [smem:$0x3FA9]  }
0x28: {  	s2 =	sld [smem:$0x3FAA]  }
0x29: {  	s4 =	sld [smem:$0x3FAC]  }
0x2a: {  	p0 =	seq.s32 s5, $0x0;
	s5 =	sld [smem:$0x3FAD]  }
0x2b: {  	s6 =	sld [smem:$0x3FAE]  }
0x2c: {  	s7 =	sld [smem:$0x3FAF]  }
0x2d: {  	s3 =	simm.s32 $0x108;
	s8 =	sld [smem:$0x3FB0]  }
0x2e: {  	s3 =	simm.s32 @!p0 $0x1082;
	s9 =	sld [smem:$0x3FB1]  }
0x2f: {  	lr =	sadd.s32 s0, s3;
	s0 =	sld [smem:$0x3FA8]  }
0x30: {  	s3 =	sld [smem:$0x3FAB]  }
0x31: {  	[smem:$0x3FB4] =	sst s10  }
0x32: {  	s10 =	sld [smem:$0x3FB2];
	_ =	sdelay $0x3  }
0x33: {  	p0 =	seq.s32 s10, $0x1;
	s10 =	sld [smem:$0x3FB4];
	_ =	sdelay $0x3  }
0x34: {  	[smem:$0x3FB4] =	sst s10  }
0x35: {  	s10 =	sld [smem:$0x3FB3];
	_ =	sdelay $0x3  }
0x36: {  	p1 =	seq.s32 s10, $0x1;
	s10 =	sld [smem:$0x3FB4];
	_ =	sdelay $0x3  }
0x37: {  	[smem:$0x3FB4] =	sst s10  }
0x38: {  	s10 =	sld [smem:$0x3FB5]  }
0x39: {  	_ = 	snop;
	(pc) =	sbr.ind lr, $3  }
0x3a: {  	_ = 	snop  }
0x3b: {  	_ = 	snop  }
0x3c: {  	p2 =	seq.s32 s10, $0x1;
	s10 =	sld [smem:$0x3FB4]  }
0x3d: {  	_ =	shalt  }
0x3e: {  	_ =	shalt  }
0x3f: {  	_ =	shalt  }
0x40: {  	_ =	shalt  }
0x41: {  	_ =	shalt  }
0x42: {  	_ =	shalt  }
0x43: {  	_ =	shalt  }
0x44: {  	_ =	shalt  }
0x45: {  	_ =	shalt  }
0x46: {  	_ =	shalt  }
0x47: {  	_ =	shalt  }
0x48: {  	_ =	shalt  }
0x49: {  	_ =	shalt  }
0x4a: {  	_ =	shalt  }
0x4b: {  	_ =	shalt  }
0x4c: {  	_ =	shalt  }
0x4d: {  	_ =	shalt  }
0x4e: {  	_ =	shalt  }
0x4f: {  	_ =	shalt  }
0x50: {  	_ =	shalt  }
0x51: {  	_ =	shalt  }
0x52: {  	_ =	shalt  }
0x53: {  	_ =	shalt  }
0x54: {  	_ =	shalt  }
0x55: {  	_ =	shalt  }
0x56: {  	_ =	shalt  }
0x57: {  	_ =	shalt  }
0x58: {  	_ =	shalt  }
0x59: {  	_ =	shalt  }
0x5a: {  	_ =	shalt  }
0x5b: {  	_ =	shalt  }
0x5c: {  	_ =	shalt  }
0x5d: {  	_ =	shalt  }
0x5e: {  	_ =	shalt  }
0x5f: {  	_ =	shalt  }
0x60: {  	_ =	shalt  }
0x61: {  	_ =	shalt  }
0x62: {  	_ =	shalt  }
0x63: {  	_ =	shalt  }
0x64: {  	_ =	shalt  }
0x65: {  	_ =	shalt  }
0x66: {  	_ =	shalt  }
0x67: {  	_ =	shalt  }
0x68: {  	_ =	shalt  }
0x69: {  	_ =	shalt  }
0x6a: {  	_ =	shalt  }
0x6b: {  	_ =	shalt  }
0x6c: {  	_ =	shalt  }
0x6d: {  	_ =	shalt  }
0x6e: {  	_ =	shalt  }
0x6f: {  	_ =	shalt  }
0x70: {  	_ =	shalt  }
0x71: {  	_ =	shalt  }
0x72: {  	_ =	shalt  }
0x73: {  	_ =	shalt  }
0x74: {  	_ =	shalt  }
0x75: {  	_ =	shalt  }
0x76: {  	_ =	shalt  }
0x77: {  	_ =	shalt  }
0x78: {  	_ =	shalt  }
0x79: {  	_ =	shalt  }
0x7a: {  	_ =	shalt  }
0x7b: {  	_ =	shalt  }
0x7c: {  	_ =	shalt  }
0x7d: {  	_ =	shalt  }
0x7e: {  	_ =	shalt  }
0x7f: {  	_ =	shalt  }
0x80: {  	_ =	shalt  }
0x81: {  	_ =	shalt  }
0x82: {  	_ =	shalt  }
0x83: {  	_ =	shalt  }
0x84: {  	_ =	shalt  }
0x85: {  	_ =	shalt  }
0x86: {  	_ =	shalt  }
0x87: {  	_ =	shalt  }
.Lfunc_end0:
.L_simem_size_0:
called_computation.1_lowered:
.L_overlay_start_0:
0x88: {  	s2 =	sld [smem:$0x3FD9]  }
0x89: {  	s3 =	sld [smem:$0x3FFE];
	_ =	sdelay $0x1  }
0x8a: {  	s1 =	srdreg.scid  }
0x8b: {  	s0 =	sand.u32 $0x1, s1  }
0x8c: {  	s16 =	sshll.u32 s0, $0xA;
	s2 =	sadd.s32 s3, s2  }
0x8d: {  	s2 =	sadd.s32 s2, s16  }
0x8e: {  	[smem:$0x3FC0] =	sst s2  }
0x8f: {  	_ = 	snop  }
0x90: {  	(tm) =	ssettm $0x1  }
0x91: {  	s17 =	sld [smem:$0x3FFB];
	_ =	sdelay $0x3  }
0x92: {  	_ =	strace s17  }
0x93: {  	s2 =	sld [smem:$0x3FFC];
	_ =	sdelay $0x3  }
0x94: {  	_ =	strace s2  }
0x95: {  	s2 =	sld [smem:$0x3FFD];
	_ =	sdelay $0x3  }
0x96: {  	_ =	strace s2  }
0x97: {  	_ =	strace $0x8FFFFFFF  }
0x98: {  	s18 =	sld [smem:$0x3FDB];
	_ =	sdelay $0x1  }
0x99: {  	s19 =	simm.s32 $_scs_section_size  }
0x9a: {  	s4 =	simm.s32 $_size__tile_overlayer_lowered;
	s5 =	simm.s32 $_tile_overlayer_lowered  }
0x9b: {  	s22 =	simm.s32 $0x1BFF;
	s21 =	sshll.u32 s5, $0x1;
	s2 =	sadd.s32 s19, s18  }
0x9c: {  	s6 =	simm.s32 $0x0;
	s20 =	sshll.u32 s4, $0x1;
	s4 =	sadd.s32 s21, s2  }
0x9d: {  	[timem:s6], [sflag:s22] =	dma.local [hbm:s4], s20  }
0x9e: {  	_ =	swait.ge [sflag:s22], s20  }
0x9f: {  	s3 =	ssub.s32 $0x0, s20;
	[sflag:s22] =	ssyncset.done $0x0  }
0xa0: {  	[sflag:s22] =	ssyncadd.s32 s3;
	_ =	sdelay $0x1  }
0xa1: {  	s23 =	simm.s32 $0x1B8B  }
0xa2: {  	_ =	swait.ge [sflag:s23], $0x1  }
0xa3: {  	[sflag:s23] =	ssyncset.done $0x0  }
0xa4: {  	s25 =	simm.s32 $0x1B8E;
	s24 =	sld [smem:$0x3FFE];
	[sflag:s23] =	ssyncadd.s32 $0xFFFFFFFF  }
0xa5: {  	s26 =	simm.s32 $execute0_lowered;
	[smem:$0x3FD2] =	sst s25  }
0xa6: {  	s4 =	sshll.u32 s26, $0x1;
	_ =	strace $0x80000049;
	[dreg:$0x1] =	wrdreg $0xFFFFFFFF  }
0xa7: {  	s28 =	simm.s32 $_size_execute0_lowered;
	s2 =	sadd.s32 s2, s4;
	[dreg:$0x0] =	wrdreg $0x0  }
0xa8: {  	s4 =	sshll.u32 s28, $0x1;
	[dreg:$0x2] =	wrdreg s2  }
0xa9: {  	[dreg:$0x3] =	wrdreg s4  }
0xaa: {  	[dreg:$0x4] =	wrdreg $0xC0  }
0xab: {  	_ =	task [dreg:s6], $0x5FFFF  }
0xac: {  	[dreg:$0x1] =	wrdreg $0xFFFFFFFF  }
0xad: {  	[dreg:$0x0] =	wrdreg $0x60  }
0xae: {  	[dreg:$0x2] =	wrdreg s24  }
0xaf: {  	[dreg:$0x3] =	wrdreg $0xA8000  }
0xb0: {  	[dreg:$0x4] =	wrdreg $0x9  }
0xb1: {  	_ =	task.clear_ibuf [dreg:s6], $0x5FFFF;
	_ =	strace $0x90000049  }
0xb2: {  	s29 =	simm.s32 $0x9;
	_ =	strace $0x8000004B  }
0xb3: {  	_ =	swait.ge [sflag:s29], $0x1  }
0xb4: {  	[sflag:s29] =	ssyncadd.s32 $0xFFFFFFFF  }
0xb5: {  	_ =	strace $0x9000004B  }
0xb6: {  	_ =	sfence  }
0xb7: {  	s30 =	sld [smem:$0x0];
	_ =	sdelay $0x2  }
0xb8: {  	s31 =	sshll.u32 s1, $0xD;
	s1 =	sshrl.u32 s1, $0x2  }
0xb9: {  	s3 =	sand.u32 $0x4000, s31;
	s1 =	sadd.s32 s1, s30  }
0xba: {  	s0 =	sor.u32 s3, s0;
	s1 =	sshll.u32 s1, $0x11  }
0xbb: {  	s0 =	sor.u32 s1, s0  }
0xbc: {  	s0 =	sadd.s32 $0x8F2B, s0  }
0xbd: {  	[sflag:s0] =	ssyncadd.remote.s32 $0x1  }
0xbe: {  	_ =	sfence.sel $0xFFFF  }
0xbf: {  	[dreg:$0x0] =	wrdreg $0xFFFFFFFF;
	(pc) =	sbr.abs _section_cstart, $3  }
0xc0: {  	[dreg:$0x1] =	wrdreg $0xFFFFFFFF  }
0xc1: {  	_ =	task.clear_ibuf [dreg:s6], $0x2FFFF;
	_ =	strace $0x9FFFFFFF  }
0xc2: {  	(tm) =	ssettm $0x7FFFFFFF  }
0xc3: {  	_ =	shalt  }
tec
execute0_lowered:
.L_overlay_start_1:
0x0: {  	(tag) =	ssettag $0x1  }
0x1: {  	s5 =	rddreg [dreg:$0x0]  }
0x2: {  	s2 =	rddreg [dreg:$0x1]  }
0x3: {  	s0 =	rddreg [dreg:$0x2]  }
0x4: {  	s3 =	simm.s32 $0x0;
	s1 =	stileid.u32;
	s7 =	srdreg.scid  }
0x5: {  	s15 =	simm.s32 $0x1400;
	s18 =	simm.s32 $0x1;
	s19 =	simm.s32 $0x6800  }
0x6: {  	s20 =	simm.s32 $0x2;
	s21 =	simm.s32 $0x1380;
	s22 =	simm.s32 $0x2700  }
0x7: {  	s23 =	simm.s32 $0x2780;
	s24 =	simm.s32 $0x0;
	[smem:$0x7FF] =	sst s3  }
0x8: {  	s6 =	smul.u32 $0x14000, s1;
	s4 =	sadd.s32 $0x1C00, s5;
	s8 =	sadd.s32 $0x34400, s5  }
0x9: {  	s7 =	sand.u32 $0x1, s7;
	s11 =	sshll.u32 s1, $0x1;
	s12 =	sadd.s32 $0x2A400, s5  }
0xa: {  	s13 =	smul.u32 $0x50000, s1;
	s16 =	sshll.u32 s1, $0x6;
	_ =	strace $0x8000004A  }
0xb: {  	s10 =	smul.u32 $0x140000, s7;
	s11 =	sor.u32 s7, s11;
	s7 =	ssub.s32 $0x2, s7  }
0xc: {  	s16 =	sor.u32 $0x1C03, s16;
	s9 =	sshrl.u32 s6, $0x3;
	s28 =	smul.u32 $0x2800, s11  }
0xd: {  	s29 =	sshrl.u32 s7, $0x1;
	s30 =	sshrl.u32 s13, $0x2;
	s13 =	simm.s32 $0x80  }
0xe: {  	s9 =	sadd.s32 s9, s5;
	s6 =	sadd.s32 s6, s10;
	s11 =	ssub.s32 s7, s29  }
0xf: {  	s17 =	sadd.s32 s30, s2;
	s6 =	sshrl.u32 s6, $0x3;
	s10 =	sshrl.u32 s28, $0x3  }
0x10: {  	s7 =	sadd.s32 $0x3E400, s9;
	s11 =	smax.u32 s11, $0x1;
	s17 =	sshrl.u32 s17, $0x3  }
0x11: {  	s14 =	sadd.s32 s6, s5;
	s5 =	sadd.s32 s8, s10;
	s31 =	sadd.s32 $0x280, s10  }
0x12: {  	s6 =	sadd.s32 s12, s10;
	s8 =	sadd.s32 s8, s31;
	s9 =	sadd.s32 s12, s31  }
0x13: {  	s10 =	sadd.s32 $0x66400, s14;
	s12 =	simm.s32 $0x3;
	s14 =	simm.s32 $0x2800  }
.LBB2_1:
0x14: {  	[tilespmem:s3], [sflag:$0x3] =	stream.linear.gather [hbm4b:s5+s3], $0x1400, $0x38;
	[tilespmem:$0x1E800] =	vst v63  }
0x15: {  	_ =	swait.ge [sflag:s12], $0x1400  }
0x16: {  	[sflag:s12] =	ssyncset.done $0x0  }
0x17: {  	[sflag:s12] =	ssyncadd.s32 $0xFFFFEC00  }
0x18: {  	[tilespmem:s14], [sflag:$0x1] =	stream.indirect.gather [hbm4b:s4+s13], $0x80, s3, s13, $0xb8;
	[tilespmem:$0x1E800] =	vst v63  }
0x19: {  	_ = 	snop  }
0x1a: {  	[tilespmem:s15], [sflag:$0x3] =	stream.linear.gather [hbm4b:s6+s3], $0x1400, $0x38;
	[tilespmem:$0x1E800] =	vst v63  }
0x1b: {  	_ =	swait.ge [sflag:s12], $0x1400  }
0x1c: {  	[sflag:s12] =	ssyncset.done $0x0  }
0x1d: {  	[sflag:s12] =	ssyncadd.s32 $0xFFFFEC00  }
0x1e: {  	[spmem:s17], [sflag:s16] =	dma.local [hbm:s7], $0x2800  }
0x1f: {  	_ =	swait.ge [sflag:s12], $0x2800  }
0x20: {  	[sflag:s12] =	ssyncset.done $0x0  }
0x21: {  	[sflag:s12] =	ssyncadd.s32 $0xFFFFD800  }
0x22: {  	[bflag:$0x0] =	sbarrier.arrive $0xFFFF  }
0x23: {  	_ =	swait.ge [sflag:s18], $0x4000  }
0x24: {  	[sflag:s18] =	ssyncset.done $0x0  }
0x25: {  	s25 =	simm.s32 $0x80;
	[sflag:s18] =	ssyncadd.s32 $0xFFFFC000  }
0x26: {  	[tilespmem:s19], [sflag:$0x2] =	stream.indirect.gather [hbm4b:s4+s13], $0x80, s25, s13, $0xb8;
	[tilespmem:$0x1E800] =	vst v63  }
0x27: {  	s29 =	simm.s32 $0x1400  }
0x28: {  	[spmem:s2] =	stream.indirect.scatter.add.f32 [tilespmem:s14], [sflag:$0x3], $0x80, s29, s13, $0xb8;
	[tilespmem:$0x1E800] =	vst v63  }
0x29: {  	_ =	swait.ge [sflag:s12], $0x4000  }
0x2a: {  	[sflag:s12] =	ssyncset.done $0x0  }
0x2b: {  	[sflag:s12] =	ssyncadd.s32 $0xFFFFC000  }
0x2c: {  	_ =	swait.ge [sflag:s20], $0x4000  }
0x2d: {  	[sflag:s20] =	ssyncset.done $0x0  }
0x2e: {  	s30 =	simm.s32 $0x100;
	[sflag:s20] =	ssyncadd.s32 $0xFFFFC000  }
0x2f: {  	[tilespmem:s14], [sflag:$0x1] =	stream.indirect.gather [hbm4b:s4+s13], $0x80, s30, s13, $0xb8;
	[tilespmem:$0x1E800] =	vst v63  }
0x30: {  	s31 =	simm.s32 $0x1480  }
0x31: {  	[spmem:s2] =	stream.indirect.scatter.add.f32 [tilespmem:s19], [sflag:$0x3], $0x80, s31, s13, $0xb8;
	[tilespmem:$0x1E800] =	vst v63  }
0x32: {  	_ =	swait.ge [sflag:s12], $0x4000  }
0x33: {  	s25 =	simm.s32 $0x400;
	[sflag:s12] =	ssyncset.done $0x0  }
.LBB2_2:
0x34: {  	p0 =	sne.s32 s25, $0x4800  }
0x35: {  	[sflag:s12] =	ssyncadd.s32 $0xFFFFC000;
	s26 =	smov.u32 s25;
	s25 =	sadd.s32 $0x400, s25  }
0x36: {  	_ = 	snop  }
0x37: {  	_ =	swait.ge [sflag:s18], $0x4000  }
0x38: {  	s26 =	sshra.s32 s26, $0x2;
	[sflag:s18] =	ssyncset.done $0x0  }
0x39: {  	s28 =	sadd.s32 $0x80, s26;
	[sflag:s18] =	ssyncadd.s32 $0xFFFFC000  }
0x3a: {  	[tilespmem:s19], [sflag:$0x2] =	stream.indirect.gather [hbm4b:s4+s13], $0x80, s28, s13, $0xb8;
	[tilespmem:$0x1E800] =	vst v63  }
0x3b: {  	s28 =	sadd.s32 $0x1400, s26  }
0x3c: {  	[spmem:s2] =	stream.indirect.scatter.add.f32 [tilespmem:s14], [sflag:$0x3], $0x80, s28, s13, $0xb8;
	[tilespmem:$0x1E800] =	vst v63  }
0x3d: {  	_ =	swait.ge [sflag:s12], $0x4000  }
0x3e: {  	[sflag:s12] =	ssyncset.done $0x0  }
0x3f: {  	[sflag:s12] =	ssyncadd.s32 $0xFFFFC000  }
0x40: {  	_ =	swait.ge [sflag:s20], $0x4000  }
0x41: {  	[sflag:s20] =	ssyncset.done $0x0  }
0x42: {  	s28 =	sadd.s32 $0x100, s26;
	[sflag:s20] =	ssyncadd.s32 $0xFFFFC000  }
0x43: {  	[tilespmem:s14], [sflag:$0x1] =	stream.indirect.gather [hbm4b:s4+s13], $0x80, s28, s13, $0xb8;
	[tilespmem:$0x1E800] =	vst v63  }
.Ltmp0:
0x44: {  	_ = 	snop;
	(pc) =	sbr.rel @p0 .LBB2_2-.Ltmp0, $4  }
0x45: {  	s26 =	sadd.s32 $0x1480, s26  }
0x46: {  	[spmem:s2] =	stream.indirect.scatter.add.f32 [tilespmem:s19], [sflag:$0x3], $0x80, s26, s13, $0xb8;
	[tilespmem:$0x1E800] =	vst v63  }
0x47: {  	_ =	swait.ge [sflag:s12], $0x4000  }
0x48: {  	[sflag:s12] =	ssyncset.done $0x0  }
0x49: {  	[sflag:s12] =	ssyncadd.s32 $0xFFFFC000  }
0x4a: {  	_ =	swait.ge [sflag:s18], $0x4000  }
0x4b: {  	[sflag:s18] =	ssyncset.done $0x0  }
0x4c: {  	[sflag:s18] =	ssyncadd.s32 $0xFFFFC000  }
0x4d: {  	[tilespmem:s19], [sflag:$0x2] =	stream.indirect.gather [hbm4b:s4+s13], $0x80, s21, s13, $0xb8;
	[tilespmem:$0x1E800] =	vst v63  }
0x4e: {  	_ = 	snop  }
0x4f: {  	[spmem:s2] =	stream.indirect.scatter.add.f32 [tilespmem:s14], [sflag:$0x3], $0x80, s22, s13, $0xb8;
	[tilespmem:$0x1E800] =	vst v63  }
0x50: {  	_ =	swait.ge [sflag:s12], $0x4000  }
0x51: {  	[sflag:s12] =	ssyncset.done $0x0  }
0x52: {  	[sflag:s12] =	ssyncadd.s32 $0xFFFFC000  }
0x53: {  	_ =	swait.ge [sflag:s20], $0x4000  }
0x54: {  	[sflag:s20] =	ssyncset.done $0x0  }
0x55: {  	[sflag:s20] =	ssyncadd.s32 $0xFFFFC000  }
0x56: {  	[spmem:s2] =	stream.indirect.scatter.add.f32 [tilespmem:s19], [sflag:$0x3], $0x80, s23, s13, $0xb8;
	[tilespmem:$0x1E800] =	vst v63  }
0x57: {  	_ =	swait.ge [sflag:s12], $0x4000  }
0x58: {  	[sflag:s12] =	ssyncset.done $0x0  }
0x59: {  	s25 =	simm.s32 $0x0;
	[sflag:s12] =	ssyncadd.s32 $0xFFFFC000  }
0x5a: {  	[tilespmem:s25], [sflag:$0x3] =	stream.linear.gather [hbm4b:s8+s25], $0x1400, $0x38;
	[tilespmem:$0x1E800] =	vst v63  }
0x5b: {  	_ =	swait.ge [sflag:s12], $0x1400  }
0x5c: {  	[sflag:s12] =	ssyncset.done $0x0  }
0x5d: {  	[sflag:s12] =	ssyncadd.s32 $0xFFFFEC00  }
0x5e: {  	[tilespmem:s15], [sflag:$0x3] =	stream.linear.gather [hbm4b:s9+s25], $0x1400, $0x38;
	[tilespmem:$0x1E800] =	vst v63  }
0x5f: {  	_ =	swait.ge [sflag:s12], $0x1400  }
0x60: {  	[sflag:s12] =	ssyncset.done $0x0  }
0x61: {  	[sflag:s12] =	ssyncadd.s32 $0xFFFFEC00  }
0x62: {  	[tilespmem:s14], [sflag:$0x1] =	stream.indirect.gather [hbm4b:s4+s13], $0x80, s25, s13, $0xb8;
	[tilespmem:$0x1E800] =	vst v63  }
0x63: {  	_ =	swait.ge [sflag:s18], $0x4000  }
0x64: {  	[sflag:s18] =	ssyncset.done $0x0  }
0x65: {  	s28 =	simm.s32 $0x80;
	[sflag:s18] =	ssyncadd.s32 $0xFFFFC000  }
0x66: {  	[tilespmem:s19], [sflag:$0x2] =	stream.indirect.gather [hbm4b:s4+s13], $0x80, s28, s13, $0xb8;
	[tilespmem:$0x1E800] =	vst v63  }
0x67: {  	s29 =	simm.s32 $0x1400  }
0x68: {  	[spmem:s2] =	stream.indirect.scatter.add.f32 [tilespmem:s14], [sflag:$0x3], $0x80, s29, s13, $0xb8;
	[tilespmem:$0x1E800] =	vst v63  }
0x69: {  	_ =	swait.ge [sflag:s12], $0x4000  }
0x6a: {  	[sflag:s12] =	ssyncset.done $0x0  }
0x6b: {  	[sflag:s12] =	ssyncadd.s32 $0xFFFFC000  }
0x6c: {  	_ =	swait.ge [sflag:s20], $0x4000  }
0x6d: {  	[sflag:s20] =	ssyncset.done $0x0  }
0x6e: {  	s30 =	simm.s32 $0x100;
	[sflag:s20] =	ssyncadd.s32 $0xFFFFC000  }
0x6f: {  	[tilespmem:s14], [sflag:$0x1] =	stream.indirect.gather [hbm4b:s4+s13], $0x80, s30, s13, $0xb8;
	[tilespmem:$0x1E800] =	vst v63  }
0x70: {  	s31 =	simm.s32 $0x1480  }
0x71: {  	[spmem:s2] =	stream.indirect.scatter.add.f32 [tilespmem:s19], [sflag:$0x3], $0x80, s31, s13, $0xb8;
	[tilespmem:$0x1E800] =	vst v63  }
0x72: {  	_ =	swait.ge [sflag:s12], $0x4000  }
0x73: {  	s25 =	simm.s32 $0x400;
	[sflag:s12] =	ssyncset.done $0x0  }
.LBB2_4:
0x74: {  	p0 =	sne.s32 s25, $0x4800  }
0x75: {  	[sflag:s12] =	ssyncadd.s32 $0xFFFFC000;
	s26 =	smov.u32 s25;
	s25 =	sadd.s32 $0x400, s25  }
0x76: {  	_ = 	snop  }
0x77: {  	_ =	swait.ge [sflag:s18], $0x4000  }
0x78: {  	s26 =	sshra.s32 s26, $0x2;
	[sflag:s18] =	ssyncset.done $0x0  }
0x79: {  	s28 =	sadd.s32 $0x80, s26;
	[sflag:s18] =	ssyncadd.s32 $0xFFFFC000  }
0x7a: {  	[tilespmem:s19], [sflag:$0x2] =	stream.indirect.gather [hbm4b:s4+s13], $0x80, s28, s13, $0xb8;
	[tilespmem:$0x1E800] =	vst v63  }
0x7b: {  	s28 =	sadd.s32 $0x1400, s26  }
0x7c: {  	[spmem:s2] =	stream.indirect.scatter.add.f32 [tilespmem:s14], [sflag:$0x3], $0x80, s28, s13, $0xb8;
	[tilespmem:$0x1E800] =	vst v63  }
0x7d: {  	_ =	swait.ge [sflag:s12], $0x4000  }
0x7e: {  	[sflag:s12] =	ssyncset.done $0x0  }
0x7f: {  	[sflag:s12] =	ssyncadd.s32 $0xFFFFC000  }
0x80: {  	_ =	swait.ge [sflag:s20], $0x4000  }
0x81: {  	[sflag:s20] =	ssyncset.done $0x0  }
0x82: {  	s28 =	sadd.s32 $0x100, s26;
	[sflag:s20] =	ssyncadd.s32 $0xFFFFC000  }
0x83: {  	[tilespmem:s14], [sflag:$0x1] =	stream.indirect.gather [hbm4b:s4+s13], $0x80, s28, s13, $0xb8;
	[tilespmem:$0x1E800] =	vst v63  }
.Ltmp1:
0x84: {  	_ = 	snop;
	(pc) =	sbr.rel @p0 .LBB2_4-.Ltmp1, $4  }
0x85: {  	s26 =	sadd.s32 $0x1480, s26  }
0x86: {  	[spmem:s2] =	stream.indirect.scatter.add.f32 [tilespmem:s19], [sflag:$0x3], $0x80, s26, s13, $0xb8;
	[tilespmem:$0x1E800] =	vst v63  }
0x87: {  	_ =	swait.ge [sflag:s12], $0x4000  }
0x88: {  	[sflag:s12] =	ssyncset.done $0x0  }
0x89: {  	[sflag:s12] =	ssyncadd.s32 $0xFFFFC000  }
0x8a: {  	_ =	swait.ge [sflag:s18], $0x4000  }
0x8b: {  	[sflag:s18] =	ssyncset.done $0x0  }
0x8c: {  	[sflag:s18] =	ssyncadd.s32 $0xFFFFC000  }
0x8d: {  	[tilespmem:s19], [sflag:$0x2] =	stream.indirect.gather [hbm4b:s4+s13], $0x80, s21, s13, $0xb8;
	[tilespmem:$0x1E800] =	vst v63  }
0x8e: {  	_ = 	snop  }
0x8f: {  	[spmem:s2] =	stream.indirect.scatter.add.f32 [tilespmem:s14], [sflag:$0x3], $0x80, s22, s13, $0xb8;
	[tilespmem:$0x1E800] =	vst v63  }
0x90: {  	_ =	swait.ge [sflag:s12], $0x4000  }
0x91: {  	[sflag:s12] =	ssyncset.done $0x0  }
0x92: {  	[sflag:s12] =	ssyncadd.s32 $0xFFFFC000  }
0x93: {  	_ =	swait.ge [sflag:s20], $0x4000  }
0x94: {  	[sflag:s20] =	ssyncset.done $0x0  }
0x95: {  	[sflag:s20] =	ssyncadd.s32 $0xFFFFC000  }
0x96: {  	[spmem:s2] =	stream.indirect.scatter.add.f32 [tilespmem:s19], [sflag:$0x3], $0x80, s23, s13, $0xb8;
	[tilespmem:$0x1E800] =	vst v63  }
0x97: {  	_ =	swait.ge [sflag:s12], $0x4000  }
0x98: {  	s24 =	sadd.s32 $0x1, s24;
	[sflag:s12] =	ssyncset.done $0x0  }
0x99: {  	p0 =	sne.s32 s24, s11;
	[sflag:s12] =	ssyncadd.s32 $0xFFFFC000  }
.Ltmp2:
0x9a: {  	[bflag:$0x0] =	sbarrier.arrive $0xFFFF;
	(pc) =	sbr.rel @p0 .LBB2_1-.Ltmp2, $4  }
0x9b: {  	[hbm:s10], [sflag:s16] =	dma.local [spmem:s17], $0x2800  }
0x9c: {  	_ =	swait.ge [sflag:s12], $0x2800  }
0x9d: {  	[sflag:s12] =	ssyncset.done $0x0  }
0x9e: {  	[sflag:s12] =	ssyncadd.s32 $0xFFFFD800  }
0x9f: {  	_ =	sfence.sel $0x180000  }
0xa0: {  	[bflag:$0x0] =	sbarrier.arrive $0xFFFF  }
0xa1: {  	p0 =	sne.s32 s1, $0x0;
	_ =	strace $0x9000004A  }
0xa2: {  	s0 =	sadd.s32 @!p0 $0x100000, s0;
	[bflag:$0x2] =	sbarrier.arrive $0xFFFF  }
0xa3: {  	[sflag:s0] =	ssyncadd.tile.s32 @!p0 $0x1;
	_ =	shalt  }
.Lfunc_end2:
_tile_overlayer_lowered:
.L_overlay_start_2:
0xa4: {  	(tag) =	ssettag $0x2  }
0xa5: {  	s0 =	rddreg [dreg:$0x0];
	s2 =	stileid.u32  }
0xa6: {  	s1 =	rddreg [dreg:$0x1];
	p0 =	sne.s32 s2, $0x0  }
0xa7: {  	s3 =	rddreg [dreg:$0x2];
	[bflag:$0x3] =	sbarrier.arrive $0xFFFF;
	s2 =	simm.s32 @!p0 $0x1C03  }
0xa8: {  	[timem:s3], [sflag:s2] =	dma.local @!p0 [hbm:s0], s1  }
0xa9: {  	s0 =	simm.s32 @!p0 $0x3  }
0xaa: {  	_ =	swait.ge @!p0 [sflag:s0], s1  }
0xab: {  	s1 =	ssub.s32 @!p0 $0x0, s1;
	[sflag:s0] =	ssyncset.done @!p0 $0x0  }
0xac: {  	[sflag:s0] =	ssyncadd.s32 @!p0 s1  }
0xad: {  	[bflag:$0x3] =	sbarrier.arrive $0xFFFF  }
0xae: {  	_ =	shalt  }

// kernel: kernel.14.cloned.1.call-start
scs
__scs_entry_jumppad:
0x0: {  	(pc) =	sbr.rel $0x88, $3  }
0x1: {  	(tag) =	ssettag $0x0;
	lr =	simm.s32 $0x1  }
0x2: {  	[smem:$0x3F99] =	sst lr;
	_ =	strace $0xD0000000  }
0x3: {  	_ = 	snop  }
0x4: {  	_ = 	snop  }
0x5: {  	_ = 	snop  }
0x6: {  	_ = 	snop  }
0x7: {  	_ = 	snop  }
__scs_overlays_trampoline_lowered:
0x8: {  	[smem:$0x3FA8] =	sst s0  }
0x9: {  	[smem:$0x3FA9] =	sst s1  }
0xa: {  	[smem:$0x3FAA] =	sst s2  }
0xb: {  	[smem:$0x3FAB] =	sst s3  }
0xc: {  	[smem:$0x3FAC] =	sst s4  }
0xd: {  	[smem:$0x3FAD] =	sst s5  }
0xe: {  	[smem:$0x3FAE] =	sst s6  }
0xf: {  	[smem:$0x3FAF] =	sst s7  }
0x10: {  	[smem:$0x3FB0] =	sst s8  }
0x11: {  	[smem:$0x3FB1] =	sst s9;
	s0 =	simm.s32 @!p0 $0x0  }
0x12: {  	s1 =	sld [smem:$0x3F97];
	s0 =	simm.s32 @p0 $0x1  }
0x13: {  	[smem:$0x3FB2] =	sst s0;
	s0 =	simm.s32 @!p1 $0x0  }
0x14: {  	s2 =	sld [smem:$0x3F96];
	s0 =	simm.s32 @p1 $0x1  }
0x15: {  	[smem:$0x3FB3] =	sst s0;
	s0 =	simm.s32 @!p2 $0x0  }
0x16: {  	s3 =	sld [smem:$0x3FDB];
	s0 =	simm.s32 @p2 $0x1  }
0x17: {  	s4 =	simm.s32 $0x1BF5;
	[smem:$0x3FB5] =	sst s0  }
0x18: {  	s0 =	sld [smem:$0x3F98];
	_ =	swait.ge [sflag:s4], $0x0  }
0x19: {  	s7 =	sld [smem:$0x3F99]  }
0x1a: {  	s8 =	sadd.s32 $0xFFFFE003, lr  }
0x1b: {  	s9 =	sadd.s32 $0xFFFFFEF7, lr;
	s5 =	simm.s32 $0xFFFFFFFF;
	p2 =	slt.u32 s8, $0xFFFFF086  }
0x1c: {  	p1 =	slt.u32 s9, $0xF7A;
	s5 =	simm.s32 @!p2 $0x0  }
0x1d: {  	s5 =	simm.s32 @p1 $0x1;
	p0 =	seq.s32 s7, s2  }
0x1e: {  	s7 =	smul.u32 @!p0 $0xF7A, s2;
	p2 =	seq.s32 @!p0 s5, $0x0  }
0x1f: {  	s9 =	smul.u32 $0xF7A, s1;
	s8 =	simm.s32 @!p0 $0x1BF5;
	p2 =	por !p2, p0  }
0x20: {  	[sflag:s8] =	ssyncset.s32 @!p0 $0xFFFFF086;
	s6 =	sadd.s32 @!p0 s3, s7;
	s7 =	simm.s32 @!p0 $0x108  }
0x21: {  	s3 =	sadd.s32 s3, s9;
	s6 =	sadd.s32 @!p0 $0x88, s6;
	s7 =	simm.s32 @p2 $0x1082  }
0x22: {  	[simem:s7], [sflag:s8] =	dma.local @!p0 [hbm:s6], $0xF7A  }
0x23: {  	s9 =	sor.u32 $0xD0000000, s2;
	s6 =	simm.s32 $0x108;
	_ =	swait.ge @!p0 [sflag:s8], $0x0  }
0x24: {  	s3 =	sadd.s32 $0x88, s3;
	s6 =	simm.s32 @!p1 $0x1082;
	[sflag:s4] =	ssyncset.s32 $0xFFFFF086  }
0x25: {  	[simem:s6], [sflag:s4] =	dma.local [hbm:s3], $0xF7A  }
0x26: {  	[smem:$0x3F99] =	sst s1;
	(tag) =	ssettag s2;
	_ =	strace s9  }
0x27: {  	s1 =	sld [smem:$0x3FA9]  }
0x28: {  	s2 =	sld [smem:$0x3FAA]  }
0x29: {  	s4 =	sld [smem:$0x3FAC]  }
0x2a: {  	p0 =	seq.s32 s5, $0x0;
	s5 =	sld [smem:$0x3FAD]  }
0x2b: {  	s6 =	sld [smem:$0x3FAE]  }
0x2c: {  	s7 =	sld [smem:$0x3FAF]  }
0x2d: {  	s3 =	simm.s32 $0x108;
	s8 =	sld [smem:$0x3FB0]  }
0x2e: {  	s3 =	simm.s32 @!p0 $0x1082;
	s9 =	sld [smem:$0x3FB1]  }
0x2f: {  	lr =	sadd.s32 s0, s3;
	s0 =	sld [smem:$0x3FA8]  }
0x30: {  	s3 =	sld [smem:$0x3FAB]  }
0x31: {  	[smem:$0x3FB4] =	sst s10  }
0x32: {  	s10 =	sld [smem:$0x3FB2];
	_ =	sdelay $0x3  }
0x33: {  	p0 =	seq.s32 s10, $0x1;
	s10 =	sld [smem:$0x3FB4];
	_ =	sdelay $0x3  }
0x34: {  	[smem:$0x3FB4] =	sst s10  }
0x35: {  	s10 =	sld [smem:$0x3FB3];
	_ =	sdelay $0x3  }
0x36: {  	p1 =	seq.s32 s10, $0x1;
	s10 =	sld [smem:$0x3FB4];
	_ =	sdelay $0x3  }
0x37: {  	[smem:$0x3FB4] =	sst s10  }
0x38: {  	s10 =	sld [smem:$0x3FB5]  }
0x39: {  	_ = 	snop;
	(pc) =	sbr.ind lr, $3  }
0x3a: {  	_ = 	snop  }
0x3b: {  	_ = 	snop  }
0x3c: {  	p2 =	seq.s32 s10, $0x1;
	s10 =	sld [smem:$0x3FB4]  }
0x3d: {  	_ =	shalt  }
0x3e: {  	_ =	shalt  }
0x3f: {  	_ =	shalt  }
0x40: {  	_ =	shalt  }
0x41: {  	_ =	shalt  }
0x42: {  	_ =	shalt  }
0x43: {  	_ =	shalt  }
0x44: {  	_ =	shalt  }
0x45: {  	_ =	shalt  }
0x46: {  	_ =	shalt  }
0x47: {  	_ =	shalt  }
0x48: {  	_ =	shalt  }
0x49: {  	_ =	shalt  }
0x4a: {  	_ =	shalt  }
0x4b: {  	_ =	shalt  }
0x4c: {  	_ =	shalt  }
0x4d: {  	_ =	shalt  }
0x4e: {  	_ =	shalt  }
0x4f: {  	_ =	shalt  }
0x50: {  	_ =	shalt  }
0x51: {  	_ =	shalt  }
0x52: {  	_ =	shalt  }
0x53: {  	_ =	shalt  }
0x54: {  	_ =	shalt  }
0x55: {  	_ =	shalt  }
0x56: {  	_ =	shalt  }
0x57: {  	_ =	shalt  }
0x58: {  	_ =	shalt  }
0x59: {  	_ =	shalt  }
0x5a: {  	_ =	shalt  }
0x5b: {  	_ =	shalt  }
0x5c: {  	_ =	shalt  }
0x5d: {  	_ =	shalt  }
0x5e: {  	_ =	shalt  }
0x5f: {  	_ =	shalt  }
0x60: {  	_ =	shalt  }
0x61: {  	_ =	shalt  }
0x62: {  	_ =	shalt  }
0x63: {  	_ =	shalt  }
0x64: {  	_ =	shalt  }
0x65: {  	_ =	shalt  }
0x66: {  	_ =	shalt  }
0x67: {  	_ =	shalt  }
0x68: {  	_ =	shalt  }
0x69: {  	_ =	shalt  }
0x6a: {  	_ =	shalt  }
0x6b: {  	_ =	shalt  }
0x6c: {  	_ =	shalt  }
0x6d: {  	_ =	shalt  }
0x6e: {  	_ =	shalt  }
0x6f: {  	_ =	shalt  }
0x70: {  	_ =	shalt  }
0x71: {  	_ =	shalt  }
0x72: {  	_ =	shalt  }
0x73: {  	_ =	shalt  }
0x74: {  	_ =	shalt  }
0x75: {  	_ =	shalt  }
0x76: {  	_ =	shalt  }
0x77: {  	_ =	shalt  }
0x78: {  	_ =	shalt  }
0x79: {  	_ =	shalt  }
0x7a: {  	_ =	shalt  }
0x7b: {  	_ =	shalt  }
0x7c: {  	_ =	shalt  }
0x7d: {  	_ =	shalt  }
0x7e: {  	_ =	shalt  }
0x7f: {  	_ =	shalt  }
0x80: {  	_ =	shalt  }
0x81: {  	_ =	shalt  }
0x82: {  	_ =	shalt  }
0x83: {  	_ =	shalt  }
0x84: {  	_ =	shalt  }
0x85: {  	_ =	shalt  }
0x86: {  	_ =	shalt  }
0x87: {  	_ =	shalt  }
.Lfunc_end0:
.L_simem_size_0:
called_computation.2_lowered:
.L_overlay_start_0:
0x88: {  	s2 =	sld [smem:$0x3FD9]  }
0x89: {  	s3 =	sld [smem:$0x3FFE];
	_ =	sdelay $0x1  }
0x8a: {  	s1 =	srdreg.scid  }
0x8b: {  	s0 =	sand.u32 $0x1, s1  }
0x8c: {  	s16 =	sshll.u32 s0, $0xA;
	s2 =	sadd.s32 s3, s2  }
0x8d: {  	s2 =	sadd.s32 s2, s16  }
0x8e: {  	[smem:$0x3FC0] =	sst s2  }
0x8f: {  	_ = 	snop  }
0x90: {  	(tm) =	ssettm $0x1  }
0x91: {  	s17 =	sld [smem:$0x3FFB];
	_ =	sdelay $0x3  }
0x92: {  	_ =	strace s17  }
0x93: {  	s2 =	sld [smem:$0x3FFC];
	_ =	sdelay $0x3  }
0x94: {  	_ =	strace s2  }
0x95: {  	s2 =	sld [smem:$0x3FFD];
	_ =	sdelay $0x3  }
0x96: {  	_ =	strace s2  }
0x97: {  	_ =	strace $0x8FFFFFFF  }
0x98: {  	s18 =	sld [smem:$0x3FDB];
	_ =	sdelay $0x1  }
0x99: {  	s19 =	simm.s32 $_scs_section_size  }
0x9a: {  	s4 =	simm.s32 $_size__tile_overlayer_lowered;
	s5 =	simm.s32 $_tile_overlayer_lowered  }
0x9b: {  	s22 =	simm.s32 $0x1BFF;
	s21 =	sshll.u32 s5, $0x1;
	s2 =	sadd.s32 s19, s18  }
0x9c: {  	s6 =	simm.s32 $0x0;
	s20 =	sshll.u32 s4, $0x1;
	s4 =	sadd.s32 s21, s2  }
0x9d: {  	[timem:s6], [sflag:s22] =	dma.local [hbm:s4], s20  }
0x9e: {  	_ =	swait.ge [sflag:s22], s20  }
0x9f: {  	s3 =	ssub.s32 $0x0, s20;
	[sflag:s22] =	ssyncset.done $0x0  }
0xa0: {  	[sflag:s22] =	ssyncadd.s32 s3;
	_ =	sdelay $0x1  }
0xa1: {  	s23 =	simm.s32 $0x1B8B  }
0xa2: {  	_ =	swait.ge [sflag:s23], $0x1  }
0xa3: {  	[sflag:s23] =	ssyncset.done $0x0  }
0xa4: {  	s25 =	simm.s32 $0x1B8E;
	s24 =	sld [smem:$0x3FFE];
	[sflag:s23] =	ssyncadd.s32 $0xFFFFFFFF  }
0xa5: {  	s26 =	simm.s32 $execute0_lowered;
	[smem:$0x3FD2] =	sst s25  }
0xa6: {  	s4 =	sshll.u32 s26, $0x1;
	_ =	strace $0x8000004C;
	[dreg:$0x1] =	wrdreg $0xFFFFFFFF  }
0xa7: {  	s28 =	simm.s32 $_size_execute0_lowered;
	s2 =	sadd.s32 s2, s4;
	[dreg:$0x0] =	wrdreg $0x0  }
0xa8: {  	s4 =	sshll.u32 s28, $0x1;
	[dreg:$0x2] =	wrdreg s2  }
0xa9: {  	[dreg:$0x3] =	wrdreg s4  }
0xaa: {  	[dreg:$0x4] =	wrdreg $0xC0  }
0xab: {  	_ =	task [dreg:s6], $0x5FFFF  }
0xac: {  	[dreg:$0x1] =	wrdreg $0xFFFFFFFF  }
0xad: {  	[dreg:$0x0] =	wrdreg $0x60  }
0xae: {  	[dreg:$0x2] =	wrdreg s24  }
0xaf: {  	[dreg:$0x3] =	wrdreg $0xA8000  }
0xb0: {  	[dreg:$0x4] =	wrdreg $0x9  }
0xb1: {  	_ =	task.clear_ibuf [dreg:s6], $0x5FFFF;
	_ =	strace $0x9000004C  }
0xb2: {  	s29 =	simm.s32 $0x9;
	_ =	strace $0x8000004E  }
0xb3: {  	_ =	swait.ge [sflag:s29], $0x1  }
0xb4: {  	[sflag:s29] =	ssyncadd.s32 $0xFFFFFFFF  }
0xb5: {  	_ =	strace $0x9000004E  }
0xb6: {  	_ =	sfence  }
0xb7: {  	s30 =	sld [smem:$0x0];
	_ =	sdelay $0x2  }
0xb8: {  	s31 =	sshll.u32 s1, $0xD;
	s1 =	sshrl.u32 s1, $0x2  }
0xb9: {  	s3 =	sand.u32 $0x4000, s31;
	s1 =	sadd.s32 s1, s30  }
0xba: {  	s0 =	sor.u32 s3, s0;
	s1 =	sshll.u32 s1, $0x11  }
0xbb: {  	s0 =	sor.u32 s1, s0  }
0xbc: {  	s0 =	sadd.s32 $0x8F2B, s0  }
0xbd: {  	[sflag:s0] =	ssyncadd.remote.s32 $0x1  }
0xbe: {  	_ =	sfence.sel $0xFFFF  }
0xbf: {  	[dreg:$0x0] =	wrdreg $0xFFFFFFFF;
	(pc) =	sbr.abs _section_cstart, $3  }
0xc0: {  	[dreg:$0x1] =	wrdreg $0xFFFFFFFF  }
0xc1: {  	_ =	task.clear_ibuf [dreg:s6], $0x2FFFF;
	_ =	strace $0x9FFFFFFF  }
0xc2: {  	(tm) =	ssettm $0x7FFFFFFF  }
0xc3: {  	_ =	shalt  }
tec
execute0_lowered:
.L_overlay_start_1:
0x0: {  	(tag) =	ssettag $0x1  }
0x1: {  	s5 =	rddreg [dreg:$0x0]  }
0x2: {  	s2 =	rddreg [dreg:$0x1]  }
0x3: {  	s0 =	rddreg [dreg:$0x2]  }
0x4: {  	s3 =	simm.s32 $0x0;
	s1 =	stileid.u32;
	s7 =	srdreg.scid  }
0x5: {  	s15 =	simm.s32 $0x1400;
	s18 =	simm.s32 $0x1;
	s19 =	simm.s32 $0x6800  }
0x6: {  	s20 =	simm.s32 $0x2;
	s21 =	simm.s32 $0x1380;
	s22 =	simm.s32 $0x2700  }
0x7: {  	s23 =	simm.s32 $0x2780;
	s24 =	simm.s32 $0x0;
	[smem:$0x7FF] =	sst s3  }
0x8: {  	s6 =	smul.u32 $0x14000, s1;
	s4 =	sadd.s32 $0x1C00, s5;
	s8 =	sadd.s32 $0x34400, s5  }
0x9: {  	s7 =	sand.u32 $0x1, s7;
	s11 =	sshll.u32 s1, $0x1;
	s12 =	sadd.s32 $0x2A400, s5  }
0xa: {  	s13 =	smul.u32 $0x50000, s1;
	s16 =	sshll.u32 s1, $0x6;
	_ =	strace $0x8000004D  }
0xb: {  	s10 =	smul.u32 $0x140000, s7;
	s11 =	sor.u32 s7, s11;
	s7 =	ssub.s32 $0x2, s7  }
0xc: {  	s16 =	sor.u32 $0x1C03, s16;
	s9 =	sshrl.u32 s6, $0x3;
	s28 =	smul.u32 $0x2800, s11  }
0xd: {  	s29 =	sshrl.u32 s7, $0x1;
	s30 =	sshrl.u32 s13, $0x2;
	s13 =	simm.s32 $0x80  }
0xe: {  	s9 =	sadd.s32 s9, s5;
	s6 =	sadd.s32 s6, s10;
	s11 =	ssub.s32 s7, s29  }
0xf: {  	s17 =	sadd.s32 s30, s2;
	s6 =	sshrl.u32 s6, $0x3;
	s10 =	sshrl.u32 s28, $0x3  }
0x10: {  	s7 =	sadd.s32 $0x3E400, s9;
	s11 =	smax.u32 s11, $0x1;
	s17 =	sshrl.u32 s17, $0x3  }
0x11: {  	s14 =	sadd.s32 s6, s5;
	s5 =	sadd.s32 s8, s10;
	s31 =	sadd.s32 $0x280, s10  }
0x12: {  	s6 =	sadd.s32 s12, s10;
	s8 =	sadd.s32 s8, s31;
	s9 =	sadd.s32 s12, s31  }
0x13: {  	s10 =	sadd.s32 $0x66400, s14;
	s12 =	simm.s32 $0x3;
	s14 =	simm.s32 $0x2800  }
.LBB2_1:
0x14: {  	[tilespmem:s3], [sflag:$0x3] =	stream.linear.gather [hbm4b:s5+s3], $0x1400, $0x38;
	[tilespmem:$0x1E800] =	vst v63  }
0x15: {  	_ =	swait.ge [sflag:s12], $0x1400  }
0x16: {  	[sflag:s12] =	ssyncset.done $0x0  }
0x17: {  	[sflag:s12] =	ssyncadd.s32 $0xFFFFEC00  }
0x18: {  	[tilespmem:s14], [sflag:$0x1] =	stream.indirect.gather [hbm4b:s4+s13], $0x80, s3, s13, $0xb8;
	[tilespmem:$0x1E800] =	vst v63  }
0x19: {  	_ = 	snop  }
0x1a: {  	[tilespmem:s15], [sflag:$0x3] =	stream.linear.gather [hbm4b:s6+s3], $0x1400, $0x38;
	[tilespmem:$0x1E800] =	vst v63  }
0x1b: {  	_ =	swait.ge [sflag:s12], $0x1400  }
0x1c: {  	[sflag:s12] =	ssyncset.done $0x0  }
0x1d: {  	[sflag:s12] =	ssyncadd.s32 $0xFFFFEC00  }
0x1e: {  	[spmem:s17], [sflag:s16] =	dma.local [hbm:s7], $0x2800  }
0x1f: {  	_ =	swait.ge [sflag:s12], $0x2800  }
0x20: {  	[sflag:s12] =	ssyncset.done $0x0  }
0x21: {  	[sflag:s12] =	ssyncadd.s32 $0xFFFFD800  }
0x22: {  	[bflag:$0x0] =	sbarrier.arrive $0xFFFF  }
0x23: {  	_ =	swait.ge [sflag:s18], $0x4000  }
0x24: {  	[sflag:s18] =	ssyncset.done $0x0  }
0x25: {  	s25 =	simm.s32 $0x80;
	[sflag:s18] =	ssyncadd.s32 $0xFFFFC000  }
0x26: {  	[tilespmem:s19], [sflag:$0x2] =	stream.indirect.gather [hbm4b:s4+s13], $0x80, s25, s13, $0xb8;
	[tilespmem:$0x1E800] =	vst v63  }
0x27: {  	s29 =	simm.s32 $0x1400  }
0x28: {  	[spmem:s2] =	stream.indirect.scatter.add.f32 [tilespmem:s14], [sflag:$0x3], $0x80, s29, s13, $0xb8;
	[tilespmem:$0x1E800] =	vst v63  }
0x29: {  	_ =	swait.ge [sflag:s12], $0x4000  }
0x2a: {  	[sflag:s12] =	ssyncset.done $0x0  }
0x2b: {  	[sflag:s12] =	ssyncadd.s32 $0xFFFFC000  }
0x2c: {  	_ =	swait.ge [sflag:s20], $0x4000  }
0x2d: {  	[sflag:s20] =	ssyncset.done $0x0  }
0x2e: {  	s30 =	simm.s32 $0x100;
	[sflag:s20] =	ssyncadd.s32 $0xFFFFC000  }
0x2f: {  	[tilespmem:s14], [sflag:$0x1] =	stream.indirect.gather [hbm4b:s4+s13], $0x80, s30, s13, $0xb8;
	[tilespmem:$0x1E800] =	vst v63  }
0x30: {  	s31 =	simm.s32 $0x1480  }
0x31: {  	[spmem:s2] =	stream.indirect.scatter.add.f32 [tilespmem:s19], [sflag:$0x3], $0x80, s31, s13, $0xb8;
	[tilespmem:$0x1E800] =	vst v63  }
0x32: {  	_ =	swait.ge [sflag:s12], $0x4000  }
0x33: {  	s25 =	simm.s32 $0x400;
	[sflag:s12] =	ssyncset.done $0x0  }
.LBB2_2:
0x34: {  	p0 =	sne.s32 s25, $0x4800  }
0x35: {  	[sflag:s12] =	ssyncadd.s32 $0xFFFFC000;
	s26 =	smov.u32 s25;
	s25 =	sadd.s32 $0x400, s25  }
0x36: {  	_ = 	snop  }
0x37: {  	_ =	swait.ge [sflag:s18], $0x4000  }
0x38: {  	s26 =	sshra.s32 s26, $0x2;
	[sflag:s18] =	ssyncset.done $0x0  }
0x39: {  	s28 =	sadd.s32 $0x80, s26;
	[sflag:s18] =	ssyncadd.s32 $0xFFFFC000  }
0x3a: {  	[tilespmem:s19], [sflag:$0x2] =	stream.indirect.gather [hbm4b:s4+s13], $0x80, s28, s13, $0xb8;
	[tilespmem:$0x1E800] =	vst v63  }
0x3b: {  	s28 =	sadd.s32 $0x1400, s26  }
0x3c: {  	[spmem:s2] =	stream.indirect.scatter.add.f32 [tilespmem:s14], [sflag:$0x3], $0x80, s28, s13, $0xb8;
	[tilespmem:$0x1E800] =	vst v63  }
0x3d: {  	_ =	swait.ge [sflag:s12], $0x4000  }
0x3e: {  	[sflag:s12] =	ssyncset.done $0x0  }
0x3f: {  	[sflag:s12] =	ssyncadd.s32 $0xFFFFC000  }
0x40: {  	_ =	swait.ge [sflag:s20], $0x4000  }
0x41: {  	[sflag:s20] =	ssyncset.done $0x0  }
0x42: {  	s28 =	sadd.s32 $0x100, s26;
	[sflag:s20] =	ssyncadd.s32 $0xFFFFC000  }
0x43: {  	[tilespmem:s14], [sflag:$0x1] =	stream.indirect.gather [hbm4b:s4+s13], $0x80, s28, s13, $0xb8;
	[tilespmem:$0x1E800] =	vst v63  }
.Ltmp0:
0x44: {  	_ = 	snop;
	(pc) =	sbr.rel @p0 .LBB2_2-.Ltmp0, $4  }
0x45: {  	s26 =	sadd.s32 $0x1480, s26  }
0x46: {  	[spmem:s2] =	stream.indirect.scatter.add.f32 [tilespmem:s19], [sflag:$0x3], $0x80, s26, s13, $0xb8;
	[tilespmem:$0x1E800] =	vst v63  }
0x47: {  	_ =	swait.ge [sflag:s12], $0x4000  }
0x48: {  	[sflag:s12] =	ssyncset.done $0x0  }
0x49: {  	[sflag:s12] =	ssyncadd.s32 $0xFFFFC000  }
0x4a: {  	_ =	swait.ge [sflag:s18], $0x4000  }
0x4b: {  	[sflag:s18] =	ssyncset.done $0x0  }
0x4c: {  	[sflag:s18] =	ssyncadd.s32 $0xFFFFC000  }
0x4d: {  	[tilespmem:s19], [sflag:$0x2] =	stream.indirect.gather [hbm4b:s4+s13], $0x80, s21, s13, $0xb8;
	[tilespmem:$0x1E800] =	vst v63  }
0x4e: {  	_ = 	snop  }
0x4f: {  	[spmem:s2] =	stream.indirect.scatter.add.f32 [tilespmem:s14], [sflag:$0x3], $0x80, s22, s13, $0xb8;
	[tilespmem:$0x1E800] =	vst v63  }
0x50: {  	_ =	swait.ge [sflag:s12], $0x4000  }
0x51: {  	[sflag:s12] =	ssyncset.done $0x0  }
0x52: {  	[sflag:s12] =	ssyncadd.s32 $0xFFFFC000  }
0x53: {  	_ =	swait.ge [sflag:s20], $0x4000  }
0x54: {  	[sflag:s20] =	ssyncset.done $0x0  }
0x55: {  	[sflag:s20] =	ssyncadd.s32 $0xFFFFC000  }
0x56: {  	[spmem:s2] =	stream.indirect.scatter.add.f32 [tilespmem:s19], [sflag:$0x3], $0x80, s23, s13, $0xb8;
	[tilespmem:$0x1E800] =	vst v63  }
0x57: {  	_ =	swait.ge [sflag:s12], $0x4000  }
0x58: {  	[sflag:s12] =	ssyncset.done $0x0  }
0x59: {  	s25 =	simm.s32 $0x0;
	[sflag:s12] =	ssyncadd.s32 $0xFFFFC000  }
0x5a: {  	[tilespmem:s25], [sflag:$0x3] =	stream.linear.gather [hbm4b:s8+s25], $0x1400, $0x38;
	[tilespmem:$0x1E800] =	vst v63  }
0x5b: {  	_ =	swait.ge [sflag:s12], $0x1400  }
0x5c: {  	[sflag:s12] =	ssyncset.done $0x0  }
0x5d: {  	[sflag:s12] =	ssyncadd.s32 $0xFFFFEC00  }
0x5e: {  	[tilespmem:s15], [sflag:$0x3] =	stream.linear.gather [hbm4b:s9+s25], $0x1400, $0x38;
	[tilespmem:$0x1E800] =	vst v63  }
0x5f: {  	_ =	swait.ge [sflag:s12], $0x1400  }
0x60: {  	[sflag:s12] =	ssyncset.done $0x0  }
0x61: {  	[sflag:s12] =	ssyncadd.s32 $0xFFFFEC00  }
0x62: {  	[tilespmem:s14], [sflag:$0x1] =	stream.indirect.gather [hbm4b:s4+s13], $0x80, s25, s13, $0xb8;
	[tilespmem:$0x1E800] =	vst v63  }
0x63: {  	_ =	swait.ge [sflag:s18], $0x4000  }
0x64: {  	[sflag:s18] =	ssyncset.done $0x0  }
0x65: {  	s28 =	simm.s32 $0x80;
	[sflag:s18] =	ssyncadd.s32 $0xFFFFC000  }
0x66: {  	[tilespmem:s19], [sflag:$0x2] =	stream.indirect.gather [hbm4b:s4+s13], $0x80, s28, s13, $0xb8;
	[tilespmem:$0x1E800] =	vst v63  }
0x67: {  	s29 =	simm.s32 $0x1400  }
0x68: {  	[spmem:s2] =	stream.indirect.scatter.add.f32 [tilespmem:s14], [sflag:$0x3], $0x80, s29, s13, $0xb8;
	[tilespmem:$0x1E800] =	vst v63  }
0x69: {  	_ =	swait.ge [sflag:s12], $0x4000  }
0x6a: {  	[sflag:s12] =	ssyncset.done $0x0  }
0x6b: {  	[sflag:s12] =	ssyncadd.s32 $0xFFFFC000  }
0x6c: {  	_ =	swait.ge [sflag:s20], $0x4000  }
0x6d: {  	[sflag:s20] =	ssyncset.done $0x0  }
0x6e: {  	s30 =	simm.s32 $0x100;
	[sflag:s20] =	ssyncadd.s32 $0xFFFFC000  }
0x6f: {  	[tilespmem:s14], [sflag:$0x1] =	stream.indirect.gather [hbm4b:s4+s13], $0x80, s30, s13, $0xb8;
	[tilespmem:$0x1E800] =	vst v63  }
0x70: {  	s31 =	simm.s32 $0x1480  }
0x71: {  	[spmem:s2] =	stream.indirect.scatter.add.f32 [tilespmem:s19], [sflag:$0x3], $0x80, s31, s13, $0xb8;
	[tilespmem:$0x1E800] =	vst v63  }
0x72: {  	_ =	swait.ge [sflag:s12], $0x4000  }
0x73: {  	s25 =	simm.s32 $0x400;
	[sflag:s12] =	ssyncset.done $0x0  }
.LBB2_4:
0x74: {  	p0 =	sne.s32 s25, $0x4800  }
0x75: {  	[sflag:s12] =	ssyncadd.s32 $0xFFFFC000;
	s26 =	smov.u32 s25;
	s25 =	sadd.s32 $0x400, s25  }
0x76: {  	_ = 	snop  }
0x77: {  	_ =	swait.ge [sflag:s18], $0x4000  }
0x78: {  	s26 =	sshra.s32 s26, $0x2;
	[sflag:s18] =	ssyncset.done $0x0  }
0x79: {  	s28 =	sadd.s32 $0x80, s26;
	[sflag:s18] =	ssyncadd.s32 $0xFFFFC000  }
0x7a: {  	[tilespmem:s19], [sflag:$0x2] =	stream.indirect.gather [hbm4b:s4+s13], $0x80, s28, s13, $0xb8;
	[tilespmem:$0x1E800] =	vst v63  }
0x7b: {  	s28 =	sadd.s32 $0x1400, s26  }
0x7c: {  	[spmem:s2] =	stream.indirect.scatter.add.f32 [tilespmem:s14], [sflag:$0x3], $0x80, s28, s13, $0xb8;
	[tilespmem:$0x1E800] =	vst v63  }
0x7d: {  	_ =	swait.ge [sflag:s12], $0x4000  }
0x7e: {  	[sflag:s12] =	ssyncset.done $0x0  }
0x7f: {  	[sflag:s12] =	ssyncadd.s32 $0xFFFFC000  }
0x80: {  	_ =	swait.ge [sflag:s20], $0x4000  }
0x81: {  	[sflag:s20] =	ssyncset.done $0x0  }
0x82: {  	s28 =	sadd.s32 $0x100, s26;
	[sflag:s20] =	ssyncadd.s32 $0xFFFFC000  }
0x83: {  	[tilespmem:s14], [sflag:$0x1] =	stream.indirect.gather [hbm4b:s4+s13], $0x80, s28, s13, $0xb8;
	[tilespmem:$0x1E800] =	vst v63  }
.Ltmp1:
0x84: {  	_ = 	snop;
	(pc) =	sbr.rel @p0 .LBB2_4-.Ltmp1, $4  }
0x85: {  	s26 =	sadd.s32 $0x1480, s26  }
0x86: {  	[spmem:s2] =	stream.indirect.scatter.add.f32 [tilespmem:s19], [sflag:$0x3], $0x80, s26, s13, $0xb8;
	[tilespmem:$0x1E800] =	vst v63  }
0x87: {  	_ =	swait.ge [sflag:s12], $0x4000  }
0x88: {  	[sflag:s12] =	ssyncset.done $0x0  }
0x89: {  	[sflag:s12] =	ssyncadd.s32 $0xFFFFC000  }
0x8a: {  	_ =	swait.ge [sflag:s18], $0x4000  }
0x8b: {  	[sflag:s18] =	ssyncset.done $0x0  }
0x8c: {  	[sflag:s18] =	ssyncadd.s32 $0xFFFFC000  }
0x8d: {  	[tilespmem:s19], [sflag:$0x2] =	stream.indirect.gather [hbm4b:s4+s13], $0x80, s21, s13, $0xb8;
	[tilespmem:$0x1E800] =	vst v63  }
0x8e: {  	_ = 	snop  }
0x8f: {  	[spmem:s2] =	stream.indirect.scatter.add.f32 [tilespmem:s14], [sflag:$0x3], $0x80, s22, s13, $0xb8;
	[tilespmem:$0x1E800] =	vst v63  }
0x90: {  	_ =	swait.ge [sflag:s12], $0x4000  }
0x91: {  	[sflag:s12] =	ssyncset.done $0x0  }
0x92: {  	[sflag:s12] =	ssyncadd.s32 $0xFFFFC000  }
0x93: {  	_ =	swait.ge [sflag:s20], $0x4000  }
0x94: {  	[sflag:s20] =	ssyncset.done $0x0  }
0x95: {  	[sflag:s20] =	ssyncadd.s32 $0xFFFFC000  }
0x96: {  	[spmem:s2] =	stream.indirect.scatter.add.f32 [tilespmem:s19], [sflag:$0x3], $0x80, s23, s13, $0xb8;
	[tilespmem:$0x1E800] =	vst v63  }
0x97: {  	_ =	swait.ge [sflag:s12], $0x4000  }
0x98: {  	s24 =	sadd.s32 $0x1, s24;
	[sflag:s12] =	ssyncset.done $0x0  }
0x99: {  	p0 =	sne.s32 s24, s11;
	[sflag:s12] =	ssyncadd.s32 $0xFFFFC000  }
.Ltmp2:
0x9a: {  	[bflag:$0x0] =	sbarrier.arrive $0xFFFF;
	(pc) =	sbr.rel @p0 .LBB2_1-.Ltmp2, $4  }
0x9b: {  	[hbm:s10], [sflag:s16] =	dma.local [spmem:s17], $0x2800  }
0x9c: {  	_ =	swait.ge [sflag:s12], $0x2800  }
0x9d: {  	[sflag:s12] =	ssyncset.done $0x0  }
0x9e: {  	[sflag:s12] =	ssyncadd.s32 $0xFFFFD800  }
0x9f: {  	_ =	sfence.sel $0x180000  }
0xa0: {  	[bflag:$0x0] =	sbarrier.arrive $0xFFFF  }
0xa1: {  	p0 =	sne.s32 s1, $0x0;
	_ =	strace $0x9000004D  }
0xa2: {  	s0 =	sadd.s32 @!p0 $0x100000, s0;
	[bflag:$0x2] =	sbarrier.arrive $0xFFFF  }
0xa3: {  	[sflag:s0] =	ssyncadd.tile.s32 @!p0 $0x1;
	_ =	shalt  }
.Lfunc_end2:
_tile_overlayer_lowered:
.L_overlay_start_2:
0xa4: {  	(tag) =	ssettag $0x2  }
0xa5: {  	s0 =	rddreg [dreg:$0x0];
	s2 =	stileid.u32  }
0xa6: {  	s1 =	rddreg [dreg:$0x1];
	p0 =	sne.s32 s2, $0x0  }
0xa7: {  	s3 =	rddreg [dreg:$0x2];
	[bflag:$0x3] =	sbarrier.arrive $0xFFFF;
	s2 =	simm.s32 @!p0 $0x1C03  }
0xa8: {  	[timem:s3], [sflag:s2] =	dma.local @!p0 [hbm:s0], s1  }
0xa9: {  	s0 =	simm.s32 @!p0 $0x3  }
0xaa: {  	_ =	swait.ge @!p0 [sflag:s0], s1  }
0xab: {  	s1 =	ssub.s32 @!p0 $0x0, s1;
	[sflag:s0] =	ssyncset.done @!p0 $0x0  }
0xac: {  	[sflag:s0] =	ssyncadd.s32 @!p0 s1  }
0xad: {  	[bflag:$0x3] =	sbarrier.arrive $0xFFFF  }
0xae: {  	_ =	shalt  }

// kernel: kernel.8.cloned.1.call-start
scs
__scs_entry_jumppad:
0x0: {  	(pc) =	sbr.rel $0x88, $3  }
0x1: {  	(tag) =	ssettag $0x0;
	lr =	simm.s32 $0x1  }
0x2: {  	[smem:$0x3F99] =	sst lr;
	_ =	strace $0xD0000000  }
0x3: {  	_ = 	snop  }
0x4: {  	_ = 	snop  }
0x5: {  	_ = 	snop  }
0x6: {  	_ = 	snop  }
0x7: {  	_ = 	snop  }
__scs_overlays_trampoline_lowered:
0x8: {  	[smem:$0x3FA8] =	sst s0  }
0x9: {  	[smem:$0x3FA9] =	sst s1  }
0xa: {  	[smem:$0x3FAA] =	sst s2  }
0xb: {  	[smem:$0x3FAB] =	sst s3  }
0xc: {  	[smem:$0x3FAC] =	sst s4  }
0xd: {  	[smem:$0x3FAD] =	sst s5  }
0xe: {  	[smem:$0x3FAE] =	sst s6  }
0xf: {  	[smem:$0x3FAF] =	sst s7  }
0x10: {  	[smem:$0x3FB0] =	sst s8  }
0x11: {  	[smem:$0x3FB1] =	sst s9;
	s0 =	simm.s32 @!p0 $0x0  }
0x12: {  	s1 =	sld [smem:$0x3F97];
	s0 =	simm.s32 @p0 $0x1  }
0x13: {  	[smem:$0x3FB2] =	sst s0;
	s0 =	simm.s32 @!p1 $0x0  }
0x14: {  	s2 =	sld [smem:$0x3F96];
	s0 =	simm.s32 @p1 $0x1  }
0x15: {  	[smem:$0x3FB3] =	sst s0;
	s0 =	simm.s32 @!p2 $0x0  }
0x16: {  	s3 =	sld [smem:$0x3FDB];
	s0 =	simm.s32 @p2 $0x1  }
0x17: {  	s4 =	simm.s32 $0x1BF5;
	[smem:$0x3FB5] =	sst s0  }
0x18: {  	s0 =	sld [smem:$0x3F98];
	_ =	swait.ge [sflag:s4], $0x0  }
0x19: {  	s7 =	sld [smem:$0x3F99]  }
0x1a: {  	s8 =	sadd.s32 $0xFFFFE003, lr  }
0x1b: {  	s9 =	sadd.s32 $0xFFFFFEF7, lr;
	s5 =	simm.s32 $0xFFFFFFFF;
	p2 =	slt.u32 s8, $0xFFFFF086  }
0x1c: {  	p1 =	slt.u32 s9, $0xF7A;
	s5 =	simm.s32 @!p2 $0x0  }
0x1d: {  	s5 =	simm.s32 @p1 $0x1;
	p0 =	seq.s32 s7, s2  }
0x1e: {  	s7 =	smul.u32 @!p0 $0xF7A, s2;
	p2 =	seq.s32 @!p0 s5, $0x0  }
0x1f: {  	s9 =	smul.u32 $0xF7A, s1;
	s8 =	simm.s32 @!p0 $0x1BF5;
	p2 =	por !p2, p0  }
0x20: {  	[sflag:s8] =	ssyncset.s32 @!p0 $0xFFFFF086;
	s6 =	sadd.s32 @!p0 s3, s7;
	s7 =	simm.s32 @!p0 $0x108  }
0x21: {  	s3 =	sadd.s32 s3, s9;
	s6 =	sadd.s32 @!p0 $0x88, s6;
	s7 =	simm.s32 @p2 $0x1082  }
0x22: {  	[simem:s7], [sflag:s8] =	dma.local @!p0 [hbm:s6], $0xF7A  }
0x23: {  	s9 =	sor.u32 $0xD0000000, s2;
	s6 =	simm.s32 $0x108;
	_ =	swait.ge @!p0 [sflag:s8], $0x0  }
0x24: {  	s3 =	sadd.s32 $0x88, s3;
	s6 =	simm.s32 @!p1 $0x1082;
	[sflag:s4] =	ssyncset.s32 $0xFFFFF086  }
0x25: {  	[simem:s6], [sflag:s4] =	dma.local [hbm:s3], $0xF7A  }
0x26: {  	[smem:$0x3F99] =	sst s1;
	(tag) =	ssettag s2;
	_ =	strace s9  }
0x27: {  	s1 =	sld [smem:$0x3FA9]  }
0x28: {  	s2 =	sld [smem:$0x3FAA]  }
0x29: {  	s4 =	sld [smem:$0x3FAC]  }
0x2a: {  	p0 =	seq.s32 s5, $0x0;
	s5 =	sld [smem:$0x3FAD]  }
0x2b: {  	s6 =	sld [smem:$0x3FAE]  }
0x2c: {  	s7 =	sld [smem:$0x3FAF]  }
0x2d: {  	s3 =	simm.s32 $0x108;
	s8 =	sld [smem:$0x3FB0]  }
0x2e: {  	s3 =	simm.s32 @!p0 $0x1082;
	s9 =	sld [smem:$0x3FB1]  }
0x2f: {  	lr =	sadd.s32 s0, s3;
	s0 =	sld [smem:$0x3FA8]  }
0x30: {  	s3 =	sld [smem:$0x3FAB]  }
0x31: {  	[smem:$0x3FB4] =	sst s10  }
0x32: {  	s10 =	sld [smem:$0x3FB2];
	_ =	sdelay $0x3  }
0x33: {  	p0 =	seq.s32 s10, $0x1;
	s10 =	sld [smem:$0x3FB4];
	_ =	sdelay $0x3  }
0x34: {  	[smem:$0x3FB4] =	sst s10  }
0x35: {  	s10 =	sld [smem:$0x3FB3];
	_ =	sdelay $0x3  }
0x36: {  	p1 =	seq.s32 s10, $0x1;
	s10 =	sld [smem:$0x3FB4];
	_ =	sdelay $0x3  }
0x37: {  	[smem:$0x3FB4] =	sst s10  }
0x38: {  	s10 =	sld [smem:$0x3FB5]  }
0x39: {  	_ = 	snop;
	(pc) =	sbr.ind lr, $3  }
0x3a: {  	_ = 	snop  }
0x3b: {  	_ = 	snop  }
0x3c: {  	p2 =	seq.s32 s10, $0x1;
	s10 =	sld [smem:$0x3FB4]  }
0x3d: {  	_ =	shalt  }
0x3e: {  	_ =	shalt  }
0x3f: {  	_ =	shalt  }
0x40: {  	_ =	shalt  }
0x41: {  	_ =	shalt  }
0x42: {  	_ =	shalt  }
0x43: {  	_ =	shalt  }
0x44: {  	_ =	shalt  }
0x45: {  	_ =	shalt  }
0x46: {  	_ =	shalt  }
0x47: {  	_ =	shalt  }
0x48: {  	_ =	shalt  }
0x49: {  	_ =	shalt  }
0x4a: {  	_ =	shalt  }
0x4b: {  	_ =	shalt  }
0x4c: {  	_ =	shalt  }
0x4d: {  	_ =	shalt  }
0x4e: {  	_ =	shalt  }
0x4f: {  	_ =	shalt  }
0x50: {  	_ =	shalt  }
0x51: {  	_ =	shalt  }
0x52: {  	_ =	shalt  }
0x53: {  	_ =	shalt  }
0x54: {  	_ =	shalt  }
0x55: {  	_ =	shalt  }
0x56: {  	_ =	shalt  }
0x57: {  	_ =	shalt  }
0x58: {  	_ =	shalt  }
0x59: {  	_ =	shalt  }
0x5a: {  	_ =	shalt  }
0x5b: {  	_ =	shalt  }
0x5c: {  	_ =	shalt  }
0x5d: {  	_ =	shalt  }
0x5e: {  	_ =	shalt  }
0x5f: {  	_ =	shalt  }
0x60: {  	_ =	shalt  }
0x61: {  	_ =	shalt  }
0x62: {  	_ =	shalt  }
0x63: {  	_ =	shalt  }
0x64: {  	_ =	shalt  }
0x65: {  	_ =	shalt  }
0x66: {  	_ =	shalt  }
0x67: {  	_ =	shalt  }
0x68: {  	_ =	shalt  }
0x69: {  	_ =	shalt  }
0x6a: {  	_ =	shalt  }
0x6b: {  	_ =	shalt  }
0x6c: {  	_ =	shalt  }
0x6d: {  	_ =	shalt  }
0x6e: {  	_ =	shalt  }
0x6f: {  	_ =	shalt  }
0x70: {  	_ =	shalt  }
0x71: {  	_ =	shalt  }
0x72: {  	_ =	shalt  }
0x73: {  	_ =	shalt  }
0x74: {  	_ =	shalt  }
0x75: {  	_ =	shalt  }
0x76: {  	_ =	shalt  }
0x77: {  	_ =	shalt  }
0x78: {  	_ =	shalt  }
0x79: {  	_ =	shalt  }
0x7a: {  	_ =	shalt  }
0x7b: {  	_ =	shalt  }
0x7c: {  	_ =	shalt  }
0x7d: {  	_ =	shalt  }
0x7e: {  	_ =	shalt  }
0x7f: {  	_ =	shalt  }
0x80: {  	_ =	shalt  }
0x81: {  	_ =	shalt  }
0x82: {  	_ =	shalt  }
0x83: {  	_ =	shalt  }
0x84: {  	_ =	shalt  }
0x85: {  	_ =	shalt  }
0x86: {  	_ =	shalt  }
0x87: {  	_ =	shalt  }
.Lfunc_end0:
.L_simem_size_0:
called_computation_lowered:
.L_overlay_start_0:
0x88: {  	s2 =	sld [smem:$0x3FD9]  }
0x89: {  	s3 =	sld [smem:$0x3FFE];
	_ =	sdelay $0x1  }
0x8a: {  	s1 =	srdreg.scid  }
0x8b: {  	s0 =	sand.u32 $0x1, s1  }
0x8c: {  	s17 =	sshll.u32 s0, $0xA;
	s2 =	sadd.s32 s3, s2  }
0x8d: {  	s2 =	sadd.s32 s2, s17  }
0x8e: {  	[smem:$0x3FC0] =	sst s2  }
0x8f: {  	_ = 	snop  }
0x90: {  	s2 =	sld [smem:$0x3FC7];
	(tm) =	ssettm $0x1  }
0x91: {  	s18 =	sld [smem:$0x3FFB];
	_ =	sdelay $0x3  }
0x92: {  	_ =	strace s18  }
0x93: {  	s3 =	sld [smem:$0x3FFC];
	_ =	sdelay $0x3  }
0x94: {  	_ =	strace s3  }
0x95: {  	s3 =	sld [smem:$0x3FFD];
	_ =	sdelay $0x3  }
0x96: {  	_ =	strace s3  }
0x97: {  	_ =	strace $0x8FFFFFFF  }
0x98: {  	s19 =	sld [smem:$0x3FDB];
	_ =	sdelay $0x1  }
0x99: {  	s4 =	simm.s32 $_scs_section_size  }
0x9a: {  	s5 =	simm.s32 $_size__tile_overlayer_lowered;
	s6 =	simm.s32 $_tile_overlayer_lowered  }
0x9b: {  	s22 =	simm.s32 $0x1BFF;
	s21 =	sshll.u32 s6, $0x1;
	s3 =	sadd.s32 s4, s19  }
0x9c: {  	s7 =	simm.s32 $0x0;
	s20 =	sshll.u32 s5, $0x1;
	s5 =	sadd.s32 s21, s3  }
0x9d: {  	[timem:s7], [sflag:s22] =	dma.local [hbm:s5], s20  }
0x9e: {  	_ =	swait.ge [sflag:s22], s20  }
0x9f: {  	s4 =	ssub.s32 $0x0, s20;
	[sflag:s22] =	ssyncset.done $0x0  }
0xa0: {  	[sflag:s22] =	ssyncadd.s32 s4;
	_ =	sdelay $0x1  }
0xa1: {  	s23 =	simm.s32 $0x1B8B  }
0xa2: {  	_ =	swait.ge [sflag:s23], $0x1  }
0xa3: {  	[sflag:s23] =	ssyncset.done $0x0  }
0xa4: {  	s25 =	simm.s32 $0x1B8E;
	s24 =	sld [smem:$0x3FFE];
	[sflag:s23] =	ssyncadd.s32 $0xFFFFFFFF  }
0xa5: {  	s26 =	simm.s32 $execute0_lowered;
	[smem:$0x3FD2] =	sst s25  }
0xa6: {  	s5 =	sshll.u32 s26, $0x1;
	_ =	strace $0x80000046;
	[dreg:$0x1] =	wrdreg $0xFFFFFFFF  }
0xa7: {  	s28 =	simm.s32 $_size_execute0_lowered;
	s3 =	sadd.s32 s3, s5;
	[dreg:$0x0] =	wrdreg $0x0  }
0xa8: {  	s5 =	sshll.u32 s28, $0x1;
	[dreg:$0x2] =	wrdreg s3  }
0xa9: {  	[dreg:$0x3] =	wrdreg s5  }
0xaa: {  	[dreg:$0x4] =	wrdreg $0xC0  }
0xab: {  	_ =	task [dreg:s7], $0x5FFFF  }
0xac: {  	[dreg:$0x1] =	wrdreg $0xFFFFFFFF  }
0xad: {  	[dreg:$0x0] =	wrdreg $0x60  }
0xae: {  	[dreg:$0x2] =	wrdreg s24  }
0xaf: {  	[dreg:$0x3] =	wrdreg s2  }
0xb0: {  	[dreg:$0x4] =	wrdreg $0x9  }
0xb1: {  	_ =	task.clear_ibuf [dreg:s7], $0x5FFFF;
	_ =	strace $0x90000046  }
0xb2: {  	s29 =	simm.s32 $0x9;
	_ =	strace $0x80000048  }
0xb3: {  	_ =	swait.ge [sflag:s29], $0x1  }
0xb4: {  	[sflag:s29] =	ssyncadd.s32 $0xFFFFFFFF  }
0xb5: {  	_ =	strace $0x90000048  }
0xb6: {  	_ =	sfence  }
0xb7: {  	s30 =	sld [smem:$0x0];
	_ =	sdelay $0x2  }
0xb8: {  	s31 =	sshll.u32 s1, $0xD;
	s1 =	sshrl.u32 s1, $0x2  }
0xb9: {  	s3 =	sand.u32 $0x4000, s31;
	s1 =	sadd.s32 s1, s30  }
0xba: {  	s0 =	sor.u32 s3, s0;
	s1 =	sshll.u32 s1, $0x11  }
0xbb: {  	s0 =	sor.u32 s1, s0  }
0xbc: {  	s0 =	sadd.s32 $0x8F2B, s0  }
0xbd: {  	[sflag:s0] =	ssyncadd.remote.s32 $0x1  }
0xbe: {  	_ =	sfence.sel $0xFFFF  }
0xbf: {  	[dreg:$0x0] =	wrdreg $0xFFFFFFFF;
	(pc) =	sbr.abs _section_cstart, $3  }
0xc0: {  	[dreg:$0x1] =	wrdreg $0xFFFFFFFF  }
0xc1: {  	_ =	task.clear_ibuf [dreg:s7], $0x2FFFF;
	_ =	strace $0x9FFFFFFF  }
0xc2: {  	(tm) =	ssettm $0x7FFFFFFF  }
0xc3: {  	_ =	shalt  }
tec
execute0_lowered:
.L_overlay_start_1:
0x0: {  	(tag) =	ssettag $0x1  }
0x1: {  	s1 =	srdreg.scid;
	s0 =	stileid.u32  }
0x2: {  	s15 =	rddreg [dreg:$0x0];
	s20 =	sand.u32 $0x1, s1;
	s30 =	sshll.u32 s0, $0x1  }
0x3: {  	s2 =	rddreg [dreg:$0x1];
	s16 =	sor.u32 s20, s30  }
0x4: {  	s3 =	simm.s32 $0x0;
	s1 =	rddreg [dreg:$0x2];
	s4 =	sshll.u32 s16, $0x6  }
0x5: {  	[smem:$0x7FF] =	sst s3;
	s4 =	sadd.s32 s4, s15  }
0x6: {  	_ =	strace $0x80000047;
	s5 =	sadd.s32 $0x1C00, s4;
	s4 =	simm.s32 $0x5  }
0x7: {  	[tilespmem:s3], [sflag:$0x5] =	stream.linear.gather [hbm4b:s5+s3], $0x200, $0x38;
	[tilespmem:$0xA200] =	vst v63  }
0x8: {  	_ =	swait.ge [sflag:s4], $0x200  }
0x9: {  	[sflag:s4] =	ssyncset.done $0x0  }
0xa: {  	s6 =	simm.s32 $0x50;
	s7 =	simm.s32 $0x200;
	[sflag:s4] =	ssyncadd.s32 $0xFFFFFE00  }
0xb: {  	[tilespmem:s7], [sflag:$0x1] =	stream.indirect.gather [hbm4b:s2+s6], $0x80, s3, s6, $0xb8;
	[tilespmem:$0xA200] =	vst v63  }
0xc: {  	s8 =	simm.s32 $0x80;
	s9 =	simm.s32 $0x2A00  }
0xd: {  	[tilespmem:s9], [sflag:$0x2] =	stream.indirect.gather [hbm4b:s2+s6], $0x80, s8, s6, $0xb8;
	[tilespmem:$0xA200] =	vst v63  }
0xe: {  	s10 =	simm.s32 $0x100;
	s11 =	simm.s32 $0x5200  }
0xf: {  	[tilespmem:s11], [sflag:$0x3] =	stream.indirect.gather [hbm4b:s2+s6], $0x80, s10, s6, $0xb8;
	[tilespmem:$0xA200] =	vst v63  }
0x10: {  	s12 =	simm.s32 $0x180;
	s13 =	simm.s32 $0x7A00;
	s14 =	simm.s32 $0x1  }
0x11: {  	[tilespmem:s13], [sflag:$0x4] =	stream.indirect.gather [hbm4b:s2+s6], $0x80, s12, s6, $0xb8;
	[tilespmem:$0xA200] =	vst v63  }
0x12: {  	s17 =	smul.u32 $0x1400, s16;
	_ =	swait.ge [sflag:s14], $0x2800  }
0x13: {  	s18 =	sadd.s32 $0x2400, s15;
	[sflag:s14] =	ssyncset.done $0x0  }
0x14: {  	s15 =	sadd.s32 s18, s17;
	[sflag:s14] =	ssyncadd.s32 $0xFFFFD800  }
0x15: {  	[hbm4b:s15+s3] =	stream.linear.scatter [tilespmem:s7], [sflag:$0x5], $0x2800, $0x38;
	[tilespmem:$0xA200] =	vst v63  }
0x16: {  	_ =	swait.ge [sflag:s4], $0x2800  }
0x17: {  	s31 =	smul.u32 $0xA000, s16;
	[sflag:s4] =	ssyncset.done $0x0  }
0x18: {  	s16 =	simm.s32 $0x2;
	[sflag:s4] =	ssyncadd.s32 $0xFFFFD800  }
0x19: {  	s17 =	sshrl.u32 s31, $0x3;
	_ =	swait.ge [sflag:s16], $0x2800  }
0x1a: {  	s21 =	sadd.s32 s18, s17;
	[sflag:s16] =	ssyncset.done $0x0  }
0x1b: {  	s17 =	sadd.s32 $0x500, s21;
	[sflag:s16] =	ssyncadd.s32 $0xFFFFD800  }
0x1c: {  	[hbm4b:s17+s3] =	stream.linear.scatter [tilespmem:s9], [sflag:$0x5], $0x2800, $0x38;
	[tilespmem:$0xA200] =	vst v63  }
0x1d: {  	_ =	swait.ge [sflag:s4], $0x2800  }
0x1e: {  	[sflag:s4] =	ssyncset.done $0x0  }
0x1f: {  	s18 =	simm.s32 $0x3;
	[sflag:s4] =	ssyncadd.s32 $0xFFFFD800  }
0x20: {  	_ =	swait.ge [sflag:s18], $0x2800  }
0x21: {  	[sflag:s18] =	ssyncset.done $0x0  }
0x22: {  	s22 =	ssub.s32 $0x2, s20;
	s19 =	sadd.s32 $0xA00, s21;
	[sflag:s18] =	ssyncadd.s32 $0xFFFFD800  }
0x23: {  	[hbm4b:s19+s3] =	stream.linear.scatter [tilespmem:s11], [sflag:$0x5], $0x2800, $0x38;
	[tilespmem:$0xA200] =	vst v63  }
0x24: {  	s23 =	sshrl.u32 s22, $0x1;
	_ =	swait.ge [sflag:s4], $0x2800  }
0x25: {  	s22 =	ssub.s32 s22, s23;
	[sflag:s4] =	ssyncset.done $0x0  }
0x26: {  	s20 =	simm.s32 $0x4;
	s22 =	smax.u32 s22, $0x1;
	[sflag:s4] =	ssyncadd.s32 $0xFFFFD800  }
0x27: {  	p0 =	sne.s32 s22, $0x1;
	_ =	swait.ge [sflag:s20], $0x2800  }
.Ltmp0:
0x28: {  	[sflag:s20] =	ssyncset.done $0x0;
	(pc) =	sbr.rel @!p0 .LBB2_2-.Ltmp0, $4  }
0x29: {  	s21 =	sadd.s32 $0xF00, s21;
	[sflag:s20] =	ssyncadd.s32 $0xFFFFD800  }
0x2a: {  	[hbm4b:s21+s3] =	stream.linear.scatter [tilespmem:s13], [sflag:$0x5], $0x2800, $0x38;
	[tilespmem:$0xA200] =	vst v63  }
0x2b: {  	_ =	swait.ge [sflag:s4], $0x2800  }
0x2c: {  	s22 =	sadd.s32 $0xFFFFFFFF, s22;
	[sflag:s4] =	ssyncset.done $0x0  }
.LBB2_1:
0x2d: {  	p0 =	sne.s32 s22, $0x1;
	s22 =	sadd.s32 $0xFFFFFFFF, s22;
	[sflag:s4] =	ssyncadd.s32 $0xFFFFD800  }
0x2e: {  	[tilespmem:s3], [sflag:$0x5] =	stream.linear.gather [hbm4b:s5+s3], $0x200, $0x38;
	[tilespmem:$0xA200] =	vst v63  }
0x2f: {  	_ =	swait.ge [sflag:s4], $0x200  }
0x30: {  	[sflag:s4] =	ssyncset.done $0x0  }
0x31: {  	[sflag:s4] =	ssyncadd.s32 $0xFFFFFE00  }
0x32: {  	[tilespmem:s7], [sflag:$0x1] =	stream.indirect.gather [hbm4b:s2+s6], $0x80, s3, s6, $0xb8;
	[tilespmem:$0xA200] =	vst v63  }
0x33: {  	_ = 	snop  }
0x34: {  	[tilespmem:s9], [sflag:$0x2] =	stream.indirect.gather [hbm4b:s2+s6], $0x80, s8, s6, $0xb8;
	[tilespmem:$0xA200] =	vst v63  }
0x35: {  	_ = 	snop  }
0x36: {  	[tilespmem:s11], [sflag:$0x3] =	stream.indirect.gather [hbm4b:s2+s6], $0x80, s10, s6, $0xb8;
	[tilespmem:$0xA200] =	vst v63  }
0x37: {  	_ = 	snop  }
0x38: {  	[tilespmem:s13], [sflag:$0x4] =	stream.indirect.gather [hbm4b:s2+s6], $0x80, s12, s6, $0xb8;
	[tilespmem:$0xA200] =	vst v63  }
0x39: {  	_ =	swait.ge [sflag:s14], $0x2800  }
0x3a: {  	[sflag:s14] =	ssyncset.done $0x0  }
0x3b: {  	[sflag:s14] =	ssyncadd.s32 $0xFFFFD800  }
0x3c: {  	[hbm4b:s15+s3] =	stream.linear.scatter [tilespmem:s7], [sflag:$0x5], $0x2800, $0x38;
	[tilespmem:$0xA200] =	vst v63  }
0x3d: {  	_ =	swait.ge [sflag:s4], $0x2800  }
0x3e: {  	[sflag:s4] =	ssyncset.done $0x0  }
0x3f: {  	[sflag:s4] =	ssyncadd.s32 $0xFFFFD800  }
0x40: {  	_ =	swait.ge [sflag:s16], $0x2800  }
0x41: {  	[sflag:s16] =	ssyncset.done $0x0  }
0x42: {  	[sflag:s16] =	ssyncadd.s32 $0xFFFFD800  }
0x43: {  	[hbm4b:s17+s3] =	stream.linear.scatter [tilespmem:s9], [sflag:$0x5], $0x2800, $0x38;
	[tilespmem:$0xA200] =	vst v63  }
0x44: {  	_ =	swait.ge [sflag:s4], $0x2800  }
0x45: {  	[sflag:s4] =	ssyncset.done $0x0  }
0x46: {  	[sflag:s4] =	ssyncadd.s32 $0xFFFFD800  }
0x47: {  	_ =	swait.ge [sflag:s18], $0x2800  }
0x48: {  	[sflag:s18] =	ssyncset.done $0x0  }
0x49: {  	[sflag:s18] =	ssyncadd.s32 $0xFFFFD800  }
0x4a: {  	[hbm4b:s19+s3] =	stream.linear.scatter [tilespmem:s11], [sflag:$0x5], $0x2800, $0x38;
	[tilespmem:$0xA200] =	vst v63  }
0x4b: {  	_ =	swait.ge [sflag:s4], $0x2800  }
0x4c: {  	[sflag:s4] =	ssyncset.done $0x0  }
0x4d: {  	[sflag:s4] =	ssyncadd.s32 $0xFFFFD800  }
0x4e: {  	_ =	swait.ge [sflag:s20], $0x2800  }
.Ltmp1:
0x4f: {  	[sflag:s20] =	ssyncset.done $0x0;
	(pc) =	sbr.rel @p0 .LBB2_1-.Ltmp1, $4  }
0x50: {  	[sflag:s20] =	ssyncadd.s32 $0xFFFFD800  }
0x51: {  	[hbm4b:s21+s3] =	stream.linear.scatter [tilespmem:s13], [sflag:$0x5], $0x2800, $0x38;
	[tilespmem:$0xA200] =	vst v63  }
0x52: {  	_ =	swait.ge [sflag:s4], $0x2800  }
0x53: {  	[sflag:s4] =	ssyncset.done $0x0  }
.LBB2_2:
0x54: {  	[sflag:s4] =	ssyncadd.s32 $0xFFFFD800  }
0x55: {  	_ =	sfence.sel $0x180000  }
0x56: {  	[bflag:$0x0] =	sbarrier.arrive $0xFFFF  }
0x57: {  	p0 =	sne.s32 s0, $0x0;
	_ =	strace $0x90000047  }
0x58: {  	s0 =	sadd.s32 @!p0 $0x100000, s1;
	[bflag:$0x2] =	sbarrier.arrive $0xFFFF  }
0x59: {  	[sflag:s0] =	ssyncadd.tile.s32 @!p0 $0x1;
	_ =	shalt  }
.Lfunc_end2:
_tile_overlayer_lowered:
.L_overlay_start_2:
0x5a: {  	(tag) =	ssettag $0x2  }
0x5b: {  	s0 =	rddreg [dreg:$0x0];
	s2 =	stileid.u32  }
0x5c: {  	s1 =	rddreg [dreg:$0x1];
	p0 =	sne.s32 s2, $0x0  }
0x5d: {  	s3 =	rddreg [dreg:$0x2];
	[bflag:$0x3] =	sbarrier.arrive $0xFFFF;
	s2 =	simm.s32 @!p0 $0x1C05  }
0x5e: {  	[timem:s3], [sflag:s2] =	dma.local @!p0 [hbm:s0], s1  }
0x5f: {  	s0 =	simm.s32 @!p0 $0x5  }
0x60: {  	_ =	swait.ge @!p0 [sflag:s0], s1  }
0x61: {  	s1 =	ssub.s32 @!p0 $0x0, s1;
	[sflag:s0] =	ssyncset.done @!p0 $0x0  }
0x62: {  	[sflag:s0] =	ssyncadd.s32 @!p0 s1  }
0x63: {  	[bflag:$0x3] =	sbarrier.arrive $0xFFFF  }
0x64: {  	_ =	shalt  }

</sc_bundles>
